<compile_context>
chip_gen: v7x
topology: tpu7x:2x2x1
jax: 0.10.2.dev20260603
libtpu: 0.0.44.dev20260713+nightly
codegen_flags: <defaults>
</compile_context>

<pallas_src>
import functools

import jax
import jax.numpy as jnp
from jax import lax
from jax.experimental import pallas as pl
from jax.experimental.pallas import tpu as pltpu
from jax.experimental.pallas import tpu_sc as plsc

N = 2048
D = 768
H = 1536
E = 64
TM = 128
G = 96
GR = G * TM
NW = 32
CP = (2 * N) // NW
CT = N // NW
CHUNK = 256
CPH = CP // 2


def _tril_strict(n):
    r = lax.broadcasted_iota(jnp.int32, (n, n), 0)
    c = lax.broadcasted_iota(jnp.int32, (n, n), 1)
    return jnp.where(r > c, 1.0, 0.0).astype(jnp.float32)


def _triu_strict(n):
    r = lax.broadcasted_iota(jnp.int32, (n, n), 0)
    c = lax.broadcasted_iota(jnp.int32, (n, n), 1)
    return jnp.where(r < c, 1.0, 0.0).astype(jnp.float32)


def _meta_body(x_ref, gw_ref, rows_ref, pw_ref, te_ref):
    xx = x_ref[...]
    logits = jnp.dot(xx, gw_ref[...], preferred_element_type=jnp.float32)
    ii = lax.broadcasted_iota(jnp.int32, (N, E), 1)
    big = jnp.int32(1 << 30)
    m1 = jnp.max(logits, axis=1, keepdims=True)
    a1 = jnp.min(jnp.where(logits == m1, ii, big), axis=1, keepdims=True)
    l2 = jnp.where(ii == a1, jnp.float32(-1e30), logits)
    m2 = jnp.max(l2, axis=1, keepdims=True)
    a2 = jnp.min(jnp.where(l2 == m2, ii, big), axis=1, keepdims=True)
    r = jnp.exp(m2 - m1)
    w_top1 = 1.0 / (1.0 + r)
    w_top2 = r / (1.0 + r)
    e1 = (ii == a1).astype(jnp.float32)
    e2 = (ii == a2).astype(jnp.float32)
    onehot = jnp.concatenate([e1, e2], axis=0)
    l128 = _tril_strict(CHUNK)
    nchunk = (2 * N) // CHUNK
    parts = []
    sums = []
    for c in range(nchunk):
        chunk = onehot[c * CHUNK:(c + 1) * CHUNK]
        parts.append(jnp.dot(l128, chunk, preferred_element_type=jnp.float32))
        sums.append(jnp.sum(chunk, axis=0, keepdims=True))
    s = jnp.concatenate(sums, axis=0)
    p = jnp.dot(_tril_strict(nchunk), s, preferred_element_type=jnp.float32)
    rank = jnp.concatenate(
        [parts[c] + p[c:c + 1] for c in range(nchunk)], axis=0)
    cnt = jnp.sum(s, axis=0, keepdims=True)
    cpad = jnp.floor((cnt + (TM - 1.0)) * (1.0 / TM)) * TM
    off = jnp.dot(cpad, _triu_strict(E), preferred_element_type=jnp.float32)
    rank_p = jnp.sum(rank * onehot, axis=1, keepdims=True)
    off_p = jnp.sum(off * onehot, axis=1, keepdims=True)
    rows_ref[...] = (rank_p + off_p).astype(jnp.int32)
    pw_ref[...] = jnp.concatenate([w_top1, w_top2], axis=0)
    ti = lax.broadcasted_iota(jnp.int32, (G, E), 0).astype(jnp.float32)
    offt = off * (1.0 / TM)
    nt = cpad * (1.0 / TM)
    ind = jnp.where((ti >= offt) & (ti < offt + nt), 1.0, 0.0)
    ee = lax.broadcasted_iota(jnp.int32, (G, E), 1).astype(jnp.float32)
    has = jnp.where(cpad > 0.0, 1.0, 0.0)
    emax = jnp.max(ee[0:1] * has, axis=1, keepdims=True)
    used = jnp.sum(nt, axis=1, keepdims=True)
    anyt = jnp.sum(ind, axis=1, keepdims=True)
    teval = jnp.sum(ind * ee, axis=1, keepdims=True) + (1.0 - anyt) * emax
    te_ref[0:G] = teval.astype(jnp.int32)
    te_ref[G:G + 8] = jnp.broadcast_to(used, (8, 1)).astype(jnp.int32)


def _run_meta(x2, gate_W, interpret=False):
    rows, pw, te = pl.pallas_call(
        _meta_body,
        out_shape=[
            jax.ShapeDtypeStruct((2 * N, 1), jnp.int32),
            jax.ShapeDtypeStruct((2 * N, 1), jnp.float32),
            jax.ShapeDtypeStruct((G + 8, 1), jnp.int32),
        ],
        interpret=interpret,
    )(x2, gate_W)
    return rows.reshape(2 * N), pw.reshape(2 * N), te.reshape(G + 8)


def _gmm_body(te_ref, a_ref, w1_ref, b1_ref, w2_ref, b2_ref, y_ref):
    @pl.when(pl.program_id(0) < te_ref[G])
    def _():
        a = a_ref[...]
        h = (jnp.dot(a, w1_ref[0], preferred_element_type=jnp.float32,
                     precision=lax.Precision.DEFAULT)
             + b1_ref[0])
        h = 0.5 * h * (1.0 + lax.erf(h * 0.7071067811865476))
        y_ref[...] = (
            jnp.dot(h, w2_ref[0], preferred_element_type=jnp.float32,
                    precision=lax.Precision.DEFAULT)
            + b2_ref[0])


def _run_gmm(te, a, w1, b1, w2, b2, interpret=False):
    grid_spec = pltpu.PrefetchScalarGridSpec(
        num_scalar_prefetch=1,
        grid=(G,),
        in_specs=[
            pl.BlockSpec((TM, D), lambda i, te: (jnp.minimum(i, te[G] - 1), 0)),
            pl.BlockSpec((1, D, H), lambda i, te: (te[i], 0, 0)),
            pl.BlockSpec((1, 1, H), lambda i, te: (te[i], 0, 0)),
            pl.BlockSpec((1, H, D), lambda i, te: (te[i], 0, 0)),
            pl.BlockSpec((1, 1, D), lambda i, te: (te[i], 0, 0)),
        ],
        out_specs=pl.BlockSpec(
            (TM, D), lambda i, te: (jnp.minimum(i, te[G] - 1), 0)),
    )
    return pl.pallas_call(
        _gmm_body,
        grid_spec=grid_spec,
        out_shape=jax.ShapeDtypeStruct((GR, D), jnp.float32),
        interpret=interpret,
    )(te, a, w1, b1, w2, b2)


def _make_dispatch():
    mesh = plsc.VectorSubcoreMesh(core_axis_name="c", subcore_axis_name="s")

    @functools.partial(
        pl.kernel,
        mesh=mesh,
        out_type=jax.ShapeDtypeStruct((GR, D), jnp.float32),
        scratch_types=[
            pltpu.VMEM((CP,), jnp.int32),
            pltpu.VMEM((CPH,), jnp.int32),
            pltpu.VMEM((CPH,), jnp.int32),
            pltpu.VMEM((CPH, D), jnp.float32),
            pltpu.VMEM((CPH, D), jnp.float32),
            pltpu.SemaphoreType.DMA,
            pltpu.SemaphoreType.DMA,
            pltpu.SemaphoreType.DMA,
            pltpu.SemaphoreType.DMA,
            pltpu.SemaphoreType.DMA,
            pltpu.SemaphoreType.DMA,
            pltpu.SemaphoreType.DMA,
        ],
    )
    def dispatch(x_hbm, tok_hbm, rows_hbm, a_hbm,
                 tok_v, rows_v0, rows_v1, buf_a, buf_b,
                 st, sr0, sr1, g0, g1, w0s, w1s):
        wid = lax.axis_index("s") * 2 + lax.axis_index("c")
        base = wid * CP
        ct = pltpu.async_copy(tok_hbm.at[pl.ds(base, CP)], tok_v, st)
        cr0 = pltpu.async_copy(rows_hbm.at[pl.ds(base, CPH)], rows_v0, sr0)
        cr1 = pltpu.async_copy(
            rows_hbm.at[pl.ds(base + CPH, CPH)], rows_v1, sr1)
        ct.wait()
        cg0 = pltpu.async_copy(x_hbm.at[tok_v.at[pl.ds(0, CPH)]], buf_a, g0)
        cg1 = pltpu.async_copy(x_hbm.at[tok_v.at[pl.ds(CPH, CPH)]], buf_b, g1)
        cg0.wait()
        cr0.wait()
        cs0 = pltpu.async_copy(buf_a, a_hbm.at[rows_v0], w0s)
        cg1.wait()
        cr1.wait()
        cs1 = pltpu.async_copy(buf_b, a_hbm.at[rows_v1], w1s)
        cs0.wait()
        cs1.wait()

    return dispatch


def _make_combine():
    mesh = plsc.VectorSubcoreMesh(core_axis_name="c", subcore_axis_name="s")

    @functools.partial(
        pl.kernel,
        mesh=mesh,
        out_type=jax.ShapeDtypeStruct((N, D), jnp.float32),
        scratch_types=[
            pltpu.VMEM((CT,), jnp.int32),
            pltpu.VMEM((CT,), jnp.int32),
            pltpu.VMEM((CT, 16), jnp.float32),
            pltpu.VMEM((CT, 16), jnp.float32),
            pltpu.VMEM((CT, D), jnp.float32),
            pltpu.VMEM((CT, D), jnp.float32),
            pltpu.SemaphoreType.DMA,
            pltpu.SemaphoreType.DMA,
            pltpu.SemaphoreType.DMA,
            pltpu.SemaphoreType.DMA,
            pltpu.SemaphoreType.DMA,
            pltpu.SemaphoreType.DMA,
        ],
    )
    def combine(y_hbm, rows_hbm, pwrep_hbm, out_hbm,
                idx0, idx1, pw0, pw1, buf0, buf1,
                s0, s1, si0, si1, sp0, sp1):
        wid = lax.axis_index("s") * 2 + lax.axis_index("c")
        base = wid * CT
        ci0 = pltpu.async_copy(rows_hbm.at[pl.ds(base, CT)], idx0, si0)
        ci1 = pltpu.async_copy(rows_hbm.at[pl.ds(N + base, CT)], idx1, si1)
        cp0 = pltpu.async_copy(pwrep_hbm.at[pl.ds(base, CT)], pw0, sp0)
        cp1 = pltpu.async_copy(pwrep_hbm.at[pl.ds(N + base, CT)], pw1, sp1)
        ci0.wait()
        ci1.wait()
        cg0 = pltpu.async_copy(y_hbm.at[idx0], buf0, s0)
        cg1 = pltpu.async_copy(y_hbm.at[idx1], buf1, s1)
        cp0.wait()
        cp1.wait()
        cg0.wait()
        cg1.wait()

        def tok_body(i, carry):
            w0 = pw0[i, pl.ds(0, 16)]
            w1v = pw1[i, pl.ds(0, 16)]
            for j in range(D // 16):
                sl = pl.ds(j * 16, 16)
                buf0[i, sl] = buf0[i, sl] * w0 + buf1[i, sl] * w1v
            return carry

        lax.fori_loop(0, CT, tok_body, 0)
        pltpu.sync_copy(buf0, out_hbm.at[pl.ds(base, CT)])

    return combine


_make_dispatch = functools.cache(_make_dispatch)
_make_combine = functools.cache(_make_combine)


def kernel(x, gate_W, w1, b1, w2, b2):
    x2 = x.reshape(N, D)
    rows, pw, te = _run_meta(x2, gate_W)
    tok = jnp.concatenate([jnp.arange(N, dtype=jnp.int32)] * 2)
    pwrep = jnp.broadcast_to(pw[:, None], (2 * N, 16))
    a = _make_dispatch()(x2, tok, rows)
    y = _run_gmm(te, a, w1, b1, w2, b2)
    out = _make_combine()(y, rows, pwrep)
    return out.reshape(1, N, D)

# --- scband reference (transcript-rebuilt; emitter-appended) ---
"""Pipeline reference for scband-mo-effn-18820546691238 (READ-ONLY COPY).

The authoritative reference and input builder live on the scoring server;
editing this copy changes nothing except your own understanding.
"""

import jax, jax.numpy as jnp
import numpy as np

B, T, D_MODEL, D_HID, E, K = 1, 2048, 768, 1536, 64, 2

def setup_inputs(seed: int = 0) -> dict:
    key = jax.random.key(seed)
    ks = jax.random.split(key, 5)
    x = jax.random.normal(ks[0], (B, T, D_MODEL), dtype=jnp.float32)
    gate_W = jax.random.normal(ks[1], (D_MODEL, E), dtype=jnp.float32) * 0.02
    w1 = jax.random.normal(ks[2], (E, D_MODEL, D_HID), dtype=jnp.float32) * 0.02
    b1 = jnp.zeros((E, 1, D_HID), dtype=jnp.float32)
    w2 = jax.random.normal(ks[3], (E, D_HID, D_MODEL), dtype=jnp.float32) * 0.02
    b2 = jnp.zeros((E, 1, D_MODEL), dtype=jnp.float32)
    return {"x": x, "gate_W": gate_W, "w1": w1, "b1": b1, "w2": w2, "b2": b2}

def reference(x, gate_W, w1, b1, w2, b2):
    Bb, Tt, D = x.shape
    Ee = w1.shape[0]
    Kk = K
    x_flat = x.reshape(-1, D)
    N = x_flat.shape[0]
    # TopKRouter
    router_logits = x_flat @ gate_W
    scores = jax.nn.softmax(router_logits, axis=-1)
    top_k_weights, top_k_indices = jax.lax.top_k(scores, Kk)
    top_k_weights = top_k_weights / jnp.sum(top_k_weights, axis=-1, keepdims=True)
    # padded-bmm dropless dispatch (fallback backend)
    flat_token_idx = jnp.repeat(jnp.arange(N, dtype=jnp.int32), Kk)
    flat_experts = top_k_indices.reshape(-1)
    flat_weights = top_k_weights.reshape(-1)
    M = N * Kk
    sort_idx = jnp.argsort(flat_experts)
    sorted_token_idx = flat_token_idx[sort_idx]
    sorted_experts = flat_experts[sort_idx]
    sorted_weights = flat_weights[sort_idx]
    expert_counts = jnp.bincount(sorted_experts, length=Ee)
    max_tokens = M  # static worst-case capacity; padding slots carry zero weight
    offsets = jnp.concatenate([jnp.zeros((1,), expert_counts.dtype), jnp.cumsum(expert_counts)[:-1]])
    positions = jnp.arange(M) - offsets[sorted_experts]
    padded_tokens = jnp.zeros((Ee, max_tokens, D), x.dtype).at[sorted_experts, positions].set(x_flat[sorted_token_idx])
    padded_weights = jnp.zeros((Ee, max_tokens), x.dtype).at[sorted_experts, positions].set(sorted_weights)
    padded_out_idx = jnp.zeros((Ee, max_tokens), jnp.int32).at[sorted_experts, positions].set(sorted_token_idx)
    h = jnp.einsum('emd,edh->emh', padded_tokens, w1) + b1
    h = jax.nn.gelu(h, approximate=False)
    expert_out = jnp.einsum('emh,ehd->emd', h, w2) + b2
    expert_out = expert_out * padded_weights[..., None]
    output = jnp.zeros((N, D), x.dtype).at[padded_out_idx.reshape(-1)].add(expert_out.reshape(-1, D))
    return output.reshape(Bb, Tt, D)

if __name__ == "__main__":
    import jax
    _d = setup_inputs()
    print(jax.jit(kernel)(*tuple(_d.values())))

</pallas_src>

<mosaic_0001>
#map = affine_map<(d0, d1) -> (0, 0)>
#map1 = affine_map<(d0, d1) -> (0)>
module attributes {stable_mosaic.version = 14 : i64} {
  func.func @dispatch(%arg0: i32, %arg1: i32, %arg2: memref<2048x768xf32, #tpu.memory_space<hbm>>, %arg3: memref<4096xi32, #tpu.memory_space<hbm>>, %arg4: memref<4096xi32, #tpu.memory_space<hbm>>, %arg5: memref<12288x768xf32, #tpu.memory_space<hbm>>, %arg6: memref<128xi32, #tpu.memory_space<vmem>>, %arg7: memref<64xi32, #tpu.memory_space<vmem>>, %arg8: memref<64xi32, #tpu.memory_space<vmem>>, %arg9: memref<64x768xf32, #tpu.memory_space<vmem>>, %arg10: memref<64x768xf32, #tpu.memory_space<vmem>>, %arg11: memref<!tpu.dma_semaphore, #tpu.memory_space<semaphore_mem>>, %arg12: memref<!tpu.dma_semaphore, #tpu.memory_space<semaphore_mem>>, %arg13: memref<!tpu.dma_semaphore, #tpu.memory_space<semaphore_mem>>, %arg14: memref<!tpu.dma_semaphore, #tpu.memory_space<semaphore_mem>>, %arg15: memref<!tpu.dma_semaphore, #tpu.memory_space<semaphore_mem>>, %arg16: memref<!tpu.dma_semaphore, #tpu.memory_space<semaphore_mem>>, %arg17: memref<!tpu.dma_semaphore, #tpu.memory_space<semaphore_mem>>) attributes {dimension_semantics = [#tpu.dimension_semantics<core_parallel>, #tpu.dimension_semantics<subcore_parallel>], iteration_bounds = array<i64: 2, 16>, scalar_prefetch = 0 : i64, scratch_operands = 12 : i64, tpu.core_type = #tpu.core_type<sc_vector_subcore>, window_params = [{transform_indices = #map}, {transform_indices = #map1}, {transform_indices = #map1}, {transform_indices = #map}]} {
    %mul3A = arith.constant 2 : i32
    %mul3A_0 = arith.muli %arg1, %mul3A : i32
    %add3A = arith.addi %mul3A_0, %arg0 : i32
    %mul3A_1 = arith.constant 128 : i32
    %mul3A_2 = arith.muli %add3A, %mul3A_1 : i32
    %dma_start3A = tpu.memref_slice %arg3[%mul3A_2] : memref<4096xi32, #tpu.memory_space<hbm>> -> memref<128xi32, #tpu.memory_space<hbm>>
    %dma_start3A_3 = tpu.memref_slice %arg3[%mul3A_2] : memref<4096xi32, #tpu.memory_space<hbm>> -> memref<128xi32, #tpu.memory_space<hbm>>
    tpu.enqueue_dma source(%dma_start3A_3 : memref<128xi32, #tpu.memory_space<hbm>>) target(%arg6 : memref<128xi32, #tpu.memory_space<vmem>>) target_semaphore(%arg11 : memref<!tpu.dma_semaphore, #tpu.memory_space<semaphore_mem>>)
    %dma_start3A_4 = tpu.memref_slice %arg4[%mul3A_2] : memref<4096xi32, #tpu.memory_space<hbm>> -> memref<64xi32, #tpu.memory_space<hbm>>
    %dma_start3A_5 = tpu.memref_slice %arg4[%mul3A_2] : memref<4096xi32, #tpu.memory_space<hbm>> -> memref<64xi32, #tpu.memory_space<hbm>>
    tpu.enqueue_dma source(%dma_start3A_5 : memref<64xi32, #tpu.memory_space<hbm>>) target(%arg7 : memref<64xi32, #tpu.memory_space<vmem>>) target_semaphore(%arg12 : memref<!tpu.dma_semaphore, #tpu.memory_space<semaphore_mem>>)
    %add3A_6 = arith.constant 64 : i32
    %add3A_7 = arith.addi %mul3A_2, %add3A_6 : i32
    %dma_start3A_8 = tpu.memref_slice %arg4[%add3A_7] : memref<4096xi32, #tpu.memory_space<hbm>> -> memref<64xi32, #tpu.memory_space<hbm>>
    %dma_start3A_9 = tpu.memref_slice %arg4[%add3A_7] : memref<4096xi32, #tpu.memory_space<hbm>> -> memref<64xi32, #tpu.memory_space<hbm>>
    tpu.enqueue_dma source(%dma_start3A_9 : memref<64xi32, #tpu.memory_space<hbm>>) target(%arg8 : memref<64xi32, #tpu.memory_space<vmem>>) target_semaphore(%arg13 : memref<!tpu.dma_semaphore, #tpu.memory_space<semaphore_mem>>)
    %dma_wait3A = tpu.memref_slice %arg3[%mul3A_2] : memref<4096xi32, #tpu.memory_space<hbm>> -> memref<128xi32, #tpu.memory_space<hbm>>
    %dma_wait3A_10 = tpu.memref_slice %arg3[%mul3A_2] : memref<4096xi32, #tpu.memory_space<hbm>> -> memref<128xi32, #tpu.memory_space<hbm>>
    tpu.wait_dma2 semaphore(%arg11 : memref<!tpu.dma_semaphore, #tpu.memory_space<semaphore_mem>>) src(%dma_wait3A_10 : memref<128xi32, #tpu.memory_space<hbm>>) dst(%arg6 : memref<128xi32, #tpu.memory_space<vmem>>)
    %dma_start3A_11 = arith.constant 0 : i32
    %dma_start3A_12 = tpu.memref_slice %arg6[%dma_start3A_11] : memref<128xi32, #tpu.memory_space<vmem>> -> memref<64xi32, #tpu.memory_space<vmem>>
    %dma_start3A_13 = arith.constant 0 : i32
    %dma_start3A_14 = arith.constant 0 : i32
    %dma_start3A_15 = tpu.memref_slice %arg2[%dma_start3A_13, %dma_start3A_14] : memref<2048x768xf32, #tpu.memory_space<hbm>> -> memref<2048x768xf32, #tpu.memory_space<hbm>>
    tpu.enqueue_indirect_dma source(%dma_start3A_15 : memref<2048x768xf32, #tpu.memory_space<hbm>>) target(%arg9 : memref<64x768xf32, #tpu.memory_space<vmem>>) offsets(%dma_start3A_12 : memref<64xi32, #tpu.memory_space<vmem>>) semaphore(%arg14 : memref<!tpu.dma_semaphore, #tpu.memory_space<semaphore_mem>>)
    %dma_start3A_16 = arith.constant 64 : i32
    %dma_start3A_17 = tpu.memref_slice %arg6[%dma_start3A_16] : memref<128xi32, #tpu.memory_space<vmem>> -> memref<64xi32, #tpu.memory_space<vmem>>
    %dma_start3A_18 = arith.constant 0 : i32
    %dma_start3A_19 = arith.constant 0 : i32
    %dma_start3A_20 = tpu.memref_slice %arg2[%dma_start3A_18, %dma_start3A_19] : memref<2048x768xf32, #tpu.memory_space<hbm>> -> memref<2048x768xf32, #tpu.memory_space<hbm>>
    tpu.enqueue_indirect_dma source(%dma_start3A_20 : memref<2048x768xf32, #tpu.memory_space<hbm>>) target(%arg10 : memref<64x768xf32, #tpu.memory_space<vmem>>) offsets(%dma_start3A_17 : memref<64xi32, #tpu.memory_space<vmem>>) semaphore(%arg15 : memref<!tpu.dma_semaphore, #tpu.memory_space<semaphore_mem>>)
    %dma_wait3A_21 = arith.constant 0 : i32
    %dma_wait3A_22 = tpu.memref_slice %arg6[%dma_wait3A_21] : memref<128xi32, #tpu.memory_space<vmem>> -> memref<64xi32, #tpu.memory_space<vmem>>
    %dma_wait3A_23 = arith.constant 0 : i32
    %dma_wait3A_24 = arith.constant 0 : i32
    %dma_wait3A_25 = tpu.memref_slice %arg2[%dma_wait3A_23, %dma_wait3A_24] : memref<2048x768xf32, #tpu.memory_space<hbm>> -> memref<2048x768xf32, #tpu.memory_space<hbm>>
    tpu.wait_indirect_dma semaphore(%arg14 : memref<!tpu.dma_semaphore, #tpu.memory_space<semaphore_mem>>) src(%dma_wait3A_25 : memref<2048x768xf32, #tpu.memory_space<hbm>>) dst(%arg9 : memref<64x768xf32, #tpu.memory_space<vmem>>)
    %dma_wait3A_26 = tpu.memref_slice %arg4[%mul3A_2] : memref<4096xi32, #tpu.memory_space<hbm>> -> memref<64xi32, #tpu.memory_space<hbm>>
    %dma_wait3A_27 = tpu.memref_slice %arg4[%mul3A_2] : memref<4096xi32, #tpu.memory_space<hbm>> -> memref<64xi32, #tpu.memory_space<hbm>>
    tpu.wait_dma2 semaphore(%arg12 : memref<!tpu.dma_semaphore, #tpu.memory_space<semaphore_mem>>) src(%dma_wait3A_27 : memref<64xi32, #tpu.memory_space<hbm>>) dst(%arg7 : memref<64xi32, #tpu.memory_space<vmem>>)
    %dma_start3A_28 = arith.constant 0 : i32
    %dma_start3A_29 = arith.constant 0 : i32
    %dma_start3A_30 = tpu.memref_slice %arg5[%dma_start3A_28, %dma_start3A_29] : memref<12288x768xf32, #tpu.memory_space<hbm>> -> memref<12288x768xf32, #tpu.memory_space<hbm>>
    tpu.enqueue_indirect_dma source(%arg9 : memref<64x768xf32, #tpu.memory_space<vmem>>) target(%dma_start3A_30 : memref<12288x768xf32, #tpu.memory_space<hbm>>) offsets(%arg7 : memref<64xi32, #tpu.memory_space<vmem>>) semaphore(%arg16 : memref<!tpu.dma_semaphore, #tpu.memory_space<semaphore_mem>>)
    %dma_wait3A_31 = arith.constant 64 : i32
    %dma_wait3A_32 = tpu.memref_slice %arg6[%dma_wait3A_31] : memref<128xi32, #tpu.memory_space<vmem>> -> memref<64xi32, #tpu.memory_space<vmem>>
    %dma_wait3A_33 = arith.constant 0 : i32
    %dma_wait3A_34 = arith.constant 0 : i32
    %dma_wait3A_35 = tpu.memref_slice %arg2[%dma_wait3A_33, %dma_wait3A_34] : memref<2048x768xf32, #tpu.memory_space<hbm>> -> memref<2048x768xf32, #tpu.memory_space<hbm>>
    tpu.wait_indirect_dma semaphore(%arg15 : memref<!tpu.dma_semaphore, #tpu.memory_space<semaphore_mem>>) src(%dma_wait3A_35 : memref<2048x768xf32, #tpu.memory_space<hbm>>) dst(%arg10 : memref<64x768xf32, #tpu.memory_space<vmem>>)
    %dma_wait3A_36 = tpu.memref_slice %arg4[%add3A_7] : memref<4096xi32, #tpu.memory_space<hbm>> -> memref<64xi32, #tpu.memory_space<hbm>>
    %dma_wait3A_37 = tpu.memref_slice %arg4[%add3A_7] : memref<4096xi32, #tpu.memory_space<hbm>> -> memref<64xi32, #tpu.memory_space<hbm>>
    tpu.wait_dma2 semaphore(%arg13 : memref<!tpu.dma_semaphore, #tpu.memory_space<semaphore_mem>>) src(%dma_wait3A_37 : memref<64xi32, #tpu.memory_space<hbm>>) dst(%arg8 : memref<64xi32, #tpu.memory_space<vmem>>)
    %dma_start3A_38 = arith.constant 0 : i32
    %dma_start3A_39 = arith.constant 0 : i32
    %dma_start3A_40 = tpu.memref_slice %arg5[%dma_start3A_38, %dma_start3A_39] : memref<12288x768xf32, #tpu.memory_space<hbm>> -> memref<12288x768xf32, #tpu.memory_space<hbm>>
    tpu.enqueue_indirect_dma source(%arg10 : memref<64x768xf32, #tpu.memory_space<vmem>>) target(%dma_start3A_40 : memref<12288x768xf32, #tpu.memory_space<hbm>>) offsets(%arg8 : memref<64xi32, #tpu.memory_space<vmem>>) semaphore(%arg17 : memref<!tpu.dma_semaphore, #tpu.memory_space<semaphore_mem>>)
    %dma_wait3A_41 = arith.constant 0 : i32
    %dma_wait3A_42 = arith.constant 0 : i32
    %dma_wait3A_43 = tpu.memref_slice %arg5[%dma_wait3A_41, %dma_wait3A_42] : memref<12288x768xf32, #tpu.memory_space<hbm>> -> memref<12288x768xf32, #tpu.memory_space<hbm>>
    tpu.wait_indirect_dma semaphore(%arg16 : memref<!tpu.dma_semaphore, #tpu.memory_space<semaphore_mem>>) src(%arg9 : memref<64x768xf32, #tpu.memory_space<vmem>>) dst(%dma_wait3A_43 : memref<12288x768xf32, #tpu.memory_space<hbm>>)
    %dma_wait3A_44 = arith.constant 0 : i32
    %dma_wait3A_45 = arith.constant 0 : i32
    %dma_wait3A_46 = tpu.memref_slice %arg5[%dma_wait3A_44, %dma_wait3A_45] : memref<12288x768xf32, #tpu.memory_space<hbm>> -> memref<12288x768xf32, #tpu.memory_space<hbm>>
    tpu.wait_indirect_dma semaphore(%arg17 : memref<!tpu.dma_semaphore, #tpu.memory_space<semaphore_mem>>) src(%arg10 : memref<64x768xf32, #tpu.memory_space<vmem>>) dst(%dma_wait3A_46 : memref<12288x768xf32, #tpu.memory_space<hbm>>)
    return
  }
}

#map = affine_map<(d0, d1) -> (0, 0)>
#map1 = affine_map<(d0, d1) -> (0)>
module attributes {stable_mosaic.version = 14 : i64} {
  func.func @combine(%arg0: i32, %arg1: i32, %arg2: memref<12288x768xf32, #tpu.memory_space<hbm>>, %arg3: memref<4096xi32, #tpu.memory_space<hbm>>, %arg4: memref<4096x16xf32, #tpu.memory_space<hbm>>, %arg5: memref<2048x768xf32, #tpu.memory_space<hbm>>, %arg6: memref<64xi32, #tpu.memory_space<vmem>>, %arg7: memref<64xi32, #tpu.memory_space<vmem>>, %arg8: memref<64x16xf32, #tpu.memory_space<vmem>>, %arg9: memref<64x16xf32, #tpu.memory_space<vmem>>, %arg10: memref<64x768xf32, #tpu.memory_space<vmem>>, %arg11: memref<64x768xf32, #tpu.memory_space<vmem>>, %arg12: memref<!tpu.dma_semaphore, #tpu.memory_space<semaphore_mem>>, %arg13: memref<!tpu.dma_semaphore, #tpu.memory_space<semaphore_mem>>, %arg14: memref<!tpu.dma_semaphore, #tpu.memory_space<semaphore_mem>>, %arg15: memref<!tpu.dma_semaphore, #tpu.memory_space<semaphore_mem>>, %arg16: memref<!tpu.dma_semaphore, #tpu.memory_space<semaphore_mem>>, %arg17: memref<!tpu.dma_semaphore, #tpu.memory_space<semaphore_mem>>) attributes {dimension_semantics = [#tpu.dimension_semantics<core_parallel>, #tpu.dimension_semantics<subcore_parallel>], iteration_bounds = array<i64: 2, 16>, scalar_prefetch = 0 : i64, scratch_operands = 12 : i64, tpu.core_type = #tpu.core_type<sc_vector_subcore>, window_params = [{transform_indices = #map}, {transform_indices = #map1}, {transform_indices = #map}, {transform_indices = #map}]} {
    %mul3A = arith.constant 2 : i32
    %mul3A_0 = arith.muli %arg1, %mul3A : i32
    %add3A = arith.addi %mul3A_0, %arg0 : i32
    %mul3A_1 = arith.constant 64 : i32
    %mul3A_2 = arith.muli %add3A, %mul3A_1 : i32
    %dma_start3A = tpu.memref_slice %arg3[%mul3A_2] : memref<4096xi32, #tpu.memory_space<hbm>> -> memref<64xi32, #tpu.memory_space<hbm>>
    %dma_start3A_3 = tpu.memref_slice %arg3[%mul3A_2] : memref<4096xi32, #tpu.memory_space<hbm>> -> memref<64xi32, #tpu.memory_space<hbm>>
    tpu.enqueue_dma source(%dma_start3A_3 : memref<64xi32, #tpu.memory_space<hbm>>) target(%arg6 : memref<64xi32, #tpu.memory_space<vmem>>) target_semaphore(%arg14 : memref<!tpu.dma_semaphore, #tpu.memory_space<semaphore_mem>>)
    %add3A_4 = arith.constant 2048 : i32
    %add3A_5 = arith.addi %add3A_4, %mul3A_2 : i32
    %dma_start3A_6 = tpu.memref_slice %arg3[%add3A_5] : memref<4096xi32, #tpu.memory_space<hbm>> -> memref<64xi32, #tpu.memory_space<hbm>>
    %dma_start3A_7 = tpu.memref_slice %arg3[%add3A_5] : memref<4096xi32, #tpu.memory_space<hbm>> -> memref<64xi32, #tpu.memory_space<hbm>>
    tpu.enqueue_dma source(%dma_start3A_7 : memref<64xi32, #tpu.memory_space<hbm>>) target(%arg7 : memref<64xi32, #tpu.memory_space<vmem>>) target_semaphore(%arg15 : memref<!tpu.dma_semaphore, #tpu.memory_space<semaphore_mem>>)
    %dma_start3A_8 = arith.constant 0 : i32
    %dma_start3A_9 = tpu.memref_slice %arg4[%mul3A_2, %dma_start3A_8] : memref<4096x16xf32, #tpu.memory_space<hbm>> -> memref<64x16xf32, #tpu.memory_space<hbm>>
    %dma_start3A_10 = arith.constant 0 : i32
    %dma_start3A_11 = tpu.memref_slice %arg4[%mul3A_2, %dma_start3A_10] : memref<4096x16xf32, #tpu.memory_space<hbm>> -> memref<64x16xf32, #tpu.memory_space<hbm>>
    tpu.enqueue_dma source(%dma_start3A_11 : memref<64x16xf32, #tpu.memory_space<hbm>>) target(%arg8 : memref<64x16xf32, #tpu.memory_space<vmem>>) target_semaphore(%arg16 : memref<!tpu.dma_semaphore, #tpu.memory_space<semaphore_mem>>)
    %add3A_12 = arith.constant 2048 : i32
    %add3A_13 = arith.addi %add3A_12, %mul3A_2 : i32
    %dma_start3A_14 = arith.constant 0 : i32
    %dma_start3A_15 = tpu.memref_slice %arg4[%add3A_13, %dma_start3A_14] : memref<4096x16xf32, #tpu.memory_space<hbm>> -> memref<64x16xf32, #tpu.memory_space<hbm>>
    %dma_start3A_16 = arith.constant 0 : i32
    %dma_start3A_17 = tpu.memref_slice %arg4[%add3A_13, %dma_start3A_16] : memref<4096x16xf32, #tpu.memory_space<hbm>> -> memref<64x16xf32, #tpu.memory_space<hbm>>
    tpu.enqueue_dma source(%dma_start3A_17 : memref<64x16xf32, #tpu.memory_space<hbm>>) target(%arg9 : memref<64x16xf32, #tpu.memory_space<vmem>>) target_semaphore(%arg17 : memref<!tpu.dma_semaphore, #tpu.memory_space<semaphore_mem>>)
    %dma_wait3A = tpu.memref_slice %arg3[%mul3A_2] : memref<4096xi32, #tpu.memory_space<hbm>> -> memref<64xi32, #tpu.memory_space<hbm>>
    %dma_wait3A_18 = tpu.memref_slice %arg3[%mul3A_2] : memref<4096xi32, #tpu.memory_space<hbm>> -> memref<64xi32, #tpu.memory_space<hbm>>
    tpu.wait_dma2 semaphore(%arg14 : memref<!tpu.dma_semaphore, #tpu.memory_space<semaphore_mem>>) src(%dma_wait3A_18 : memref<64xi32, #tpu.memory_space<hbm>>) dst(%arg6 : memref<64xi32, #tpu.memory_space<vmem>>)
    %dma_wait3A_19 = tpu.memref_slice %arg3[%add3A_5] : memref<4096xi32, #tpu.memory_space<hbm>> -> memref<64xi32, #tpu.memory_space<hbm>>
    %dma_wait3A_20 = tpu.memref_slice %arg3[%add3A_5] : memref<4096xi32, #tpu.memory_space<hbm>> -> memref<64xi32, #tpu.memory_space<hbm>>
    tpu.wait_dma2 semaphore(%arg15 : memref<!tpu.dma_semaphore, #tpu.memory_space<semaphore_mem>>) src(%dma_wait3A_20 : memref<64xi32, #tpu.memory_space<hbm>>) dst(%arg7 : memref<64xi32, #tpu.memory_space<vmem>>)
    %dma_start3A_21 = arith.constant 0 : i32
    %dma_start3A_22 = arith.constant 0 : i32
    %dma_start3A_23 = tpu.memref_slice %arg2[%dma_start3A_21, %dma_start3A_22] : memref<12288x768xf32, #tpu.memory_space<hbm>> -> memref<12288x768xf32, #tpu.memory_space<hbm>>
    tpu.enqueue_indirect_dma source(%dma_start3A_23 : memref<12288x768xf32, #tpu.memory_space<hbm>>) target(%arg10 : memref<64x768xf32, #tpu.memory_space<vmem>>) offsets(%arg6 : memref<64xi32, #tpu.memory_space<vmem>>) semaphore(%arg12 : memref<!tpu.dma_semaphore, #tpu.memory_space<semaphore_mem>>)
    %dma_start3A_24 = arith.constant 0 : i32
    %dma_start3A_25 = arith.constant 0 : i32
    %dma_start3A_26 = tpu.memref_slice %arg2[%dma_start3A_24, %dma_start3A_25] : memref<12288x768xf32, #tpu.memory_space<hbm>> -> memref<12288x768xf32, #tpu.memory_space<hbm>>
    tpu.enqueue_indirect_dma source(%dma_start3A_26 : memref<12288x768xf32, #tpu.memory_space<hbm>>) target(%arg11 : memref<64x768xf32, #tpu.memory_space<vmem>>) offsets(%arg7 : memref<64xi32, #tpu.memory_space<vmem>>) semaphore(%arg13 : memref<!tpu.dma_semaphore, #tpu.memory_space<semaphore_mem>>)
    %dma_wait3A_27 = arith.constant 0 : i32
    %dma_wait3A_28 = tpu.memref_slice %arg4[%mul3A_2, %dma_wait3A_27] : memref<4096x16xf32, #tpu.memory_space<hbm>> -> memref<64x16xf32, #tpu.memory_space<hbm>>
    %dma_wait3A_29 = arith.constant 0 : i32
    %dma_wait3A_30 = tpu.memref_slice %arg4[%mul3A_2, %dma_wait3A_29] : memref<4096x16xf32, #tpu.memory_space<hbm>> -> memref<64x16xf32, #tpu.memory_space<hbm>>
    tpu.wait_dma2 semaphore(%arg16 : memref<!tpu.dma_semaphore, #tpu.memory_space<semaphore_mem>>) src(%dma_wait3A_30 : memref<64x16xf32, #tpu.memory_space<hbm>>) dst(%arg8 : memref<64x16xf32, #tpu.memory_space<vmem>>)
    %dma_wait3A_31 = arith.constant 0 : i32
    %dma_wait3A_32 = tpu.memref_slice %arg4[%add3A_13, %dma_wait3A_31] : memref<4096x16xf32, #tpu.memory_space<hbm>> -> memref<64x16xf32, #tpu.memory_space<hbm>>
    %dma_wait3A_33 = arith.constant 0 : i32
    %dma_wait3A_34 = tpu.memref_slice %arg4[%add3A_13, %dma_wait3A_33] : memref<4096x16xf32, #tpu.memory_space<hbm>> -> memref<64x16xf32, #tpu.memory_space<hbm>>
    tpu.wait_dma2 semaphore(%arg17 : memref<!tpu.dma_semaphore, #tpu.memory_space<semaphore_mem>>) src(%dma_wait3A_34 : memref<64x16xf32, #tpu.memory_space<hbm>>) dst(%arg9 : memref<64x16xf32, #tpu.memory_space<vmem>>)
    %dma_wait3A_35 = arith.constant 0 : i32
    %dma_wait3A_36 = arith.constant 0 : i32
    %dma_wait3A_37 = tpu.memref_slice %arg2[%dma_wait3A_35, %dma_wait3A_36] : memref<12288x768xf32, #tpu.memory_space<hbm>> -> memref<12288x768xf32, #tpu.memory_space<hbm>>
    tpu.wait_indirect_dma semaphore(%arg12 : memref<!tpu.dma_semaphore, #tpu.memory_space<semaphore_mem>>) src(%dma_wait3A_37 : memref<12288x768xf32, #tpu.memory_space<hbm>>) dst(%arg10 : memref<64x768xf32, #tpu.memory_space<vmem>>)
    %dma_wait3A_38 = arith.constant 0 : i32
    %dma_wait3A_39 = arith.constant 0 : i32
    %dma_wait3A_40 = tpu.memref_slice %arg2[%dma_wait3A_38, %dma_wait3A_39] : memref<12288x768xf32, #tpu.memory_space<hbm>> -> memref<12288x768xf32, #tpu.memory_space<hbm>>
    tpu.wait_indirect_dma semaphore(%arg13 : memref<!tpu.dma_semaphore, #tpu.memory_space<semaphore_mem>>) src(%dma_wait3A_40 : memref<12288x768xf32, #tpu.memory_space<hbm>>) dst(%arg11 : memref<64x768xf32, #tpu.memory_space<vmem>>)
    %scan3A = arith.constant 0 : i32
    %scan3A_41 = arith.constant 0 : i32
    %scan3A_42 = arith.constant 64 : i32
    %scan3A_43 = arith.addi %scan3A_41, %scan3A_42 : i32
    %scan3A_44 = arith.constant 1 : i32
    scf.for %scan3A_46 = %scan3A_41 to %scan3A_43 step %scan3A_44  : i32 {
      %get3A = arith.index_cast %scan3A_46 : i32 to index
      %get3A_47 = arith.constant 0 : index
      %get3A_48 = tpu.vector_load %arg8[%get3A, %get3A_47] {strides = array<i32>} : memref<64x16xf32, #tpu.memory_space<vmem>>, vector<1x16xf32>,
      %get3A_49 = vector.shape_cast %get3A_48 : vector<1x16xf32> to vector<16xf32>
      %get3A_50 = arith.index_cast %scan3A_46 : i32 to index
      %get3A_51 = arith.constant 0 : index
      %get3A_52 = tpu.vector_load %arg9[%get3A_50, %get3A_51] {strides = array<i32>} : memref<64x16xf32, #tpu.memory_space<vmem>>, vector<1x16xf32>,
      %get3A_53 = vector.shape_cast %get3A_52 : vector<1x16xf32> to vector<16xf32>
      %get3A_54 = arith.index_cast %scan3A_46 : i32 to index
      %get3A_55 = arith.constant 0 : index
      %get3A_56 = tpu.vector_load %arg10[%get3A_54, %get3A_55] {strides = array<i32>} : memref<64x768xf32, #tpu.memory_space<vmem>>, vector<1x16xf32>,
      %get3A_57 = vector.shape_cast %get3A_56 : vector<1x16xf32> to vector<16xf32>
      %mul3A_58 = arith.mulf %get3A_57, %get3A_49 : vector<16xf32>
      %get3A_59 = arith.index_cast %scan3A_46 : i32 to index
      %get3A_60 = arith.constant 0 : index
      %get3A_61 = tpu.vector_load %arg11[%get3A_59, %get3A_60] {strides = array<i32>} : memref<64x768xf32, #tpu.memory_space<vmem>>, vector<1x16xf32>,
      %get3A_62 = vector.shape_cast %get3A_61 : vector<1x16xf32> to vector<16xf32>
      %mul3A_63 = arith.mulf %get3A_62, %get3A_53 : vector<16xf32>
      %add3A_64 = arith.addf %mul3A_58, %mul3A_63 : vector<16xf32>
      %swap3A = arith.index_cast %scan3A_46 : i32 to index
      %swap3A_65 = arith.constant 0 : index
      %swap3A_66 = tpu.vector_load %arg10[%swap3A, %swap3A_65] {strides = array<i32>} : memref<64x768xf32, #tpu.memory_space<vmem>>, vector<1x16xf32>,
      %swap3A_67 = vector.shape_cast %swap3A_66 : vector<1x16xf32> to vector<16xf32>
      %swap3A_68 = vector.shape_cast %add3A_64 : vector<16xf32> to vector<1x16xf32>
      tpu.vector_store %arg10[%swap3A, %swap3A_65], %swap3A_68 {strides = array<i32>} : memref<64x768xf32, #tpu.memory_space<vmem>>, vector<1x16xf32>,
      %get3A_69 = arith.index_cast %scan3A_46 : i32 to index
      %get3A_70 = arith.constant 16 : index
      %get3A_71 = tpu.vector_load %arg10[%get3A_69, %get3A_70] {strides = array<i32>} : memref<64x768xf32, #tpu.memory_space<vmem>>, vector<1x16xf32>,
      %get3A_72 = vector.shape_cast %get3A_71 : vector<1x16xf32> to vector<16xf32>
      %mul3A_73 = arith.mulf %get3A_72, %get3A_49 : vector<16xf32>
      %get3A_74 = arith.index_cast %scan3A_46 : i32 to index
      %get3A_75 = arith.constant 16 : index
      %get3A_76 = tpu.vector_load %arg11[%get3A_74, %get3A_75] {strides = array<i32>} : memref<64x768xf32, #tpu.memory_space<vmem>>, vector<1x16xf32>,
      %get3A_77 = vector.shape_cast %get3A_76 : vector<1x16xf32> to vector<16xf32>
      %mul3A_78 = arith.mulf %get3A_77, %get3A_53 : vector<16xf32>
      %add3A_79 = arith.addf %mul3A_73, %mul3A_78 : vector<16xf32>
      %swap3A_80 = arith.index_cast %scan3A_46 : i32 to index
      %swap3A_81 = arith.constant 16 : index
      %swap3A_82 = tpu.vector_load %arg10[%swap3A_80, %swap3A_81] {strides = array<i32>} : memref<64x768xf32, #tpu.memory_space<vmem>>, vector<1x16xf32>,
      %swap3A_83 = vector.shape_cast %swap3A_82 : vector<1x16xf32> to vector<16xf32>
      %swap3A_84 = vector.shape_cast %add3A_79 : vector<16xf32> to vector<1x16xf32>
      tpu.vector_store %arg10[%swap3A_80, %swap3A_81], %swap3A_84 {strides = array<i32>} : memref<64x768xf32, #tpu.memory_space<vmem>>, vector<1x16xf32>,
      %get3A_85 = arith.index_cast %scan3A_46 : i32 to index
      %get3A_86 = arith.constant 32 : index
      %get3A_87 = tpu.vector_load %arg10[%get3A_85, %get3A_86] {strides = array<i32>} : memref<64x768xf32, #tpu.memory_space<vmem>>, vector<1x16xf32>,
      %get3A_88 = vector.shape_cast %get3A_87 : vector<1x16xf32> to vector<16xf32>
      %mul3A_89 = arith.mulf %get3A_88, %get3A_49 : vector<16xf32>
      %get3A_90 = arith.index_cast %scan3A_46 : i32 to index
      %get3A_91 = arith.constant 32 : index
      %get3A_92 = tpu.vector_load %arg11[%get3A_90, %get3A_91] {strides = array<i32>} : memref<64x768xf32, #tpu.memory_space<vmem>>, vector<1x16xf32>,
      %get3A_93 = vector.shape_cast %get3A_92 : vector<1x16xf32> to vector<16xf32>
      %mul3A_94 = arith.mulf %get3A_93, %get3A_53 : vector<16xf32>
      %add3A_95 = arith.addf %mul3A_89, %mul3A_94 : vector<16xf32>
      %swap3A_96 = arith.index_cast %scan3A_46 : i32 to index
      %swap3A_97 = arith.constant 32 : index
      %swap3A_98 = tpu.vector_load %arg10[%swap3A_96, %swap3A_97] {strides = array<i32>} : memref<64x768xf32, #tpu.memory_space<vmem>>, vector<1x16xf32>,
      %swap3A_99 = vector.shape_cast %swap3A_98 : vector<1x16xf32> to vector<16xf32>
      %swap3A_100 = vector.shape_cast %add3A_95 : vector<16xf32> to vector<1x16xf32>
      tpu.vector_store %arg10[%swap3A_96, %swap3A_97], %swap3A_100 {strides = array<i32>} : memref<64x768xf32, #tpu.memory_space<vmem>>, vector<1x16xf32>,
      %get3A_101 = arith.index_cast %scan3A_46 : i32 to index
      %get3A_102 = arith.constant 48 : index
      %get3A_103 = tpu.vector_load %arg10[%get3A_101, %get3A_102] {strides = array<i32>} : memref<64x768xf32, #tpu.memory_space<vmem>>, vector<1x16xf32>,
      %get3A_104 = vector.shape_cast %get3A_103 : vector<1x16xf32> to vector<16xf32>
      %mul3A_105 = arith.mulf %get3A_104, %get3A_49 : vector<16xf32>
      %get3A_106 = arith.index_cast %scan3A_46 : i32 to index
      %get3A_107 = arith.constant 48 : index
      %get3A_108 = tpu.vector_load %arg11[%get3A_106, %get3A_107] {strides = array<i32>} : memref<64x768xf32, #tpu.memory_space<vmem>>, vector<1x16xf32>,
      %get3A_109 = vector.shape_cast %get3A_108 : vector<1x16xf32> to vector<16xf32>
      %mul3A_110 = arith.mulf %get3A_109, %get3A_53 : vector<16xf32>
      %add3A_111 = arith.addf %mul3A_105, %mul3A_110 : vector<16xf32>
      %swap3A_112 = arith.index_cast %scan3A_46 : i32 to index
      %swap3A_113 = arith.constant 48 : index
      %swap3A_114 = tpu.vector_load %arg10[%swap3A_112, %swap3A_113] {strides = array<i32>} : memref<64x768xf32, #tpu.memory_space<vmem>>, vector<1x16xf32>,
      %swap3A_115 = vector.shape_cast %swap3A_114 : vector<1x16xf32> to vector<16xf32>
      %swap3A_116 = vector.shape_cast %add3A_111 : vector<16xf32> to vector<1x16xf32>
      tpu.vector_store %arg10[%swap3A_112, %swap3A_113], %swap3A_116 {strides = array<i32>} : memref<64x768xf32, #tpu.memory_space<vmem>>, vector<1x16xf32>,
      %get3A_117 = arith.index_cast %scan3A_46 : i32 to index
      %get3A_118 = arith.constant 64 : index
      %get3A_119 = tpu.vector_load %arg10[%get3A_117, %get3A_118] {strides = array<i32>} : memref<64x768xf32, #tpu.memory_space<vmem>>, vector<1x16xf32>,
      %get3A_120 = vector.shape_cast %get3A_119 : vector<1x16xf32> to vector<16xf32>
      %mul3A_121 = arith.mulf %get3A_120, %get3A_49 : vector<16xf32>
      %get3A_122 = arith.index_cast %scan3A_46 : i32 to index
      %get3A_123 = arith.constant 64 : index
      %get3A_124 = tpu.vector_load %arg11[%get3A_122, %get3A_123] {strides = array<i32>} : memref<64x768xf32, #tpu.memory_space<vmem>>, vector<1x16xf32>,
      %get3A_125 = vector.shape_cast %get3A_124 : vector<1x16xf32> to vector<16xf32>
      %mul3A_126 = arith.mulf %get3A_125, %get3A_53 : vector<16xf32>
      %add3A_127 = arith.addf %mul3A_121, %mul3A_126 : vector<16xf32>
      %swap3A_128 = arith.index_cast %scan3A_46 : i32 to index
      %swap3A_129 = arith.constant 64 : index
      %swap3A_130 = tpu.vector_load %arg10[%swap3A_128, %swap3A_129] {strides = array<i32>} : memref<64x768xf32, #tpu.memory_space<vmem>>, vector<1x16xf32>,
      %swap3A_131 = vector.shape_cast %swap3A_130 : vector<1x16xf32> to vector<16xf32>
      %swap3A_132 = vector.shape_cast %add3A_127 : vector<16xf32> to vector<1x16xf32>
      tpu.vector_store %arg10[%swap3A_128, %swap3A_129], %swap3A_132 {strides = array<i32>} : memref<64x768xf32, #tpu.memory_space<vmem>>, vector<1x16xf32>,
      %get3A_133 = arith.index_cast %scan3A_46 : i32 to index
      %get3A_134 = arith.constant 80 : index
      %get3A_135 = tpu.vector_load %arg10[%get3A_133, %get3A_134] {strides = array<i32>} : memref<64x768xf32, #tpu.memory_space<vmem>>, vector<1x16xf32>,
      %get3A_136 = vector.shape_cast %get3A_135 : vector<1x16xf32> to vector<16xf32>
      %mul3A_137 = arith.mulf %get3A_136, %get3A_49 : vector<16xf32>
      %get3A_138 = arith.index_cast %scan3A_46 : i32 to index
      %get3A_139 = arith.constant 80 : index
      %get3A_140 = tpu.vector_load %arg11[%get3A_138, %get3A_139] {strides = array<i32>} : memref<64x768xf32, #tpu.memory_space<vmem>>, vector<1x16xf32>,
      %get3A_141 = vector.shape_cast %get3A_140 : vector<1x16xf32> to vector<16xf32>
      %mul3A_142 = arith.mulf %get3A_141, %get3A_53 : vector<16xf32>
      %add3A_143 = arith.addf %mul3A_137, %mul3A_142 : vector<16xf32>
      %swap3A_144 = arith.index_cast %scan3A_46 : i32 to index
      %swap3A_145 = arith.constant 80 : index
      %swap3A_146 = tpu.vector_load %arg10[%swap3A_144, %swap3A_145] {strides = array<i32>} : memref<64x768xf32, #tpu.memory_space<vmem>>, vector<1x16xf32>,
      %swap3A_147 = vector.shape_cast %swap3A_146 : vector<1x16xf32> to vector<16xf32>
      %swap3A_148 = vector.shape_cast %add3A_143 : vector<16xf32> to vector<1x16xf32>
      tpu.vector_store %arg10[%swap3A_144, %swap3A_145], %swap3A_148 {strides = array<i32>} : memref<64x768xf32, #tpu.memory_space<vmem>>, vector<1x16xf32>,
      %get3A_149 = arith.index_cast %scan3A_46 : i32 to index
      %get3A_150 = arith.constant 96 : index
      %get3A_151 = tpu.vector_load %arg10[%get3A_149, %get3A_150] {strides = array<i32>} : memref<64x768xf32, #tpu.memory_space<vmem>>, vector<1x16xf32>,
      %get3A_152 = vector.shape_cast %get3A_151 : vector<1x16xf32> to vector<16xf32>
      %mul3A_153 = arith.mulf %get3A_152, %get3A_49 : vector<16xf32>
      %get3A_154 = arith.index_cast %scan3A_46 : i32 to index
      %get3A_155 = arith.constant 96 : index
      %get3A_156 = tpu.vector_load %arg11[%get3A_154, %get3A_155] {strides = array<i32>} : memref<64x768xf32, #tpu.memory_space<vmem>>, vector<1x16xf32>,
      %get3A_157 = vector.shape_cast %get3A_156 : vector<1x16xf32> to vector<16xf32>
      %mul3A_158 = arith.mulf %get3A_157, %get3A_53 : vector<16xf32>
      %add3A_159 = arith.addf %mul3A_153, %mul3A_158 : vector<16xf32>
      %swap3A_160 = arith.index_cast %scan3A_46 : i32 to index
      %swap3A_161 = arith.constant 96 : index
      %swap3A_162 = tpu.vector_load %arg10[%swap3A_160, %swap3A_161] {strides = array<i32>} : memref<64x768xf32, #tpu.memory_space<vmem>>, vector<1x16xf32>,
      %swap3A_163 = vector.shape_cast %swap3A_162 : vector<1x16xf32> to vector<16xf32>
      %swap3A_164 = vector.shape_cast %add3A_159 : vector<16xf32> to vector<1x16xf32>
      tpu.vector_store %arg10[%swap3A_160, %swap3A_161], %swap3A_164 {strides = array<i32>} : memref<64x768xf32, #tpu.memory_space<vmem>>, vector<1x16xf32>,
      %get3A_165 = arith.index_cast %scan3A_46 : i32 to index
      %get3A_166 = arith.constant 112 : index
      %get3A_167 = tpu.vector_load %arg10[%get3A_165, %get3A_166] {strides = array<i32>} : memref<64x768xf32, #tpu.memory_space<vmem>>, vector<1x16xf32>,
      %get3A_168 = vector.shape_cast %get3A_167 : vector<1x16xf32> to vector<16xf32>
      %mul3A_169 = arith.mulf %get3A_168, %get3A_49 : vector<16xf32>
      %get3A_170 = arith.index_cast %scan3A_46 : i32 to index
      %get3A_171 = arith.constant 112 : index
      %get3A_172 = tpu.vector_load %arg11[%get3A_170, %get3A_171] {strides = array<i32>} : memref<64x768xf32, #tpu.memory_space<vmem>>, vector<1x16xf32>,
      %get3A_173 = vector.shape_cast %get3A_172 : vector<1x16xf32> to vector<16xf32>
      %mul3A_174 = arith.mulf %get3A_173, %get3A_53 : vector<16xf32>
      %add3A_175 = arith.addf %mul3A_169, %mul3A_174 : vector<16xf32>
      %swap3A_176 = arith.index_cast %scan3A_46 : i32 to index
      %swap3A_177 = arith.constant 112 : index
      %swap3A_178 = tpu.vector_load %arg10[%swap3A_176, %swap3A_177] {strides = array<i32>} : memref<64x768xf32, #tpu.memory_space<vmem>>, vector<1x16xf32>,
      %swap3A_179 = vector.shape_cast %swap3A_178 : vector<1x16xf32> to vector<16xf32>
      %swap3A_180 = vector.shape_cast %add3A_175 : vector<16xf32> to vector<1x16xf32>
      tpu.vector_store %arg10[%swap3A_176, %swap3A_177], %swap3A_180 {strides = array<i32>} : memref<64x768xf32, #tpu.memory_space<vmem>>, vector<1x16xf32>,
      %get3A_181 = arith.index_cast %scan3A_46 : i32 to index
      %get3A_182 = arith.constant 128 : index
      %get3A_183 = tpu.vector_load %arg10[%get3A_181, %get3A_182] {strides = array<i32>} : memref<64x768xf32, #tpu.memory_space<vmem>>, vector<1x16xf32>,
      %get3A_184 = vector.shape_cast %get3A_183 : vector<1x16xf32> to vector<16xf32>
      %mul3A_185 = arith.mulf %get3A_184, %get3A_49 : vector<16xf32>
      %get3A_186 = arith.index_cast %scan3A_46 : i32 to index
      %get3A_187 = arith.constant 128 : index
      %get3A_188 = tpu.vector_load %arg11[%get3A_186, %get3A_187] {strides = array<i32>} : memref<64x768xf32, #tpu.memory_space<vmem>>, vector<1x16xf32>,
      %get3A_189 = vector.shape_cast %get3A_188 : vector<1x16xf32> to vector<16xf32>
      %mul3A_190 = arith.mulf %get3A_189, %get3A_53 : vector<16xf32>
      %add3A_191 = arith.addf %mul3A_185, %mul3A_190 : vector<16xf32>
      %swap3A_192 = arith.index_cast %scan3A_46 : i32 to index
      %swap3A_193 = arith.constant 128 : index
      %swap3A_194 = tpu.vector_load %arg10[%swap3A_192, %swap3A_193] {strides = array<i32>} : memref<64x768xf32, #tpu.memory_space<vmem>>, vector<1x16xf32>,
      %swap3A_195 = vector.shape_cast %swap3A_194 : vector<1x16xf32> to vector<16xf32>
      %swap3A_196 = vector.shape_cast %add3A_191 : vector<16xf32> to vector<1x16xf32>
      tpu.vector_store %arg10[%swap3A_192, %swap3A_193], %swap3A_196 {strides = array<i32>} : memref<64x768xf32, #tpu.memory_space<vmem>>, vector<1x16xf32>,
      %get3A_197 = arith.index_cast %scan3A_46 : i32 to index
      %get3A_198 = arith.constant 144 : index
      %get3A_199 = tpu.vector_load %arg10[%get3A_197, %get3A_198] {strides = array<i32>} : memref<64x768xf32, #tpu.memory_space<vmem>>, vector<1x16xf32>,
      %get3A_200 = vector.shape_cast %get3A_199 : vector<1x16xf32> to vector<16xf32>
      %mul3A_201 = arith.mulf %get3A_200, %get3A_49 : vector<16xf32>
      %get3A_202 = arith.index_cast %scan3A_46 : i32 to index
      %get3A_203 = arith.constant 144 : index
      %get3A_204 = tpu.vector_load %arg11[%get3A_202, %get3A_203] {strides = array<i32>} : memref<64x768xf32, #tpu.memory_space<vmem>>, vector<1x16xf32>,
      %get3A_205 = vector.shape_cast %get3A_204 : vector<1x16xf32> to vector<16xf32>
      %mul3A_206 = arith.mulf %get3A_205, %get3A_53 : vector<16xf32>
      %add3A_207 = arith.addf %mul3A_201, %mul3A_206 : vector<16xf32>
      %swap3A_208 = arith.index_cast %scan3A_46 : i32 to index
      %swap3A_209 = arith.constant 144 : index
      %swap3A_210 = tpu.vector_load %arg10[%swap3A_208, %swap3A_209] {strides = array<i32>} : memref<64x768xf32, #tpu.memory_space<vmem>>, vector<1x16xf32>,
      %swap3A_211 = vector.shape_cast %swap3A_210 : vector<1x16xf32> to vector<16xf32>
      %swap3A_212 = vector.shape_cast %add3A_207 : vector<16xf32> to vector<1x16xf32>
      tpu.vector_store %arg10[%swap3A_208, %swap3A_209], %swap3A_212 {strides = array<i32>} : memref<64x768xf32, #tpu.memory_space<vmem>>, vector<1x16xf32>,
      %get3A_213 = arith.index_cast %scan3A_46 : i32 to index
      %get3A_214 = arith.constant 160 : index
      %get3A_215 = tpu.vector_load %arg10[%get3A_213, %get3A_214] {strides = array<i32>} : memref<64x768xf32, #tpu.memory_space<vmem>>, vector<1x16xf32>,
      %get3A_216 = vector.shape_cast %get3A_215 : vector<1x16xf32> to vector<16xf32>
      %mul3A_217 = arith.mulf %get3A_216, %get3A_49 : vector<16xf32>
      %get3A_218 = arith.index_cast %scan3A_46 : i32 to index
      %get3A_219 = arith.constant 160 : index
      %get3A_220 = tpu.vector_load %arg11[%get3A_218, %get3A_219] {strides = array<i32>} : memref<64x768xf32, #tpu.memory_space<vmem>>, vector<1x16xf32>,
      %get3A_221 = vector.shape_cast %get3A_220 : vector<1x16xf32> to vector<16xf32>
      %mul3A_222 = arith.mulf %get3A_221, %get3A_53 : vector<16xf32>
      %add3A_223 = arith.addf %mul3A_217, %mul3A_222 : vector<16xf32>
      %swap3A_224 = arith.index_cast %scan3A_46 : i32 to index
      %swap3A_225 = arith.constant 160 : index
      %swap3A_226 = tpu.vector_load %arg10[%swap3A_224, %swap3A_225] {strides = array<i32>} : memref<64x768xf32, #tpu.memory_space<vmem>>, vector<1x16xf32>,
      %swap3A_227 = vector.shape_cast %swap3A_226 : vector<1x16xf32> to vector<16xf32>
      %swap3A_228 = vector.shape_cast %add3A_223 : vector<16xf32> to vector<1x16xf32>
      tpu.vector_store %arg10[%swap3A_224, %swap3A_225], %swap3A_228 {strides = array<i32>} : memref<64x768xf32, #tpu.memory_space<vmem>>, vector<1x16xf32>,
      %get3A_229 = arith.index_cast %scan3A_46 : i32 to index
      %get3A_230 = arith.constant 176 : index
      %get3A_231 = tpu.vector_load %arg10[%get3A_229, %get3A_230] {strides = array<i32>} : memref<64x768xf32, #tpu.memory_space<vmem>>, vector<1x16xf32>,
      %get3A_232 = vector.shape_cast %get3A_231 : vector<1x16xf32> to vector<16xf32>
      %mul3A_233 = arith.mulf %get3A_232, %get3A_49 : vector<16xf32>
      %get3A_234 = arith.index_cast %scan3A_46 : i32 to index
      %get3A_235 = arith.constant 176 : index
      %get3A_236 = tpu.vector_load %arg11[%get3A_234, %get3A_235] {strides = array<i32>} : memref<64x768xf32, #tpu.memory_space<vmem>>, vector<1x16xf32>,
      %get3A_237 = vector.shape_cast %get3A_236 : vector<1x16xf32> to vector<16xf32>
      %mul3A_238 = arith.mulf %get3A_237, %get3A_53 : vector<16xf32>
      %add3A_239 = arith.addf %mul3A_233, %mul3A_238 : vector<16xf32>
      %swap3A_240 = arith.index_cast %scan3A_46 : i32 to index
      %swap3A_241 = arith.constant 176 : index
      %swap3A_242 = tpu.vector_load %arg10[%swap3A_240, %swap3A_241] {strides = array<i32>} : memref<64x768xf32, #tpu.memory_space<vmem>>, vector<1x16xf32>,
      %swap3A_243 = vector.shape_cast %swap3A_242 : vector<1x16xf32> to vector<16xf32>
      %swap3A_244 = vector.shape_cast %add3A_239 : vector<16xf32> to vector<1x16xf32>
      tpu.vector_store %arg10[%swap3A_240, %swap3A_241], %swap3A_244 {strides = array<i32>} : memref<64x768xf32, #tpu.memory_space<vmem>>, vector<1x16xf32>,
      %get3A_245 = arith.index_cast %scan3A_46 : i32 to index
      %get3A_246 = arith.constant 192 : index
      %get3A_247 = tpu.vector_load %arg10[%get3A_245, %get3A_246] {strides = array<i32>} : memref<64x768xf32, #tpu.memory_space<vmem>>, vector<1x16xf32>,
      %get3A_248 = vector.shape_cast %get3A_247 : vector<1x16xf32> to vector<16xf32>
      %mul3A_249 = arith.mulf %get3A_248, %get3A_49 : vector<16xf32>
      %get3A_250 = arith.index_cast %scan3A_46 : i32 to index
      %get3A_251 = arith.constant 192 : index
      %get3A_252 = tpu.vector_load %arg11[%get3A_250, %get3A_251] {strides = array<i32>} : memref<64x768xf32, #tpu.memory_space<vmem>>, vector<1x16xf32>,
      %get3A_253 = vector.shape_cast %get3A_252 : vector<1x16xf32> to vector<16xf32>
      %mul3A_254 = arith.mulf %get3A_253, %get3A_53 : vector<16xf32>
      %add3A_255 = arith.addf %mul3A_249, %mul3A_254 : vector<16xf32>
      %swap3A_256 = arith.index_cast %scan3A_46 : i32 to index
      %swap3A_257 = arith.constant 192 : index
      %swap3A_258 = tpu.vector_load %arg10[%swap3A_256, %swap3A_257] {strides = array<i32>} : memref<64x768xf32, #tpu.memory_space<vmem>>, vector<1x16xf32>,
      %swap3A_259 = vector.shape_cast %swap3A_258 : vector<1x16xf32> to vector<16xf32>
      %swap3A_260 = vector.shape_cast %add3A_255 : vector<16xf32> to vector<1x16xf32>
      tpu.vector_store %arg10[%swap3A_256, %swap3A_257], %swap3A_260 {strides = array<i32>} : memref<64x768xf32, #tpu.memory_space<vmem>>, vector<1x16xf32>,
      %get3A_261 = arith.index_cast %scan3A_46 : i32 to index
      %get3A_262 = arith.constant 208 : index
      %get3A_263 = tpu.vector_load %arg10[%get3A_261, %get3A_262] {strides = array<i32>} : memref<64x768xf32, #tpu.memory_space<vmem>>, vector<1x16xf32>,
      %get3A_264 = vector.shape_cast %get3A_263 : vector<1x16xf32> to vector<16xf32>
      %mul3A_265 = arith.mulf %get3A_264, %get3A_49 : vector<16xf32>
      %get3A_266 = arith.index_cast %scan3A_46 : i32 to index
      %get3A_267 = arith.constant 208 : index
      %get3A_268 = tpu.vector_load %arg11[%get3A_266, %get3A_267] {strides = array<i32>} : memref<64x768xf32, #tpu.memory_space<vmem>>, vector<1x16xf32>,
      %get3A_269 = vector.shape_cast %get3A_268 : vector<1x16xf32> to vector<16xf32>
      %mul3A_270 = arith.mulf %get3A_269, %get3A_53 : vector<16xf32>
      %add3A_271 = arith.addf %mul3A_265, %mul3A_270 : vector<16xf32>
      %swap3A_272 = arith.index_cast %scan3A_46 : i32 to index
      %swap3A_273 = arith.constant 208 : index
      %swap3A_274 = tpu.vector_load %arg10[%swap3A_272, %swap3A_273] {strides = array<i32>} : memref<64x768xf32, #tpu.memory_space<vmem>>, vector<1x16xf32>,
      %swap3A_275 = vector.shape_cast %swap3A_274 : vector<1x16xf32> to vector<16xf32>
      %swap3A_276 = vector.shape_cast %add3A_271 : vector<16xf32> to vector<1x16xf32>
      tpu.vector_store %arg10[%swap3A_272, %swap3A_273], %swap3A_276 {strides = array<i32>} : memref<64x768xf32, #tpu.memory_space<vmem>>, vector<1x16xf32>,
      %get3A_277 = arith.index_cast %scan3A_46 : i32 to index
      %get3A_278 = arith.constant 224 : index
      %get3A_279 = tpu.vector_load %arg10[%get3A_277, %get3A_278] {strides = array<i32>} : memref<64x768xf32, #tpu.memory_space<vmem>>, vector<1x16xf32>,
      %get3A_280 = vector.shape_cast %get3A_279 : vector<1x16xf32> to vector<16xf32>
      %mul3A_281 = arith.mulf %get3A_280, %get3A_49 : vector<16xf32>
      %get3A_282 = arith.index_cast %scan3A_46 : i32 to index
      %get3A_283 = arith.constant 224 : index
      %get3A_284 = tpu.vector_load %arg11[%get3A_282, %get3A_283] {strides = array<i32>} : memref<64x768xf32, #tpu.memory_space<vmem>>, vector<1x16xf32>,
      %get3A_285 = vector.shape_cast %get3A_284 : vector<1x16xf32> to vector<16xf32>
      %mul3A_286 = arith.mulf %get3A_285, %get3A_53 : vector<16xf32>
      %add3A_287 = arith.addf %mul3A_281, %mul3A_286 : vector<16xf32>
      %swap3A_288 = arith.index_cast %scan3A_46 : i32 to index
      %swap3A_289 = arith.constant 224 : index
      %swap3A_290 = tpu.vector_load %arg10[%swap3A_288, %swap3A_289] {strides = array<i32>} : memref<64x768xf32, #tpu.memory_space<vmem>>, vector<1x16xf32>,
      %swap3A_291 = vector.shape_cast %swap3A_290 : vector<1x16xf32> to vector<16xf32>
      %swap3A_292 = vector.shape_cast %add3A_287 : vector<16xf32> to vector<1x16xf32>
      tpu.vector_store %arg10[%swap3A_288, %swap3A_289], %swap3A_292 {strides = array<i32>} : memref<64x768xf32, #tpu.memory_space<vmem>>, vector<1x16xf32>,
      %get3A_293 = arith.index_cast %scan3A_46 : i32 to index
      %get3A_294 = arith.constant 240 : index
      %get3A_295 = tpu.vector_load %arg10[%get3A_293, %get3A_294] {strides = array<i32>} : memref<64x768xf32, #tpu.memory_space<vmem>>, vector<1x16xf32>,
      %get3A_296 = vector.shape_cast %get3A_295 : vector<1x16xf32> to vector<16xf32>
      %mul3A_297 = arith.mulf %get3A_296, %get3A_49 : vector<16xf32>
      %get3A_298 = arith.index_cast %scan3A_46 : i32 to index
      %get3A_299 = arith.constant 240 : index
      %get3A_300 = tpu.vector_load %arg11[%get3A_298, %get3A_299] {strides = array<i32>} : memref<64x768xf32, #tpu.memory_space<vmem>>, vector<1x16xf32>,
      %get3A_301 = vector.shape_cast %get3A_300 : vector<1x16xf32> to vector<16xf32>
      %mul3A_302 = arith.mulf %get3A_301, %get3A_53 : vector<16xf32>
      %add3A_303 = arith.addf %mul3A_297, %mul3A_302 : vector<16xf32>
      %swap3A_304 = arith.index_cast %scan3A_46 : i32 to index
      %swap3A_305 = arith.constant 240 : index
      %swap3A_306 = tpu.vector_load %arg10[%swap3A_304, %swap3A_305] {strides = array<i32>} : memref<64x768xf32, #tpu.memory_space<vmem>>, vector<1x16xf32>,
      %swap3A_307 = vector.shape_cast %swap3A_306 : vector<1x16xf32> to vector<16xf32>
      %swap3A_308 = vector.shape_cast %add3A_303 : vector<16xf32> to vector<1x16xf32>
      tpu.vector_store %arg10[%swap3A_304, %swap3A_305], %swap3A_308 {strides = array<i32>} : memref<64x768xf32, #tpu.memory_space<vmem>>, vector<1x16xf32>,
      %get3A_309 = arith.index_cast %scan3A_46 : i32 to index
      %get3A_310 = arith.constant 256 : index
      %get3A_311 = tpu.vector_load %arg10[%get3A_309, %get3A_310] {strides = array<i32>} : memref<64x768xf32, #tpu.memory_space<vmem>>, vector<1x16xf32>,
      %get3A_312 = vector.shape_cast %get3A_311 : vector<1x16xf32> to vector<16xf32>
      %mul3A_313 = arith.mulf %get3A_312, %get3A_49 : vector<16xf32>
      %get3A_314 = arith.index_cast %scan3A_46 : i32 to index
      %get3A_315 = arith.constant 256 : index
      %get3A_316 = tpu.vector_load %arg11[%get3A_314, %get3A_315] {strides = array<i32>} : memref<64x768xf32, #tpu.memory_space<vmem>>, vector<1x16xf32>,
      %get3A_317 = vector.shape_cast %get3A_316 : vector<1x16xf32> to vector<16xf32>
      %mul3A_318 = arith.mulf %get3A_317, %get3A_53 : vector<16xf32>
      %add3A_319 = arith.addf %mul3A_313, %mul3A_318 : vector<16xf32>
      %swap3A_320 = arith.index_cast %scan3A_46 : i32 to index
      %swap3A_321 = arith.constant 256 : index
      %swap3A_322 = tpu.vector_load %arg10[%swap3A_320, %swap3A_321] {strides = array<i32>} : memref<64x768xf32, #tpu.memory_space<vmem>>, vector<1x16xf32>,
      %swap3A_323 = vector.shape_cast %swap3A_322 : vector<1x16xf32> to vector<16xf32>
      %swap3A_324 = vector.shape_cast %add3A_319 : vector<16xf32> to vector<1x16xf32>
      tpu.vector_store %arg10[%swap3A_320, %swap3A_321], %swap3A_324 {strides = array<i32>} : memref<64x768xf32, #tpu.memory_space<vmem>>, vector<1x16xf32>,
      %get3A_325 = arith.index_cast %scan3A_46 : i32 to index
      %get3A_326 = arith.constant 272 : index
      %get3A_327 = tpu.vector_load %arg10[%get3A_325, %get3A_326] {strides = array<i32>} : memref<64x768xf32, #tpu.memory_space<vmem>>, vector<1x16xf32>,
      %get3A_328 = vector.shape_cast %get3A_327 : vector<1x16xf32> to vector<16xf32>
      %mul3A_329 = arith.mulf %get3A_328, %get3A_49 : vector<16xf32>
      %get3A_330 = arith.index_cast %scan3A_46 : i32 to index
      %get3A_331 = arith.constant 272 : index
      %get3A_332 = tpu.vector_load %arg11[%get3A_330, %get3A_331] {strides = array<i32>} : memref<64x768xf32, #tpu.memory_space<vmem>>, vector<1x16xf32>,
      %get3A_333 = vector.shape_cast %get3A_332 : vector<1x16xf32> to vector<16xf32>
      %mul3A_334 = arith.mulf %get3A_333, %get3A_53 : vector<16xf32>
      %add3A_335 = arith.addf %mul3A_329, %mul3A_334 : vector<16xf32>
      %swap3A_336 = arith.index_cast %scan3A_46 : i32 to index
      %swap3A_337 = arith.constant 272 : index
      %swap3A_338 = tpu.vector_load %arg10[%swap3A_336, %swap3A_337] {strides = array<i32>} : memref<64x768xf32, #tpu.memory_space<vmem>>, vector<1x16xf32>,
      %swap3A_339 = vector.shape_cast %swap3A_338 : vector<1x16xf32> to vector<16xf32>
      %swap3A_340 = vector.shape_cast %add3A_335 : vector<16xf32> to vector<1x16xf32>
      tpu.vector_store %arg10[%swap3A_336, %swap3A_337], %swap3A_340 {strides = array<i32>} : memref<64x768xf32, #tpu.memory_space<vmem>>, vector<1x16xf32>,
      %get3A_341 = arith.index_cast %scan3A_46 : i32 to index
      %get3A_342 = arith.constant 288 : index
      %get3A_343 = tpu.vector_load %arg10[%get3A_341, %get3A_342] {strides = array<i32>} : memref<64x768xf32, #tpu.memory_space<vmem>>, vector<1x16xf32>,
      %get3A_344 = vector.shape_cast %get3A_343 : vector<1x16xf32> to vector<16xf32>
      %mul3A_345 = arith.mulf %get3A_344, %get3A_49 : vector<16xf32>
      %get3A_346 = arith.index_cast %scan3A_46 : i32 to index
      %get3A_347 = arith.constant 288 : index
      %get3A_348 = tpu.vector_load %arg11[%get3A_346, %get3A_347] {strides = array<i32>} : memref<64x768xf32, #tpu.memory_space<vmem>>, vector<1x16xf32>,
      %get3A_349 = vector.shape_cast %get3A_348 : vector<1x16xf32> to vector<16xf32>
      %mul3A_350 = arith.mulf %get3A_349, %get3A_53 : vector<16xf32>
      %add3A_351 = arith.addf %mul3A_345, %mul3A_350 : vector<16xf32>
      %swap3A_352 = arith.index_cast %scan3A_46 : i32 to index
      %swap3A_353 = arith.constant 288 : index
      %swap3A_354 = tpu.vector_load %arg10[%swap3A_352, %swap3A_353] {strides = array<i32>} : memref<64x768xf32, #tpu.memory_space<vmem>>, vector<1x16xf32>,
      %swap3A_355 = vector.shape_cast %swap3A_354 : vector<1x16xf32> to vector<16xf32>
      %swap3A_356 = vector.shape_cast %add3A_351 : vector<16xf32> to vector<1x16xf32>
      tpu.vector_store %arg10[%swap3A_352, %swap3A_353], %swap3A_356 {strides = array<i32>} : memref<64x768xf32, #tpu.memory_space<vmem>>, vector<1x16xf32>,
      %get3A_357 = arith.index_cast %scan3A_46 : i32 to index
      %get3A_358 = arith.constant 304 : index
      %get3A_359 = tpu.vector_load %arg10[%get3A_357, %get3A_358] {strides = array<i32>} : memref<64x768xf32, #tpu.memory_space<vmem>>, vector<1x16xf32>,
      %get3A_360 = vector.shape_cast %get3A_359 : vector<1x16xf32> to vector<16xf32>
      %mul3A_361 = arith.mulf %get3A_360, %get3A_49 : vector<16xf32>
      %get3A_362 = arith.index_cast %scan3A_46 : i32 to index
      %get3A_363 = arith.constant 304 : index
      %get3A_364 = tpu.vector_load %arg11[%get3A_362, %get3A_363] {strides = array<i32>} : memref<64x768xf32, #tpu.memory_space<vmem>>, vector<1x16xf32>,
      %get3A_365 = vector.shape_cast %get3A_364 : vector<1x16xf32> to vector<16xf32>
      %mul3A_366 = arith.mulf %get3A_365, %get3A_53 : vector<16xf32>
      %add3A_367 = arith.addf %mul3A_361, %mul3A_366 : vector<16xf32>
      %swap3A_368 = arith.index_cast %scan3A_46 : i32 to index
      %swap3A_369 = arith.constant 304 : index
      %swap3A_370 = tpu.vector_load %arg10[%swap3A_368, %swap3A_369] {strides = array<i32>} : memref<64x768xf32, #tpu.memory_space<vmem>>, vector<1x16xf32>,
      %swap3A_371 = vector.shape_cast %swap3A_370 : vector<1x16xf32> to vector<16xf32>
      %swap3A_372 = vector.shape_cast %add3A_367 : vector<16xf32> to vector<1x16xf32>
      tpu.vector_store %arg10[%swap3A_368, %swap3A_369], %swap3A_372 {strides = array<i32>} : memref<64x768xf32, #tpu.memory_space<vmem>>, vector<1x16xf32>,
      %get3A_373 = arith.index_cast %scan3A_46 : i32 to index
      %get3A_374 = arith.constant 320 : index
      %get3A_375 = tpu.vector_load %arg10[%get3A_373, %get3A_374] {strides = array<i32>} : memref<64x768xf32, #tpu.memory_space<vmem>>, vector<1x16xf32>,
      %get3A_376 = vector.shape_cast %get3A_375 : vector<1x16xf32> to vector<16xf32>
      %mul3A_377 = arith.mulf %get3A_376, %get3A_49 : vector<16xf32>
      %get3A_378 = arith.index_cast %scan3A_46 : i32 to index
      %get3A_379 = arith.constant 320 : index
      %get3A_380 = tpu.vector_load %arg11[%get3A_378, %get3A_379] {strides = array<i32>} : memref<64x768xf32, #tpu.memory_space<vmem>>, vector<1x16xf32>,
      %get3A_381 = vector.shape_cast %get3A_380 : vector<1x16xf32> to vector<16xf32>
      %mul3A_382 = arith.mulf %get3A_381, %get3A_53 : vector<16xf32>
      %add3A_383 = arith.addf %mul3A_377, %mul3A_382 : vector<16xf32>
      %swap3A_384 = arith.index_cast %scan3A_46 : i32 to index
      %swap3A_385 = arith.constant 320 : index
      %swap3A_386 = tpu.vector_load %arg10[%swap3A_384, %swap3A_385] {strides = array<i32>} : memref<64x768xf32, #tpu.memory_space<vmem>>, vector<1x16xf32>,
      %swap3A_387 = vector.shape_cast %swap3A_386 : vector<1x16xf32> to vector<16xf32>
      %swap3A_388 = vector.shape_cast %add3A_383 : vector<16xf32> to vector<1x16xf32>
      tpu.vector_store %arg10[%swap3A_384, %swap3A_385], %swap3A_388 {strides = array<i32>} : memref<64x768xf32, #tpu.memory_space<vmem>>, vector<1x16xf32>,
      %get3A_389 = arith.index_cast %scan3A_46 : i32 to index
      %get3A_390 = arith.constant 336 : index
      %get3A_391 = tpu.vector_load %arg10[%get3A_389, %get3A_390] {strides = array<i32>} : memref<64x768xf32, #tpu.memory_space<vmem>>, vector<1x16xf32>,
      %get3A_392 = vector.shape_cast %get3A_391 : vector<1x16xf32> to vector<16xf32>
      %mul3A_393 = arith.mulf %get3A_392, %get3A_49 : vector<16xf32>
      %get3A_394 = arith.index_cast %scan3A_46 : i32 to index
      %get3A_395 = arith.constant 336 : index
      %get3A_396 = tpu.vector_load %arg11[%get3A_394, %get3A_395] {strides = array<i32>} : memref<64x768xf32, #tpu.memory_space<vmem>>, vector<1x16xf32>,
      %get3A_397 = vector.shape_cast %get3A_396 : vector<1x16xf32> to vector<16xf32>
      %mul3A_398 = arith.mulf %get3A_397, %get3A_53 : vector<16xf32>
      %add3A_399 = arith.addf %mul3A_393, %mul3A_398 : vector<16xf32>
      %swap3A_400 = arith.index_cast %scan3A_46 : i32 to index
      %swap3A_401 = arith.constant 336 : index
      %swap3A_402 = tpu.vector_load %arg10[%swap3A_400, %swap3A_401] {strides = array<i32>} : memref<64x768xf32, #tpu.memory_space<vmem>>, vector<1x16xf32>,
      %swap3A_403 = vector.shape_cast %swap3A_402 : vector<1x16xf32> to vector<16xf32>
      %swap3A_404 = vector.shape_cast %add3A_399 : vector<16xf32> to vector<1x16xf32>
      tpu.vector_store %arg10[%swap3A_400, %swap3A_401], %swap3A_404 {strides = array<i32>} : memref<64x768xf32, #tpu.memory_space<vmem>>, vector<1x16xf32>,
      %get3A_405 = arith.index_cast %scan3A_46 : i32 to index
      %get3A_406 = arith.constant 352 : index
      %get3A_407 = tpu.vector_load %arg10[%get3A_405, %get3A_406] {strides = array<i32>} : memref<64x768xf32, #tpu.memory_space<vmem>>, vector<1x16xf32>,
      %get3A_408 = vector.shape_cast %get3A_407 : vector<1x16xf32> to vector<16xf32>
      %mul3A_409 = arith.mulf %get3A_408, %get3A_49 : vector<16xf32>
      %get3A_410 = arith.index_cast %scan3A_46 : i32 to index
      %get3A_411 = arith.constant 352 : index
      %get3A_412 = tpu.vector_load %arg11[%get3A_410, %get3A_411] {strides = array<i32>} : memref<64x768xf32, #tpu.memory_space<vmem>>, vector<1x16xf32>,
      %get3A_413 = vector.shape_cast %get3A_412 : vector<1x16xf32> to vector<16xf32>
      %mul3A_414 = arith.mulf %get3A_413, %get3A_53 : vector<16xf32>
      %add3A_415 = arith.addf %mul3A_409, %mul3A_414 : vector<16xf32>
      %swap3A_416 = arith.index_cast %scan3A_46 : i32 to index
      %swap3A_417 = arith.constant 352 : index
      %swap3A_418 = tpu.vector_load %arg10[%swap3A_416, %swap3A_417] {strides = array<i32>} : memref<64x768xf32, #tpu.memory_space<vmem>>, vector<1x16xf32>,
      %swap3A_419 = vector.shape_cast %swap3A_418 : vector<1x16xf32> to vector<16xf32>
      %swap3A_420 = vector.shape_cast %add3A_415 : vector<16xf32> to vector<1x16xf32>
      tpu.vector_store %arg10[%swap3A_416, %swap3A_417], %swap3A_420 {strides = array<i32>} : memref<64x768xf32, #tpu.memory_space<vmem>>, vector<1x16xf32>,
      %get3A_421 = arith.index_cast %scan3A_46 : i32 to index
      %get3A_422 = arith.constant 368 : index
      %get3A_423 = tpu.vector_load %arg10[%get3A_421, %get3A_422] {strides = array<i32>} : memref<64x768xf32, #tpu.memory_space<vmem>>, vector<1x16xf32>,
      %get3A_424 = vector.shape_cast %get3A_423 : vector<1x16xf32> to vector<16xf32>
      %mul3A_425 = arith.mulf %get3A_424, %get3A_49 : vector<16xf32>
      %get3A_426 = arith.index_cast %scan3A_46 : i32 to index
      %get3A_427 = arith.constant 368 : index
      %get3A_428 = tpu.vector_load %arg11[%get3A_426, %get3A_427] {strides = array<i32>} : memref<64x768xf32, #tpu.memory_space<vmem>>, vector<1x16xf32>,
      %get3A_429 = vector.shape_cast %get3A_428 : vector<1x16xf32> to vector<16xf32>
      %mul3A_430 = arith.mulf %get3A_429, %get3A_53 : vector<16xf32>
      %add3A_431 = arith.addf %mul3A_425, %mul3A_430 : vector<16xf32>
      %swap3A_432 = arith.index_cast %scan3A_46 : i32 to index
      %swap3A_433 = arith.constant 368 : index
      %swap3A_434 = tpu.vector_load %arg10[%swap3A_432, %swap3A_433] {strides = array<i32>} : memref<64x768xf32, #tpu.memory_space<vmem>>, vector<1x16xf32>,
      %swap3A_435 = vector.shape_cast %swap3A_434 : vector<1x16xf32> to vector<16xf32>
      %swap3A_436 = vector.shape_cast %add3A_431 : vector<16xf32> to vector<1x16xf32>
      tpu.vector_store %arg10[%swap3A_432, %swap3A_433], %swap3A_436 {strides = array<i32>} : memref<64x768xf32, #tpu.memory_space<vmem>>, vector<1x16xf32>,
      %get3A_437 = arith.index_cast %scan3A_46 : i32 to index
      %get3A_438 = arith.constant 384 : index
      %get3A_439 = tpu.vector_load %arg10[%get3A_437, %get3A_438] {strides = array<i32>} : memref<64x768xf32, #tpu.memory_space<vmem>>, vector<1x16xf32>,
      %get3A_440 = vector.shape_cast %get3A_439 : vector<1x16xf32> to vector<16xf32>
      %mul3A_441 = arith.mulf %get3A_440, %get3A_49 : vector<16xf32>
      %get3A_442 = arith.index_cast %scan3A_46 : i32 to index
      %get3A_443 = arith.constant 384 : index
      %get3A_444 = tpu.vector_load %arg11[%get3A_442, %get3A_443] {strides = array<i32>} : memref<64x768xf32, #tpu.memory_space<vmem>>, vector<1x16xf32>,
      %get3A_445 = vector.shape_cast %get3A_444 : vector<1x16xf32> to vector<16xf32>
      %mul3A_446 = arith.mulf %get3A_445, %get3A_53 : vector<16xf32>
      %add3A_447 = arith.addf %mul3A_441, %mul3A_446 : vector<16xf32>
      %swap3A_448 = arith.index_cast %scan3A_46 : i32 to index
      %swap3A_449 = arith.constant 384 : index
      %swap3A_450 = tpu.vector_load %arg10[%swap3A_448, %swap3A_449] {strides = array<i32>} : memref<64x768xf32, #tpu.memory_space<vmem>>, vector<1x16xf32>,
      %swap3A_451 = vector.shape_cast %swap3A_450 : vector<1x16xf32> to vector<16xf32>
      %swap3A_452 = vector.shape_cast %add3A_447 : vector<16xf32> to vector<1x16xf32>
      tpu.vector_store %arg10[%swap3A_448, %swap3A_449], %swap3A_452 {strides = array<i32>} : memref<64x768xf32, #tpu.memory_space<vmem>>, vector<1x16xf32>,
      %get3A_453 = arith.index_cast %scan3A_46 : i32 to index
      %get3A_454 = arith.constant 400 : index
      %get3A_455 = tpu.vector_load %arg10[%get3A_453, %get3A_454] {strides = array<i32>} : memref<64x768xf32, #tpu.memory_space<vmem>>, vector<1x16xf32>,
      %get3A_456 = vector.shape_cast %get3A_455 : vector<1x16xf32> to vector<16xf32>
      %mul3A_457 = arith.mulf %get3A_456, %get3A_49 : vector<16xf32>
      %get3A_458 = arith.index_cast %scan3A_46 : i32 to index
      %get3A_459 = arith.constant 400 : index
      %get3A_460 = tpu.vector_load %arg11[%get3A_458, %get3A_459] {strides = array<i32>} : memref<64x768xf32, #tpu.memory_space<vmem>>, vector<1x16xf32>,
      %get3A_461 = vector.shape_cast %get3A_460 : vector<1x16xf32> to vector<16xf32>
      %mul3A_462 = arith.mulf %get3A_461, %get3A_53 : vector<16xf32>
      %add3A_463 = arith.addf %mul3A_457, %mul3A_462 : vector<16xf32>
      %swap3A_464 = arith.index_cast %scan3A_46 : i32 to index
      %swap3A_465 = arith.constant 400 : index
      %swap3A_466 = tpu.vector_load %arg10[%swap3A_464, %swap3A_465] {strides = array<i32>} : memref<64x768xf32, #tpu.memory_space<vmem>>, vector<1x16xf32>,
      %swap3A_467 = vector.shape_cast %swap3A_466 : vector<1x16xf32> to vector<16xf32>
      %swap3A_468 = vector.shape_cast %add3A_463 : vector<16xf32> to vector<1x16xf32>
      tpu.vector_store %arg10[%swap3A_464, %swap3A_465], %swap3A_468 {strides = array<i32>} : memref<64x768xf32, #tpu.memory_space<vmem>>, vector<1x16xf32>,
      %get3A_469 = arith.index_cast %scan3A_46 : i32 to index
      %get3A_470 = arith.constant 416 : index
      %get3A_471 = tpu.vector_load %arg10[%get3A_469, %get3A_470] {strides = array<i32>} : memref<64x768xf32, #tpu.memory_space<vmem>>, vector<1x16xf32>,
      %get3A_472 = vector.shape_cast %get3A_471 : vector<1x16xf32> to vector<16xf32>
      %mul3A_473 = arith.mulf %get3A_472, %get3A_49 : vector<16xf32>
      %get3A_474 = arith.index_cast %scan3A_46 : i32 to index
      %get3A_475 = arith.constant 416 : index
      %get3A_476 = tpu.vector_load %arg11[%get3A_474, %get3A_475] {strides = array<i32>} : memref<64x768xf32, #tpu.memory_space<vmem>>, vector<1x16xf32>,
      %get3A_477 = vector.shape_cast %get3A_476 : vector<1x16xf32> to vector<16xf32>
      %mul3A_478 = arith.mulf %get3A_477, %get3A_53 : vector<16xf32>
      %add3A_479 = arith.addf %mul3A_473, %mul3A_478 : vector<16xf32>
      %swap3A_480 = arith.index_cast %scan3A_46 : i32 to index
      %swap3A_481 = arith.constant 416 : index
      %swap3A_482 = tpu.vector_load %arg10[%swap3A_480, %swap3A_481] {strides = array<i32>} : memref<64x768xf32, #tpu.memory_space<vmem>>, vector<1x16xf32>,
      %swap3A_483 = vector.shape_cast %swap3A_482 : vector<1x16xf32> to vector<16xf32>
      %swap3A_484 = vector.shape_cast %add3A_479 : vector<16xf32> to vector<1x16xf32>
      tpu.vector_store %arg10[%swap3A_480, %swap3A_481], %swap3A_484 {strides = array<i32>} : memref<64x768xf32, #tpu.memory_space<vmem>>, vector<1x16xf32>,
      %get3A_485 = arith.index_cast %scan3A_46 : i32 to index
      %get3A_486 = arith.constant 432 : index
      %get3A_487 = tpu.vector_load %arg10[%get3A_485, %get3A_486] {strides = array<i32>} : memref<64x768xf32, #tpu.memory_space<vmem>>, vector<1x16xf32>,
      %get3A_488 = vector.shape_cast %get3A_487 : vector<1x16xf32> to vector<16xf32>
      %mul3A_489 = arith.mulf %get3A_488, %get3A_49 : vector<16xf32>
      %get3A_490 = arith.index_cast %scan3A_46 : i32 to index
      %get3A_491 = arith.constant 432 : index
      %get3A_492 = tpu.vector_load %arg11[%get3A_490, %get3A_491] {strides = array<i32>} : memref<64x768xf32, #tpu.memory_space<vmem>>, vector<1x16xf32>,
      %get3A_493 = vector.shape_cast %get3A_492 : vector<1x16xf32> to vector<16xf32>
      %mul3A_494 = arith.mulf %get3A_493, %get3A_53 : vector<16xf32>
      %add3A_495 = arith.addf %mul3A_489, %mul3A_494 : vector<16xf32>
      %swap3A_496 = arith.index_cast %scan3A_46 : i32 to index
      %swap3A_497 = arith.constant 432 : index
      %swap3A_498 = tpu.vector_load %arg10[%swap3A_496, %swap3A_497] {strides = array<i32>} : memref<64x768xf32, #tpu.memory_space<vmem>>, vector<1x16xf32>,
      %swap3A_499 = vector.shape_cast %swap3A_498 : vector<1x16xf32> to vector<16xf32>
      %swap3A_500 = vector.shape_cast %add3A_495 : vector<16xf32> to vector<1x16xf32>
      tpu.vector_store %arg10[%swap3A_496, %swap3A_497], %swap3A_500 {strides = array<i32>} : memref<64x768xf32, #tpu.memory_space<vmem>>, vector<1x16xf32>,
      %get3A_501 = arith.index_cast %scan3A_46 : i32 to index
      %get3A_502 = arith.constant 448 : index
      %get3A_503 = tpu.vector_load %arg10[%get3A_501, %get3A_502] {strides = array<i32>} : memref<64x768xf32, #tpu.memory_space<vmem>>, vector<1x16xf32>,
      %get3A_504 = vector.shape_cast %get3A_503 : vector<1x16xf32> to vector<16xf32>
      %mul3A_505 = arith.mulf %get3A_504, %get3A_49 : vector<16xf32>
      %get3A_506 = arith.index_cast %scan3A_46 : i32 to index
      %get3A_507 = arith.constant 448 : index
      %get3A_508 = tpu.vector_load %arg11[%get3A_506, %get3A_507] {strides = array<i32>} : memref<64x768xf32, #tpu.memory_space<vmem>>, vector<1x16xf32>,
      %get3A_509 = vector.shape_cast %get3A_508 : vector<1x16xf32> to vector<16xf32>
      %mul3A_510 = arith.mulf %get3A_509, %get3A_53 : vector<16xf32>
      %add3A_511 = arith.addf %mul3A_505, %mul3A_510 : vector<16xf32>
      %swap3A_512 = arith.index_cast %scan3A_46 : i32 to index
      %swap3A_513 = arith.constant 448 : index
      %swap3A_514 = tpu.vector_load %arg10[%swap3A_512, %swap3A_513] {strides = array<i32>} : memref<64x768xf32, #tpu.memory_space<vmem>>, vector<1x16xf32>,
      %swap3A_515 = vector.shape_cast %swap3A_514 : vector<1x16xf32> to vector<16xf32>
      %swap3A_516 = vector.shape_cast %add3A_511 : vector<16xf32> to vector<1x16xf32>
      tpu.vector_store %arg10[%swap3A_512, %swap3A_513], %swap3A_516 {strides = array<i32>} : memref<64x768xf32, #tpu.memory_space<vmem>>, vector<1x16xf32>,
      %get3A_517 = arith.index_cast %scan3A_46 : i32 to index
      %get3A_518 = arith.constant 464 : index
      %get3A_519 = tpu.vector_load %arg10[%get3A_517, %get3A_518] {strides = array<i32>} : memref<64x768xf32, #tpu.memory_space<vmem>>, vector<1x16xf32>,
      %get3A_520 = vector.shape_cast %get3A_519 : vector<1x16xf32> to vector<16xf32>
      %mul3A_521 = arith.mulf %get3A_520, %get3A_49 : vector<16xf32>
      %get3A_522 = arith.index_cast %scan3A_46 : i32 to index
      %get3A_523 = arith.constant 464 : index
      %get3A_524 = tpu.vector_load %arg11[%get3A_522, %get3A_523] {strides = array<i32>} : memref<64x768xf32, #tpu.memory_space<vmem>>, vector<1x16xf32>,
      %get3A_525 = vector.shape_cast %get3A_524 : vector<1x16xf32> to vector<16xf32>
      %mul3A_526 = arith.mulf %get3A_525, %get3A_53 : vector<16xf32>
      %add3A_527 = arith.addf %mul3A_521, %mul3A_526 : vector<16xf32>
      %swap3A_528 = arith.index_cast %scan3A_46 : i32 to index
      %swap3A_529 = arith.constant 464 : index
      %swap3A_530 = tpu.vector_load %arg10[%swap3A_528, %swap3A_529] {strides = array<i32>} : memref<64x768xf32, #tpu.memory_space<vmem>>, vector<1x16xf32>,
      %swap3A_531 = vector.shape_cast %swap3A_530 : vector<1x16xf32> to vector<16xf32>
      %swap3A_532 = vector.shape_cast %add3A_527 : vector<16xf32> to vector<1x16xf32>
      tpu.vector_store %arg10[%swap3A_528, %swap3A_529], %swap3A_532 {strides = array<i32>} : memref<64x768xf32, #tpu.memory_space<vmem>>, vector<1x16xf32>,
      %get3A_533 = arith.index_cast %scan3A_46 : i32 to index
      %get3A_534 = arith.constant 480 : index
      %get3A_535 = tpu.vector_load %arg10[%get3A_533, %get3A_534] {strides = array<i32>} : memref<64x768xf32, #tpu.memory_space<vmem>>, vector<1x16xf32>,
      %get3A_536 = vector.shape_cast %get3A_535 : vector<1x16xf32> to vector<16xf32>
      %mul3A_537 = arith.mulf %get3A_536, %get3A_49 : vector<16xf32>
      %get3A_538 = arith.index_cast %scan3A_46 : i32 to index
      %get3A_539 = arith.constant 480 : index
      %get3A_540 = tpu.vector_load %arg11[%get3A_538, %get3A_539] {strides = array<i32>} : memref<64x768xf32, #tpu.memory_space<vmem>>, vector<1x16xf32>,
      %get3A_541 = vector.shape_cast %get3A_540 : vector<1x16xf32> to vector<16xf32>
      %mul3A_542 = arith.mulf %get3A_541, %get3A_53 : vector<16xf32>
      %add3A_543 = arith.addf %mul3A_537, %mul3A_542 : vector<16xf32>
      %swap3A_544 = arith.index_cast %scan3A_46 : i32 to index
      %swap3A_545 = arith.constant 480 : index
      %swap3A_546 = tpu.vector_load %arg10[%swap3A_544, %swap3A_545] {strides = array<i32>} : memref<64x768xf32, #tpu.memory_space<vmem>>, vector<1x16xf32>,
      %swap3A_547 = vector.shape_cast %swap3A_546 : vector<1x16xf32> to vector<16xf32>
      %swap3A_548 = vector.shape_cast %add3A_543 : vector<16xf32> to vector<1x16xf32>
      tpu.vector_store %arg10[%swap3A_544, %swap3A_545], %swap3A_548 {strides = array<i32>} : memref<64x768xf32, #tpu.memory_space<vmem>>, vector<1x16xf32>,
      %get3A_549 = arith.index_cast %scan3A_46 : i32 to index
      %get3A_550 = arith.constant 496 : index
      %get3A_551 = tpu.vector_load %arg10[%get3A_549, %get3A_550] {strides = array<i32>} : memref<64x768xf32, #tpu.memory_space<vmem>>, vector<1x16xf32>,
      %get3A_552 = vector.shape_cast %get3A_551 : vector<1x16xf32> to vector<16xf32>
      %mul3A_553 = arith.mulf %get3A_552, %get3A_49 : vector<16xf32>
      %get3A_554 = arith.index_cast %scan3A_46 : i32 to index
      %get3A_555 = arith.constant 496 : index
      %get3A_556 = tpu.vector_load %arg11[%get3A_554, %get3A_555] {strides = array<i32>} : memref<64x768xf32, #tpu.memory_space<vmem>>, vector<1x16xf32>,
      %get3A_557 = vector.shape_cast %get3A_556 : vector<1x16xf32> to vector<16xf32>
      %mul3A_558 = arith.mulf %get3A_557, %get3A_53 : vector<16xf32>
      %add3A_559 = arith.addf %mul3A_553, %mul3A_558 : vector<16xf32>
      %swap3A_560 = arith.index_cast %scan3A_46 : i32 to index
      %swap3A_561 = arith.constant 496 : index
      %swap3A_562 = tpu.vector_load %arg10[%swap3A_560, %swap3A_561] {strides = array<i32>} : memref<64x768xf32, #tpu.memory_space<vmem>>, vector<1x16xf32>,
      %swap3A_563 = vector.shape_cast %swap3A_562 : vector<1x16xf32> to vector<16xf32>
      %swap3A_564 = vector.shape_cast %add3A_559 : vector<16xf32> to vector<1x16xf32>
      tpu.vector_store %arg10[%swap3A_560, %swap3A_561], %swap3A_564 {strides = array<i32>} : memref<64x768xf32, #tpu.memory_space<vmem>>, vector<1x16xf32>,
      %get3A_565 = arith.index_cast %scan3A_46 : i32 to index
      %get3A_566 = arith.constant 512 : index
      %get3A_567 = tpu.vector_load %arg10[%get3A_565, %get3A_566] {strides = array<i32>} : memref<64x768xf32, #tpu.memory_space<vmem>>, vector<1x16xf32>,
      %get3A_568 = vector.shape_cast %get3A_567 : vector<1x16xf32> to vector<16xf32>
      %mul3A_569 = arith.mulf %get3A_568, %get3A_49 : vector<16xf32>
      %get3A_570 = arith.index_cast %scan3A_46 : i32 to index
      %get3A_571 = arith.constant 512 : index
      %get3A_572 = tpu.vector_load %arg11[%get3A_570, %get3A_571] {strides = array<i32>} : memref<64x768xf32, #tpu.memory_space<vmem>>, vector<1x16xf32>,
      %get3A_573 = vector.shape_cast %get3A_572 : vector<1x16xf32> to vector<16xf32>
      %mul3A_574 = arith.mulf %get3A_573, %get3A_53 : vector<16xf32>
      %add3A_575 = arith.addf %mul3A_569, %mul3A_574 : vector<16xf32>
      %swap3A_576 = arith.index_cast %scan3A_46 : i32 to index
      %swap3A_577 = arith.constant 512 : index
      %swap3A_578 = tpu.vector_load %arg10[%swap3A_576, %swap3A_577] {strides = array<i32>} : memref<64x768xf32, #tpu.memory_space<vmem>>, vector<1x16xf32>,
      %swap3A_579 = vector.shape_cast %swap3A_578 : vector<1x16xf32> to vector<16xf32>
      %swap3A_580 = vector.shape_cast %add3A_575 : vector<16xf32> to vector<1x16xf32>
      tpu.vector_store %arg10[%swap3A_576, %swap3A_577], %swap3A_580 {strides = array<i32>} : memref<64x768xf32, #tpu.memory_space<vmem>>, vector<1x16xf32>,
      %get3A_581 = arith.index_cast %scan3A_46 : i32 to index
      %get3A_582 = arith.constant 528 : index
      %get3A_583 = tpu.vector_load %arg10[%get3A_581, %get3A_582] {strides = array<i32>} : memref<64x768xf32, #tpu.memory_space<vmem>>, vector<1x16xf32>,
      %get3A_584 = vector.shape_cast %get3A_583 : vector<1x16xf32> to vector<16xf32>
      %mul3A_585 = arith.mulf %get3A_584, %get3A_49 : vector<16xf32>
      %get3A_586 = arith.index_cast %scan3A_46 : i32 to index
      %get3A_587 = arith.constant 528 : index
      %get3A_588 = tpu.vector_load %arg11[%get3A_586, %get3A_587] {strides = array<i32>} : memref<64x768xf32, #tpu.memory_space<vmem>>, vector<1x16xf32>,
      %get3A_589 = vector.shape_cast %get3A_588 : vector<1x16xf32> to vector<16xf32>
      %mul3A_590 = arith.mulf %get3A_589, %get3A_53 : vector<16xf32>
      %add3A_591 = arith.addf %mul3A_585, %mul3A_590 : vector<16xf32>
      %swap3A_592 = arith.index_cast %scan3A_46 : i32 to index
      %swap3A_593 = arith.constant 528 : index
      %swap3A_594 = tpu.vector_load %arg10[%swap3A_592, %swap3A_593] {strides = array<i32>} : memref<64x768xf32, #tpu.memory_space<vmem>>, vector<1x16xf32>,
      %swap3A_595 = vector.shape_cast %swap3A_594 : vector<1x16xf32> to vector<16xf32>
      %swap3A_596 = vector.shape_cast %add3A_591 : vector<16xf32> to vector<1x16xf32>
      tpu.vector_store %arg10[%swap3A_592, %swap3A_593], %swap3A_596 {strides = array<i32>} : memref<64x768xf32, #tpu.memory_space<vmem>>, vector<1x16xf32>,
      %get3A_597 = arith.index_cast %scan3A_46 : i32 to index
      %get3A_598 = arith.constant 544 : index
      %get3A_599 = tpu.vector_load %arg10[%get3A_597, %get3A_598] {strides = array<i32>} : memref<64x768xf32, #tpu.memory_space<vmem>>, vector<1x16xf32>,
      %get3A_600 = vector.shape_cast %get3A_599 : vector<1x16xf32> to vector<16xf32>
      %mul3A_601 = arith.mulf %get3A_600, %get3A_49 : vector<16xf32>
      %get3A_602 = arith.index_cast %scan3A_46 : i32 to index
      %get3A_603 = arith.constant 544 : index
      %get3A_604 = tpu.vector_load %arg11[%get3A_602, %get3A_603] {strides = array<i32>} : memref<64x768xf32, #tpu.memory_space<vmem>>, vector<1x16xf32>,
      %get3A_605 = vector.shape_cast %get3A_604 : vector<1x16xf32> to vector<16xf32>
      %mul3A_606 = arith.mulf %get3A_605, %get3A_53 : vector<16xf32>
      %add3A_607 = arith.addf %mul3A_601, %mul3A_606 : vector<16xf32>
      %swap3A_608 = arith.index_cast %scan3A_46 : i32 to index
      %swap3A_609 = arith.constant 544 : index
      %swap3A_610 = tpu.vector_load %arg10[%swap3A_608, %swap3A_609] {strides = array<i32>} : memref<64x768xf32, #tpu.memory_space<vmem>>, vector<1x16xf32>,
      %swap3A_611 = vector.shape_cast %swap3A_610 : vector<1x16xf32> to vector<16xf32>
      %swap3A_612 = vector.shape_cast %add3A_607 : vector<16xf32> to vector<1x16xf32>
      tpu.vector_store %arg10[%swap3A_608, %swap3A_609], %swap3A_612 {strides = array<i32>} : memref<64x768xf32, #tpu.memory_space<vmem>>, vector<1x16xf32>,
      %get3A_613 = arith.index_cast %scan3A_46 : i32 to index
      %get3A_614 = arith.constant 560 : index
      %get3A_615 = tpu.vector_load %arg10[%get3A_613, %get3A_614] {strides = array<i32>} : memref<64x768xf32, #tpu.memory_space<vmem>>, vector<1x16xf32>,
      %get3A_616 = vector.shape_cast %get3A_615 : vector<1x16xf32> to vector<16xf32>
      %mul3A_617 = arith.mulf %get3A_616, %get3A_49 : vector<16xf32>
      %get3A_618 = arith.index_cast %scan3A_46 : i32 to index
      %get3A_619 = arith.constant 560 : index
      %get3A_620 = tpu.vector_load %arg11[%get3A_618, %get3A_619] {strides = array<i32>} : memref<64x768xf32, #tpu.memory_space<vmem>>, vector<1x16xf32>,
      %get3A_621 = vector.shape_cast %get3A_620 : vector<1x16xf32> to vector<16xf32>
      %mul3A_622 = arith.mulf %get3A_621, %get3A_53 : vector<16xf32>
      %add3A_623 = arith.addf %mul3A_617, %mul3A_622 : vector<16xf32>
      %swap3A_624 = arith.index_cast %scan3A_46 : i32 to index
      %swap3A_625 = arith.constant 560 : index
      %swap3A_626 = tpu.vector_load %arg10[%swap3A_624, %swap3A_625] {strides = array<i32>} : memref<64x768xf32, #tpu.memory_space<vmem>>, vector<1x16xf32>,
      %swap3A_627 = vector.shape_cast %swap3A_626 : vector<1x16xf32> to vector<16xf32>
      %swap3A_628 = vector.shape_cast %add3A_623 : vector<16xf32> to vector<1x16xf32>
      tpu.vector_store %arg10[%swap3A_624, %swap3A_625], %swap3A_628 {strides = array<i32>} : memref<64x768xf32, #tpu.memory_space<vmem>>, vector<1x16xf32>,
      %get3A_629 = arith.index_cast %scan3A_46 : i32 to index
      %get3A_630 = arith.constant 576 : index
      %get3A_631 = tpu.vector_load %arg10[%get3A_629, %get3A_630] {strides = array<i32>} : memref<64x768xf32, #tpu.memory_space<vmem>>, vector<1x16xf32>,
      %get3A_632 = vector.shape_cast %get3A_631 : vector<1x16xf32> to vector<16xf32>
      %mul3A_633 = arith.mulf %get3A_632, %get3A_49 : vector<16xf32>
      %get3A_634 = arith.index_cast %scan3A_46 : i32 to index
      %get3A_635 = arith.constant 576 : index
      %get3A_636 = tpu.vector_load %arg11[%get3A_634, %get3A_635] {strides = array<i32>} : memref<64x768xf32, #tpu.memory_space<vmem>>, vector<1x16xf32>,
      %get3A_637 = vector.shape_cast %get3A_636 : vector<1x16xf32> to vector<16xf32>
      %mul3A_638 = arith.mulf %get3A_637, %get3A_53 : vector<16xf32>
      %add3A_639 = arith.addf %mul3A_633, %mul3A_638 : vector<16xf32>
      %swap3A_640 = arith.index_cast %scan3A_46 : i32 to index
      %swap3A_641 = arith.constant 576 : index
      %swap3A_642 = tpu.vector_load %arg10[%swap3A_640, %swap3A_641] {strides = array<i32>} : memref<64x768xf32, #tpu.memory_space<vmem>>, vector<1x16xf32>,
      %swap3A_643 = vector.shape_cast %swap3A_642 : vector<1x16xf32> to vector<16xf32>
      %swap3A_644 = vector.shape_cast %add3A_639 : vector<16xf32> to vector<1x16xf32>
      tpu.vector_store %arg10[%swap3A_640, %swap3A_641], %swap3A_644 {strides = array<i32>} : memref<64x768xf32, #tpu.memory_space<vmem>>, vector<1x16xf32>,
      %get3A_645 = arith.index_cast %scan3A_46 : i32 to index
      %get3A_646 = arith.constant 592 : index
      %get3A_647 = tpu.vector_load %arg10[%get3A_645, %get3A_646] {strides = array<i32>} : memref<64x768xf32, #tpu.memory_space<vmem>>, vector<1x16xf32>,
      %get3A_648 = vector.shape_cast %get3A_647 : vector<1x16xf32> to vector<16xf32>
      %mul3A_649 = arith.mulf %get3A_648, %get3A_49 : vector<16xf32>
      %get3A_650 = arith.index_cast %scan3A_46 : i32 to index
      %get3A_651 = arith.constant 592 : index
      %get3A_652 = tpu.vector_load %arg11[%get3A_650, %get3A_651] {strides = array<i32>} : memref<64x768xf32, #tpu.memory_space<vmem>>, vector<1x16xf32>,
      %get3A_653 = vector.shape_cast %get3A_652 : vector<1x16xf32> to vector<16xf32>
      %mul3A_654 = arith.mulf %get3A_653, %get3A_53 : vector<16xf32>
      %add3A_655 = arith.addf %mul3A_649, %mul3A_654 : vector<16xf32>
      %swap3A_656 = arith.index_cast %scan3A_46 : i32 to index
      %swap3A_657 = arith.constant 592 : index
      %swap3A_658 = tpu.vector_load %arg10[%swap3A_656, %swap3A_657] {strides = array<i32>} : memref<64x768xf32, #tpu.memory_space<vmem>>, vector<1x16xf32>,
      %swap3A_659 = vector.shape_cast %swap3A_658 : vector<1x16xf32> to vector<16xf32>
      %swap3A_660 = vector.shape_cast %add3A_655 : vector<16xf32> to vector<1x16xf32>
      tpu.vector_store %arg10[%swap3A_656, %swap3A_657], %swap3A_660 {strides = array<i32>} : memref<64x768xf32, #tpu.memory_space<vmem>>, vector<1x16xf32>,
      %get3A_661 = arith.index_cast %scan3A_46 : i32 to index
      %get3A_662 = arith.constant 608 : index
      %get3A_663 = tpu.vector_load %arg10[%get3A_661, %get3A_662] {strides = array<i32>} : memref<64x768xf32, #tpu.memory_space<vmem>>, vector<1x16xf32>,
      %get3A_664 = vector.shape_cast %get3A_663 : vector<1x16xf32> to vector<16xf32>
      %mul3A_665 = arith.mulf %get3A_664, %get3A_49 : vector<16xf32>
      %get3A_666 = arith.index_cast %scan3A_46 : i32 to index
      %get3A_667 = arith.constant 608 : index
      %get3A_668 = tpu.vector_load %arg11[%get3A_666, %get3A_667] {strides = array<i32>} : memref<64x768xf32, #tpu.memory_space<vmem>>, vector<1x16xf32>,
      %get3A_669 = vector.shape_cast %get3A_668 : vector<1x16xf32> to vector<16xf32>
      %mul3A_670 = arith.mulf %get3A_669, %get3A_53 : vector<16xf32>
      %add3A_671 = arith.addf %mul3A_665, %mul3A_670 : vector<16xf32>
      %swap3A_672 = arith.index_cast %scan3A_46 : i32 to index
      %swap3A_673 = arith.constant 608 : index
      %swap3A_674 = tpu.vector_load %arg10[%swap3A_672, %swap3A_673] {strides = array<i32>} : memref<64x768xf32, #tpu.memory_space<vmem>>, vector<1x16xf32>,
      %swap3A_675 = vector.shape_cast %swap3A_674 : vector<1x16xf32> to vector<16xf32>
      %swap3A_676 = vector.shape_cast %add3A_671 : vector<16xf32> to vector<1x16xf32>
      tpu.vector_store %arg10[%swap3A_672, %swap3A_673], %swap3A_676 {strides = array<i32>} : memref<64x768xf32, #tpu.memory_space<vmem>>, vector<1x16xf32>,
      %get3A_677 = arith.index_cast %scan3A_46 : i32 to index
      %get3A_678 = arith.constant 624 : index
      %get3A_679 = tpu.vector_load %arg10[%get3A_677, %get3A_678] {strides = array<i32>} : memref<64x768xf32, #tpu.memory_space<vmem>>, vector<1x16xf32>,
      %get3A_680 = vector.shape_cast %get3A_679 : vector<1x16xf32> to vector<16xf32>
      %mul3A_681 = arith.mulf %get3A_680, %get3A_49 : vector<16xf32>
      %get3A_682 = arith.index_cast %scan3A_46 : i32 to index
      %get3A_683 = arith.constant 624 : index
      %get3A_684 = tpu.vector_load %arg11[%get3A_682, %get3A_683] {strides = array<i32>} : memref<64x768xf32, #tpu.memory_space<vmem>>, vector<1x16xf32>,
      %get3A_685 = vector.shape_cast %get3A_684 : vector<1x16xf32> to vector<16xf32>
      %mul3A_686 = arith.mulf %get3A_685, %get3A_53 : vector<16xf32>
      %add3A_687 = arith.addf %mul3A_681, %mul3A_686 : vector<16xf32>
      %swap3A_688 = arith.index_cast %scan3A_46 : i32 to index
      %swap3A_689 = arith.constant 624 : index
      %swap3A_690 = tpu.vector_load %arg10[%swap3A_688, %swap3A_689] {strides = array<i32>} : memref<64x768xf32, #tpu.memory_space<vmem>>, vector<1x16xf32>,
      %swap3A_691 = vector.shape_cast %swap3A_690 : vector<1x16xf32> to vector<16xf32>
      %swap3A_692 = vector.shape_cast %add3A_687 : vector<16xf32> to vector<1x16xf32>
      tpu.vector_store %arg10[%swap3A_688, %swap3A_689], %swap3A_692 {strides = array<i32>} : memref<64x768xf32, #tpu.memory_space<vmem>>, vector<1x16xf32>,
      %get3A_693 = arith.index_cast %scan3A_46 : i32 to index
      %get3A_694 = arith.constant 640 : index
      %get3A_695 = tpu.vector_load %arg10[%get3A_693, %get3A_694] {strides = array<i32>} : memref<64x768xf32, #tpu.memory_space<vmem>>, vector<1x16xf32>,
      %get3A_696 = vector.shape_cast %get3A_695 : vector<1x16xf32> to vector<16xf32>
      %mul3A_697 = arith.mulf %get3A_696, %get3A_49 : vector<16xf32>
      %get3A_698 = arith.index_cast %scan3A_46 : i32 to index
      %get3A_699 = arith.constant 640 : index
      %get3A_700 = tpu.vector_load %arg11[%get3A_698, %get3A_699] {strides = array<i32>} : memref<64x768xf32, #tpu.memory_space<vmem>>, vector<1x16xf32>,
      %get3A_701 = vector.shape_cast %get3A_700 : vector<1x16xf32> to vector<16xf32>
      %mul3A_702 = arith.mulf %get3A_701, %get3A_53 : vector<16xf32>
      %add3A_703 = arith.addf %mul3A_697, %mul3A_702 : vector<16xf32>
      %swap3A_704 = arith.index_cast %scan3A_46 : i32 to index
      %swap3A_705 = arith.constant 640 : index
      %swap3A_706 = tpu.vector_load %arg10[%swap3A_704, %swap3A_705] {strides = array<i32>} : memref<64x768xf32, #tpu.memory_space<vmem>>, vector<1x16xf32>,
      %swap3A_707 = vector.shape_cast %swap3A_706 : vector<1x16xf32> to vector<16xf32>
      %swap3A_708 = vector.shape_cast %add3A_703 : vector<16xf32> to vector<1x16xf32>
      tpu.vector_store %arg10[%swap3A_704, %swap3A_705], %swap3A_708 {strides = array<i32>} : memref<64x768xf32, #tpu.memory_space<vmem>>, vector<1x16xf32>,
      %get3A_709 = arith.index_cast %scan3A_46 : i32 to index
      %get3A_710 = arith.constant 656 : index
      %get3A_711 = tpu.vector_load %arg10[%get3A_709, %get3A_710] {strides = array<i32>} : memref<64x768xf32, #tpu.memory_space<vmem>>, vector<1x16xf32>,
      %get3A_712 = vector.shape_cast %get3A_711 : vector<1x16xf32> to vector<16xf32>
      %mul3A_713 = arith.mulf %get3A_712, %get3A_49 : vector<16xf32>
      %get3A_714 = arith.index_cast %scan3A_46 : i32 to index
      %get3A_715 = arith.constant 656 : index
      %get3A_716 = tpu.vector_load %arg11[%get3A_714, %get3A_715] {strides = array<i32>} : memref<64x768xf32, #tpu.memory_space<vmem>>, vector<1x16xf32>,
      %get3A_717 = vector.shape_cast %get3A_716 : vector<1x16xf32> to vector<16xf32>
      %mul3A_718 = arith.mulf %get3A_717, %get3A_53 : vector<16xf32>
      %add3A_719 = arith.addf %mul3A_713, %mul3A_718 : vector<16xf32>
      %swap3A_720 = arith.index_cast %scan3A_46 : i32 to index
      %swap3A_721 = arith.constant 656 : index
      %swap3A_722 = tpu.vector_load %arg10[%swap3A_720, %swap3A_721] {strides = array<i32>} : memref<64x768xf32, #tpu.memory_space<vmem>>, vector<1x16xf32>,
      %swap3A_723 = vector.shape_cast %swap3A_722 : vector<1x16xf32> to vector<16xf32>
      %swap3A_724 = vector.shape_cast %add3A_719 : vector<16xf32> to vector<1x16xf32>
      tpu.vector_store %arg10[%swap3A_720, %swap3A_721], %swap3A_724 {strides = array<i32>} : memref<64x768xf32, #tpu.memory_space<vmem>>, vector<1x16xf32>,
      %get3A_725 = arith.index_cast %scan3A_46 : i32 to index
      %get3A_726 = arith.constant 672 : index
      %get3A_727 = tpu.vector_load %arg10[%get3A_725, %get3A_726] {strides = array<i32>} : memref<64x768xf32, #tpu.memory_space<vmem>>, vector<1x16xf32>,
      %get3A_728 = vector.shape_cast %get3A_727 : vector<1x16xf32> to vector<16xf32>
      %mul3A_729 = arith.mulf %get3A_728, %get3A_49 : vector<16xf32>
      %get3A_730 = arith.index_cast %scan3A_46 : i32 to index
      %get3A_731 = arith.constant 672 : index
      %get3A_732 = tpu.vector_load %arg11[%get3A_730, %get3A_731] {strides = array<i32>} : memref<64x768xf32, #tpu.memory_space<vmem>>, vector<1x16xf32>,
      %get3A_733 = vector.shape_cast %get3A_732 : vector<1x16xf32> to vector<16xf32>
      %mul3A_734 = arith.mulf %get3A_733, %get3A_53 : vector<16xf32>
      %add3A_735 = arith.addf %mul3A_729, %mul3A_734 : vector<16xf32>
      %swap3A_736 = arith.index_cast %scan3A_46 : i32 to index
      %swap3A_737 = arith.constant 672 : index
      %swap3A_738 = tpu.vector_load %arg10[%swap3A_736, %swap3A_737] {strides = array<i32>} : memref<64x768xf32, #tpu.memory_space<vmem>>, vector<1x16xf32>,
      %swap3A_739 = vector.shape_cast %swap3A_738 : vector<1x16xf32> to vector<16xf32>
      %swap3A_740 = vector.shape_cast %add3A_735 : vector<16xf32> to vector<1x16xf32>
      tpu.vector_store %arg10[%swap3A_736, %swap3A_737], %swap3A_740 {strides = array<i32>} : memref<64x768xf32, #tpu.memory_space<vmem>>, vector<1x16xf32>,
      %get3A_741 = arith.index_cast %scan3A_46 : i32 to index
      %get3A_742 = arith.constant 688 : index
      %get3A_743 = tpu.vector_load %arg10[%get3A_741, %get3A_742] {strides = array<i32>} : memref<64x768xf32, #tpu.memory_space<vmem>>, vector<1x16xf32>,
      %get3A_744 = vector.shape_cast %get3A_743 : vector<1x16xf32> to vector<16xf32>
      %mul3A_745 = arith.mulf %get3A_744, %get3A_49 : vector<16xf32>
      %get3A_746 = arith.index_cast %scan3A_46 : i32 to index
      %get3A_747 = arith.constant 688 : index
      %get3A_748 = tpu.vector_load %arg11[%get3A_746, %get3A_747] {strides = array<i32>} : memref<64x768xf32, #tpu.memory_space<vmem>>, vector<1x16xf32>,
      %get3A_749 = vector.shape_cast %get3A_748 : vector<1x16xf32> to vector<16xf32>
      %mul3A_750 = arith.mulf %get3A_749, %get3A_53 : vector<16xf32>
      %add3A_751 = arith.addf %mul3A_745, %mul3A_750 : vector<16xf32>
      %swap3A_752 = arith.index_cast %scan3A_46 : i32 to index
      %swap3A_753 = arith.constant 688 : index
      %swap3A_754 = tpu.vector_load %arg10[%swap3A_752, %swap3A_753] {strides = array<i32>} : memref<64x768xf32, #tpu.memory_space<vmem>>, vector<1x16xf32>,
      %swap3A_755 = vector.shape_cast %swap3A_754 : vector<1x16xf32> to vector<16xf32>
      %swap3A_756 = vector.shape_cast %add3A_751 : vector<16xf32> to vector<1x16xf32>
      tpu.vector_store %arg10[%swap3A_752, %swap3A_753], %swap3A_756 {strides = array<i32>} : memref<64x768xf32, #tpu.memory_space<vmem>>, vector<1x16xf32>,
      %get3A_757 = arith.index_cast %scan3A_46 : i32 to index
      %get3A_758 = arith.constant 704 : index
      %get3A_759 = tpu.vector_load %arg10[%get3A_757, %get3A_758] {strides = array<i32>} : memref<64x768xf32, #tpu.memory_space<vmem>>, vector<1x16xf32>,
      %get3A_760 = vector.shape_cast %get3A_759 : vector<1x16xf32> to vector<16xf32>
      %mul3A_761 = arith.mulf %get3A_760, %get3A_49 : vector<16xf32>
      %get3A_762 = arith.index_cast %scan3A_46 : i32 to index
      %get3A_763 = arith.constant 704 : index
      %get3A_764 = tpu.vector_load %arg11[%get3A_762, %get3A_763] {strides = array<i32>} : memref<64x768xf32, #tpu.memory_space<vmem>>, vector<1x16xf32>,
      %get3A_765 = vector.shape_cast %get3A_764 : vector<1x16xf32> to vector<16xf32>
      %mul3A_766 = arith.mulf %get3A_765, %get3A_53 : vector<16xf32>
      %add3A_767 = arith.addf %mul3A_761, %mul3A_766 : vector<16xf32>
      %swap3A_768 = arith.index_cast %scan3A_46 : i32 to index
      %swap3A_769 = arith.constant 704 : index
      %swap3A_770 = tpu.vector_load %arg10[%swap3A_768, %swap3A_769] {strides = array<i32>} : memref<64x768xf32, #tpu.memory_space<vmem>>, vector<1x16xf32>,
      %swap3A_771 = vector.shape_cast %swap3A_770 : vector<1x16xf32> to vector<16xf32>
      %swap3A_772 = vector.shape_cast %add3A_767 : vector<16xf32> to vector<1x16xf32>
      tpu.vector_store %arg10[%swap3A_768, %swap3A_769], %swap3A_772 {strides = array<i32>} : memref<64x768xf32, #tpu.memory_space<vmem>>, vector<1x16xf32>,
      %get3A_773 = arith.index_cast %scan3A_46 : i32 to index
      %get3A_774 = arith.constant 720 : index
      %get3A_775 = tpu.vector_load %arg10[%get3A_773, %get3A_774] {strides = array<i32>} : memref<64x768xf32, #tpu.memory_space<vmem>>, vector<1x16xf32>,
      %get3A_776 = vector.shape_cast %get3A_775 : vector<1x16xf32> to vector<16xf32>
      %mul3A_777 = arith.mulf %get3A_776, %get3A_49 : vector<16xf32>
      %get3A_778 = arith.index_cast %scan3A_46 : i32 to index
      %get3A_779 = arith.constant 720 : index
      %get3A_780 = tpu.vector_load %arg11[%get3A_778, %get3A_779] {strides = array<i32>} : memref<64x768xf32, #tpu.memory_space<vmem>>, vector<1x16xf32>,
      %get3A_781 = vector.shape_cast %get3A_780 : vector<1x16xf32> to vector<16xf32>
      %mul3A_782 = arith.mulf %get3A_781, %get3A_53 : vector<16xf32>
      %add3A_783 = arith.addf %mul3A_777, %mul3A_782 : vector<16xf32>
      %swap3A_784 = arith.index_cast %scan3A_46 : i32 to index
      %swap3A_785 = arith.constant 720 : index
      %swap3A_786 = tpu.vector_load %arg10[%swap3A_784, %swap3A_785] {strides = array<i32>} : memref<64x768xf32, #tpu.memory_space<vmem>>, vector<1x16xf32>,
      %swap3A_787 = vector.shape_cast %swap3A_786 : vector<1x16xf32> to vector<16xf32>
      %swap3A_788 = vector.shape_cast %add3A_783 : vector<16xf32> to vector<1x16xf32>
      tpu.vector_store %arg10[%swap3A_784, %swap3A_785], %swap3A_788 {strides = array<i32>} : memref<64x768xf32, #tpu.memory_space<vmem>>, vector<1x16xf32>,
      %get3A_789 = arith.index_cast %scan3A_46 : i32 to index
      %get3A_790 = arith.constant 736 : index
      %get3A_791 = tpu.vector_load %arg10[%get3A_789, %get3A_790] {strides = array<i32>} : memref<64x768xf32, #tpu.memory_space<vmem>>, vector<1x16xf32>,
      %get3A_792 = vector.shape_cast %get3A_791 : vector<1x16xf32> to vector<16xf32>
      %mul3A_793 = arith.mulf %get3A_792, %get3A_49 : vector<16xf32>
      %get3A_794 = arith.index_cast %scan3A_46 : i32 to index
      %get3A_795 = arith.constant 736 : index
      %get3A_796 = tpu.vector_load %arg11[%get3A_794, %get3A_795] {strides = array<i32>} : memref<64x768xf32, #tpu.memory_space<vmem>>, vector<1x16xf32>,
      %get3A_797 = vector.shape_cast %get3A_796 : vector<1x16xf32> to vector<16xf32>
      %mul3A_798 = arith.mulf %get3A_797, %get3A_53 : vector<16xf32>
      %add3A_799 = arith.addf %mul3A_793, %mul3A_798 : vector<16xf32>
      %swap3A_800 = arith.index_cast %scan3A_46 : i32 to index
      %swap3A_801 = arith.constant 736 : index
      %swap3A_802 = tpu.vector_load %arg10[%swap3A_800, %swap3A_801] {strides = array<i32>} : memref<64x768xf32, #tpu.memory_space<vmem>>, vector<1x16xf32>,
      %swap3A_803 = vector.shape_cast %swap3A_802 : vector<1x16xf32> to vector<16xf32>
      %swap3A_804 = vector.shape_cast %add3A_799 : vector<16xf32> to vector<1x16xf32>
      tpu.vector_store %arg10[%swap3A_800, %swap3A_801], %swap3A_804 {strides = array<i32>} : memref<64x768xf32, #tpu.memory_space<vmem>>, vector<1x16xf32>,
      %get3A_805 = arith.index_cast %scan3A_46 : i32 to index
      %get3A_806 = arith.constant 752 : index
      %get3A_807 = tpu.vector_load %arg10[%get3A_805, %get3A_806] {strides = array<i32>} : memref<64x768xf32, #tpu.memory_space<vmem>>, vector<1x16xf32>,
      %get3A_808 = vector.shape_cast %get3A_807 : vector<1x16xf32> to vector<16xf32>
      %mul3A_809 = arith.mulf %get3A_808, %get3A_49 : vector<16xf32>
      %get3A_810 = arith.index_cast %scan3A_46 : i32 to index
      %get3A_811 = arith.constant 752 : index
      %get3A_812 = tpu.vector_load %arg11[%get3A_810, %get3A_811] {strides = array<i32>} : memref<64x768xf32, #tpu.memory_space<vmem>>, vector<1x16xf32>,
      %get3A_813 = vector.shape_cast %get3A_812 : vector<1x16xf32> to vector<16xf32>
      %mul3A_814 = arith.mulf %get3A_813, %get3A_53 : vector<16xf32>
      %add3A_815 = arith.addf %mul3A_809, %mul3A_814 : vector<16xf32>
      %swap3A_816 = arith.index_cast %scan3A_46 : i32 to index
      %swap3A_817 = arith.constant 752 : index
      %swap3A_818 = tpu.vector_load %arg10[%swap3A_816, %swap3A_817] {strides = array<i32>} : memref<64x768xf32, #tpu.memory_space<vmem>>, vector<1x16xf32>,
      %swap3A_819 = vector.shape_cast %swap3A_818 : vector<1x16xf32> to vector<16xf32>
      %swap3A_820 = vector.shape_cast %add3A_815 : vector<16xf32> to vector<1x16xf32>
      tpu.vector_store %arg10[%swap3A_816, %swap3A_817], %swap3A_820 {strides = array<i32>} : memref<64x768xf32, #tpu.memory_space<vmem>>, vector<1x16xf32>,
    }
    %scan3A_45 = arith.constant 64 : i32
    "tpu.region"() ({
      %run_scoped3A = tpu.sem_alloc : memref<!tpu.dma_semaphore, #tpu.memory_space<semaphore_mem>>
      %dma_start3A_46 = arith.constant 0 : i32
      %dma_start3A_47 = tpu.memref_slice %arg5[%mul3A_2, %dma_start3A_46] : memref<2048x768xf32, #tpu.memory_space<hbm>> -> memref<64x768xf32, #tpu.memory_space<hbm>>
      %dma_start3A_48 = arith.constant 0 : i32
      %dma_start3A_49 = tpu.memref_slice %arg5[%mul3A_2, %dma_start3A_48] : memref<2048x768xf32, #tpu.memory_space<hbm>> -> memref<64x768xf32, #tpu.memory_space<hbm>>
      tpu.enqueue_dma source(%arg10 : memref<64x768xf32, #tpu.memory_space<vmem>>) target(%dma_start3A_49 : memref<64x768xf32, #tpu.memory_space<hbm>>) target_semaphore(%run_scoped3A : memref<!tpu.dma_semaphore, #tpu.memory_space<semaphore_mem>>)
      %dma_wait3A_50 = arith.constant 0 : i32
      %dma_wait3A_51 = tpu.memref_slice %arg5[%mul3A_2, %dma_wait3A_50] : memref<2048x768xf32, #tpu.memory_space<hbm>> -> memref<64x768xf32, #tpu.memory_space<hbm>>
      %dma_wait3A_52 = arith.constant 0 : i32
      %dma_wait3A_53 = tpu.memref_slice %arg5[%mul3A_2, %dma_wait3A_52] : memref<2048x768xf32, #tpu.memory_space<hbm>> -> memref<64x768xf32, #tpu.memory_space<hbm>>
      tpu.wait_dma2 semaphore(%run_scoped3A : memref<!tpu.dma_semaphore, #tpu.memory_space<semaphore_mem>>) src(%arg10 : memref<64x768xf32, #tpu.memory_space<vmem>>) dst(%dma_wait3A_53 : memref<64x768xf32, #tpu.memory_space<hbm>>)
      tpu.yield
    }) : () -> ()
    return
  }
}

module attributes {stable_mosaic.version = 14 : i64} {
  func.func @_meta_body(%arg0: memref<2048x768xf32, #tpu.memory_space<vmem>>, %arg1: memref<768x64xf32, #tpu.memory_space<vmem>>, %arg2: memref<4096x1xi32, #tpu.memory_space<vmem>>, %arg3: memref<4096x1xf32, #tpu.memory_space<vmem>>, %arg4: memref<104x1xi32, #tpu.memory_space<vmem>>) attributes {dimension_semantics = [], scalar_prefetch = 0 : i64, scratch_operands = 0 : i64, tpu.core_type = #tpu.core_type<tc>} {
    %get3A = arith.constant 0 : index
    %get3A_0 = arith.constant 0 : index
    %get3A_1 = vector.load %arg0[%get3A, %get3A_0] : memref<2048x768xf32, #tpu.memory_space<vmem>>, vector<2048x768xf32>
    %get3A_2 = arith.constant 0 : index
    %get3A_3 = arith.constant 0 : index
    %get3A_4 = vector.load %arg1[%get3A_2, %get3A_3] : memref<768x64xf32, #tpu.memory_space<vmem>>, vector<768x64xf32>
    %dot_general3A = arith.constant dense<0.000000e+00> : vector<2048x64xf32>
    %dot_general3A_5 = tpu.matmul %get3A_1, %get3A_4, %dot_general3A {dimension_numbers = #tpu.dot_dimension_numbers<[1], [0], [0], [1], [0, 0, 1, 1], [], []>, transpose_lhs_hint = false} : vector<2048x768xf32>, vector<768x64xf32>, vector<2048x64xf32> -> vector<2048x64xf32>
    %iota3A = tpu.iota {dimensions = array<i32: 1>} : vector<2048x64xi32>
    %reduce_max3A = arith.constant dense<0xFF800000> : vector<2048xf32>
    %reduce_max3A_6 = vector.multi_reduction <maximumf>, %dot_general3A_5, %reduce_max3A [1] : vector<2048x64xf32> to vector<2048xf32>
    %broadcast_in_dim3A = vector.shape_cast %reduce_max3A_6 : vector<2048xf32> to vector<2048x1xf32>
    %eq3A = vector.broadcast %broadcast_in_dim3A : vector<2048x1xf32> to vector<2048x64xf32>
    %eq3A_7 = arith.cmpf oeq, %dot_general3A_5, %eq3A : vector<2048x64xf32>
    %jit3A = arith.constant 1073741824 : i32
    %broadcast_in_dim3A_8 = vector.broadcast %jit3A : i32 to vector<2048x64xi32>
    %select_n3A = arith.select %eq3A_7, %iota3A, %broadcast_in_dim3A_8 : vector<2048x64xi1>, vector<2048x64xi32>
    %reduce_min3A = arith.constant dense<2147483647> : vector<2048xi32>
    %reduce_min3A_9 = vector.multi_reduction <minsi>, %select_n3A, %reduce_min3A [1] : vector<2048x64xi32> to vector<2048xi32>
    %broadcast_in_dim3A_10 = vector.shape_cast %reduce_min3A_9 : vector<2048xi32> to vector<2048x1xi32>
    %eq3A_11 = vector.broadcast %broadcast_in_dim3A_10 : vector<2048x1xi32> to vector<2048x64xi32>
    %eq3A_12 = arith.cmpi eq, %iota3A, %eq3A_11 : vector<2048x64xi32>
    %jit3A_13 = arith.constant -1.000000e+30 : f32
    %broadcast_in_dim3A_14 = vector.broadcast %jit3A_13 : f32 to vector<2048x64xf32>
    %select_n3A_15 = arith.select %eq3A_12, %broadcast_in_dim3A_14, %dot_general3A_5 : vector<2048x64xi1>, vector<2048x64xf32>
    %reduce_max3A_16 = arith.constant dense<0xFF800000> : vector<2048xf32>
    %reduce_max3A_17 = vector.multi_reduction <maximumf>, %select_n3A_15, %reduce_max3A_16 [1] : vector<2048x64xf32> to vector<2048xf32>
    %broadcast_in_dim3A_18 = vector.shape_cast %reduce_max3A_17 : vector<2048xf32> to vector<2048x1xf32>
    %eq3A_19 = vector.broadcast %broadcast_in_dim3A_18 : vector<2048x1xf32> to vector<2048x64xf32>
    %eq3A_20 = arith.cmpf oeq, %select_n3A_15, %eq3A_19 : vector<2048x64xf32>
    %jit3A_21 = arith.constant 1073741824 : i32
    %broadcast_in_dim3A_22 = vector.broadcast %jit3A_21 : i32 to vector<2048x64xi32>
    %select_n3A_23 = arith.select %eq3A_20, %iota3A, %broadcast_in_dim3A_22 : vector<2048x64xi1>, vector<2048x64xi32>
    %reduce_min3A_24 = arith.constant dense<2147483647> : vector<2048xi32>
    %reduce_min3A_25 = vector.multi_reduction <minsi>, %select_n3A_23, %reduce_min3A_24 [1] : vector<2048x64xi32> to vector<2048xi32>
    %broadcast_in_dim3A_26 = vector.shape_cast %reduce_min3A_25 : vector<2048xi32> to vector<2048x1xi32>
    %sub3A = arith.subf %broadcast_in_dim3A_18, %broadcast_in_dim3A : vector<2048x1xf32>
    %exp3A = math.exp %sub3A : vector<2048x1xf32>
    %add3A = arith.constant 1.000000e+00 : f32
    %add3A_27 = vector.broadcast %add3A : f32 to vector<2048x1xf32>
    %add3A_28 = arith.addf %add3A_27, %exp3A : vector<2048x1xf32>
    %div3A = arith.constant 1.000000e+00 : f32
    %div3A_29 = vector.broadcast %div3A : f32 to vector<2048x1xf32>
    %div3A_30 = arith.divf %div3A_29, %add3A_28 : vector<2048x1xf32>
    %add3A_31 = arith.constant 1.000000e+00 : f32
    %add3A_32 = vector.broadcast %add3A_31 : f32 to vector<2048x1xf32>
    %add3A_33 = arith.addf %add3A_32, %exp3A : vector<2048x1xf32>
    %div3A_34 = arith.divf %exp3A, %add3A_33 : vector<2048x1xf32>
    %eq3A_35 = vector.broadcast %broadcast_in_dim3A_10 : vector<2048x1xi32> to vector<2048x64xi32>
    %eq3A_36 = arith.cmpi eq, %iota3A, %eq3A_35 : vector<2048x64xi32>
    %convert_element_type3A = arith.extui %eq3A_36 : vector<2048x64xi1> to vector<2048x64xi32>
    %convert_element_type3A_37 = arith.sitofp %convert_element_type3A : vector<2048x64xi32> to vector<2048x64xf32>
    %eq3A_38 = vector.broadcast %broadcast_in_dim3A_26 : vector<2048x1xi32> to vector<2048x64xi32>
    %eq3A_39 = arith.cmpi eq, %iota3A, %eq3A_38 : vector<2048x64xi32>
    %convert_element_type3A_40 = arith.extui %eq3A_39 : vector<2048x64xi1> to vector<2048x64xi32>
    %convert_element_type3A_41 = arith.sitofp %convert_element_type3A_40 : vector<2048x64xi32> to vector<2048x64xf32>
    %concatenate3A = tpu.concatenate %convert_element_type3A_37, %convert_element_type3A_41 in 0 : vector<2048x64xf32>, vector<2048x64xf32> -> vector<4096x64xf32>
    %iota3A_42 = tpu.iota {dimensions = array<i32: 0>} : vector<256x256xi32>
    %iota3A_43 = tpu.iota {dimensions = array<i32: 1>} : vector<256x256xi32>
    %gt3A = arith.cmpi sgt, %iota3A_42, %iota3A_43 : vector<256x256xi32>
    %jit3A_44 = arith.constant 1.000000e+00 : f32
    %jit3A_45 = arith.constant 0.000000e+00 : f32
    %broadcast_in_dim3A_46 = vector.broadcast %jit3A_44 : f32 to vector<256x256xf32>
    %broadcast_in_dim3A_47 = vector.broadcast %jit3A_45 : f32 to vector<256x256xf32>
    %select_n3A_48 = arith.select %gt3A, %broadcast_in_dim3A_46, %broadcast_in_dim3A_47 : vector<256x256xi1>, vector<256x256xf32>
    %slice3A = vector.extract_strided_slice %concatenate3A {offsets = [0, 0], sizes = [256, 64], strides = [1, 1]} : vector<4096x64xf32> to vector<256x64xf32>
    %dot_general3A_49 = arith.constant dense<0.000000e+00> : vector<256x64xf32>
    %dot_general3A_50 = tpu.matmul %select_n3A_48, %slice3A, %dot_general3A_49 {dimension_numbers = #tpu.dot_dimension_numbers<[1], [0], [0], [1], [0, 0, 1, 1], [], []>, transpose_lhs_hint = false} : vector<256x256xf32>, vector<256x64xf32>, vector<256x64xf32> -> vector<256x64xf32>
    %reduce_sum3A = arith.constant dense<0.000000e+00> : vector<64xf32>
    %reduce_sum3A_51 = vector.multi_reduction <add>, %slice3A, %reduce_sum3A [0] : vector<256x64xf32> to vector<64xf32>
    %broadcast_in_dim3A_52 = vector.shape_cast %reduce_sum3A_51 : vector<64xf32> to vector<1x64xf32>
    %slice3A_53 = vector.extract_strided_slice %concatenate3A {offsets = [256, 0], sizes = [256, 64], strides = [1, 1]} : vector<4096x64xf32> to vector<256x64xf32>
    %dot_general3A_54 = arith.constant dense<0.000000e+00> : vector<256x64xf32>
    %dot_general3A_55 = tpu.matmul %select_n3A_48, %slice3A_53, %dot_general3A_54 {dimension_numbers = #tpu.dot_dimension_numbers<[1], [0], [0], [1], [0, 0, 1, 1], [], []>, transpose_lhs_hint = false} : vector<256x256xf32>, vector<256x64xf32>, vector<256x64xf32> -> vector<256x64xf32>
    %reduce_sum3A_56 = arith.constant dense<0.000000e+00> : vector<64xf32>
    %reduce_sum3A_57 = vector.multi_reduction <add>, %slice3A_53, %reduce_sum3A_56 [0] : vector<256x64xf32> to vector<64xf32>
    %broadcast_in_dim3A_58 = vector.shape_cast %reduce_sum3A_57 : vector<64xf32> to vector<1x64xf32>
    %slice3A_59 = vector.extract_strided_slice %concatenate3A {offsets = [512, 0], sizes = [256, 64], strides = [1, 1]} : vector<4096x64xf32> to vector<256x64xf32>
    %dot_general3A_60 = arith.constant dense<0.000000e+00> : vector<256x64xf32>
    %dot_general3A_61 = tpu.matmul %select_n3A_48, %slice3A_59, %dot_general3A_60 {dimension_numbers = #tpu.dot_dimension_numbers<[1], [0], [0], [1], [0, 0, 1, 1], [], []>, transpose_lhs_hint = false} : vector<256x256xf32>, vector<256x64xf32>, vector<256x64xf32> -> vector<256x64xf32>
    %reduce_sum3A_62 = arith.constant dense<0.000000e+00> : vector<64xf32>
    %reduce_sum3A_63 = vector.multi_reduction <add>, %slice3A_59, %reduce_sum3A_62 [0] : vector<256x64xf32> to vector<64xf32>
    %broadcast_in_dim3A_64 = vector.shape_cast %reduce_sum3A_63 : vector<64xf32> to vector<1x64xf32>
    %slice3A_65 = vector.extract_strided_slice %concatenate3A {offsets = [768, 0], sizes = [256, 64], strides = [1, 1]} : vector<4096x64xf32> to vector<256x64xf32>
    %dot_general3A_66 = arith.constant dense<0.000000e+00> : vector<256x64xf32>
    %dot_general3A_67 = tpu.matmul %select_n3A_48, %slice3A_65, %dot_general3A_66 {dimension_numbers = #tpu.dot_dimension_numbers<[1], [0], [0], [1], [0, 0, 1, 1], [], []>, transpose_lhs_hint = false} : vector<256x256xf32>, vector<256x64xf32>, vector<256x64xf32> -> vector<256x64xf32>
    %reduce_sum3A_68 = arith.constant dense<0.000000e+00> : vector<64xf32>
    %reduce_sum3A_69 = vector.multi_reduction <add>, %slice3A_65, %reduce_sum3A_68 [0] : vector<256x64xf32> to vector<64xf32>
    %broadcast_in_dim3A_70 = vector.shape_cast %reduce_sum3A_69 : vector<64xf32> to vector<1x64xf32>
    %slice3A_71 = vector.extract_strided_slice %concatenate3A {offsets = [1024, 0], sizes = [256, 64], strides = [1, 1]} : vector<4096x64xf32> to vector<256x64xf32>
    %dot_general3A_72 = arith.constant dense<0.000000e+00> : vector<256x64xf32>
    %dot_general3A_73 = tpu.matmul %select_n3A_48, %slice3A_71, %dot_general3A_72 {dimension_numbers = #tpu.dot_dimension_numbers<[1], [0], [0], [1], [0, 0, 1, 1], [], []>, transpose_lhs_hint = false} : vector<256x256xf32>, vector<256x64xf32>, vector<256x64xf32> -> vector<256x64xf32>
    %reduce_sum3A_74 = arith.constant dense<0.000000e+00> : vector<64xf32>
    %reduce_sum3A_75 = vector.multi_reduction <add>, %slice3A_71, %reduce_sum3A_74 [0] : vector<256x64xf32> to vector<64xf32>
    %broadcast_in_dim3A_76 = vector.shape_cast %reduce_sum3A_75 : vector<64xf32> to vector<1x64xf32>
    %slice3A_77 = vector.extract_strided_slice %concatenate3A {offsets = [1280, 0], sizes = [256, 64], strides = [1, 1]} : vector<4096x64xf32> to vector<256x64xf32>
    %dot_general3A_78 = arith.constant dense<0.000000e+00> : vector<256x64xf32>
    %dot_general3A_79 = tpu.matmul %select_n3A_48, %slice3A_77, %dot_general3A_78 {dimension_numbers = #tpu.dot_dimension_numbers<[1], [0], [0], [1], [0, 0, 1, 1], [], []>, transpose_lhs_hint = false} : vector<256x256xf32>, vector<256x64xf32>, vector<256x64xf32> -> vector<256x64xf32>
    %reduce_sum3A_80 = arith.constant dense<0.000000e+00> : vector<64xf32>
    %reduce_sum3A_81 = vector.multi_reduction <add>, %slice3A_77, %reduce_sum3A_80 [0] : vector<256x64xf32> to vector<64xf32>
    %broadcast_in_dim3A_82 = vector.shape_cast %reduce_sum3A_81 : vector<64xf32> to vector<1x64xf32>
    %slice3A_83 = vector.extract_strided_slice %concatenate3A {offsets = [1536, 0], sizes = [256, 64], strides = [1, 1]} : vector<4096x64xf32> to vector<256x64xf32>
    %dot_general3A_84 = arith.constant dense<0.000000e+00> : vector<256x64xf32>
    %dot_general3A_85 = tpu.matmul %select_n3A_48, %slice3A_83, %dot_general3A_84 {dimension_numbers = #tpu.dot_dimension_numbers<[1], [0], [0], [1], [0, 0, 1, 1], [], []>, transpose_lhs_hint = false} : vector<256x256xf32>, vector<256x64xf32>, vector<256x64xf32> -> vector<256x64xf32>
    %reduce_sum3A_86 = arith.constant dense<0.000000e+00> : vector<64xf32>
    %reduce_sum3A_87 = vector.multi_reduction <add>, %slice3A_83, %reduce_sum3A_86 [0] : vector<256x64xf32> to vector<64xf32>
    %broadcast_in_dim3A_88 = vector.shape_cast %reduce_sum3A_87 : vector<64xf32> to vector<1x64xf32>
    %slice3A_89 = vector.extract_strided_slice %concatenate3A {offsets = [1792, 0], sizes = [256, 64], strides = [1, 1]} : vector<4096x64xf32> to vector<256x64xf32>
    %dot_general3A_90 = arith.constant dense<0.000000e+00> : vector<256x64xf32>
    %dot_general3A_91 = tpu.matmul %select_n3A_48, %slice3A_89, %dot_general3A_90 {dimension_numbers = #tpu.dot_dimension_numbers<[1], [0], [0], [1], [0, 0, 1, 1], [], []>, transpose_lhs_hint = false} : vector<256x256xf32>, vector<256x64xf32>, vector<256x64xf32> -> vector<256x64xf32>
    %reduce_sum3A_92 = arith.constant dense<0.000000e+00> : vector<64xf32>
    %reduce_sum3A_93 = vector.multi_reduction <add>, %slice3A_89, %reduce_sum3A_92 [0] : vector<256x64xf32> to vector<64xf32>
    %broadcast_in_dim3A_94 = vector.shape_cast %reduce_sum3A_93 : vector<64xf32> to vector<1x64xf32>
    %slice3A_95 = vector.extract_strided_slice %concatenate3A {offsets = [2048, 0], sizes = [256, 64], strides = [1, 1]} : vector<4096x64xf32> to vector<256x64xf32>
    %dot_general3A_96 = arith.constant dense<0.000000e+00> : vector<256x64xf32>
    %dot_general3A_97 = tpu.matmul %select_n3A_48, %slice3A_95, %dot_general3A_96 {dimension_numbers = #tpu.dot_dimension_numbers<[1], [0], [0], [1], [0, 0, 1, 1], [], []>, transpose_lhs_hint = false} : vector<256x256xf32>, vector<256x64xf32>, vector<256x64xf32> -> vector<256x64xf32>
    %reduce_sum3A_98 = arith.constant dense<0.000000e+00> : vector<64xf32>
    %reduce_sum3A_99 = vector.multi_reduction <add>, %slice3A_95, %reduce_sum3A_98 [0] : vector<256x64xf32> to vector<64xf32>
    %broadcast_in_dim3A_100 = vector.shape_cast %reduce_sum3A_99 : vector<64xf32> to vector<1x64xf32>
    %slice3A_101 = vector.extract_strided_slice %concatenate3A {offsets = [2304, 0], sizes = [256, 64], strides = [1, 1]} : vector<4096x64xf32> to vector<256x64xf32>
    %dot_general3A_102 = arith.constant dense<0.000000e+00> : vector<256x64xf32>
    %dot_general3A_103 = tpu.matmul %select_n3A_48, %slice3A_101, %dot_general3A_102 {dimension_numbers = #tpu.dot_dimension_numbers<[1], [0], [0], [1], [0, 0, 1, 1], [], []>, transpose_lhs_hint = false} : vector<256x256xf32>, vector<256x64xf32>, vector<256x64xf32> -> vector<256x64xf32>
    %reduce_sum3A_104 = arith.constant dense<0.000000e+00> : vector<64xf32>
    %reduce_sum3A_105 = vector.multi_reduction <add>, %slice3A_101, %reduce_sum3A_104 [0] : vector<256x64xf32> to vector<64xf32>
    %broadcast_in_dim3A_106 = vector.shape_cast %reduce_sum3A_105 : vector<64xf32> to vector<1x64xf32>
    %slice3A_107 = vector.extract_strided_slice %concatenate3A {offsets = [2560, 0], sizes = [256, 64], strides = [1, 1]} : vector<4096x64xf32> to vector<256x64xf32>
    %dot_general3A_108 = arith.constant dense<0.000000e+00> : vector<256x64xf32>
    %dot_general3A_109 = tpu.matmul %select_n3A_48, %slice3A_107, %dot_general3A_108 {dimension_numbers = #tpu.dot_dimension_numbers<[1], [0], [0], [1], [0, 0, 1, 1], [], []>, transpose_lhs_hint = false} : vector<256x256xf32>, vector<256x64xf32>, vector<256x64xf32> -> vector<256x64xf32>
    %reduce_sum3A_110 = arith.constant dense<0.000000e+00> : vector<64xf32>
    %reduce_sum3A_111 = vector.multi_reduction <add>, %slice3A_107, %reduce_sum3A_110 [0] : vector<256x64xf32> to vector<64xf32>
    %broadcast_in_dim3A_112 = vector.shape_cast %reduce_sum3A_111 : vector<64xf32> to vector<1x64xf32>
    %slice3A_113 = vector.extract_strided_slice %concatenate3A {offsets = [2816, 0], sizes = [256, 64], strides = [1, 1]} : vector<4096x64xf32> to vector<256x64xf32>
    %dot_general3A_114 = arith.constant dense<0.000000e+00> : vector<256x64xf32>
    %dot_general3A_115 = tpu.matmul %select_n3A_48, %slice3A_113, %dot_general3A_114 {dimension_numbers = #tpu.dot_dimension_numbers<[1], [0], [0], [1], [0, 0, 1, 1], [], []>, transpose_lhs_hint = false} : vector<256x256xf32>, vector<256x64xf32>, vector<256x64xf32> -> vector<256x64xf32>
    %reduce_sum3A_116 = arith.constant dense<0.000000e+00> : vector<64xf32>
    %reduce_sum3A_117 = vector.multi_reduction <add>, %slice3A_113, %reduce_sum3A_116 [0] : vector<256x64xf32> to vector<64xf32>
    %broadcast_in_dim3A_118 = vector.shape_cast %reduce_sum3A_117 : vector<64xf32> to vector<1x64xf32>
    %slice3A_119 = vector.extract_strided_slice %concatenate3A {offsets = [3072, 0], sizes = [256, 64], strides = [1, 1]} : vector<4096x64xf32> to vector<256x64xf32>
    %dot_general3A_120 = arith.constant dense<0.000000e+00> : vector<256x64xf32>
    %dot_general3A_121 = tpu.matmul %select_n3A_48, %slice3A_119, %dot_general3A_120 {dimension_numbers = #tpu.dot_dimension_numbers<[1], [0], [0], [1], [0, 0, 1, 1], [], []>, transpose_lhs_hint = false} : vector<256x256xf32>, vector<256x64xf32>, vector<256x64xf32> -> vector<256x64xf32>
    %reduce_sum3A_122 = arith.constant dense<0.000000e+00> : vector<64xf32>
    %reduce_sum3A_123 = vector.multi_reduction <add>, %slice3A_119, %reduce_sum3A_122 [0] : vector<256x64xf32> to vector<64xf32>
    %broadcast_in_dim3A_124 = vector.shape_cast %reduce_sum3A_123 : vector<64xf32> to vector<1x64xf32>
    %slice3A_125 = vector.extract_strided_slice %concatenate3A {offsets = [3328, 0], sizes = [256, 64], strides = [1, 1]} : vector<4096x64xf32> to vector<256x64xf32>
    %dot_general3A_126 = arith.constant dense<0.000000e+00> : vector<256x64xf32>
    %dot_general3A_127 = tpu.matmul %select_n3A_48, %slice3A_125, %dot_general3A_126 {dimension_numbers = #tpu.dot_dimension_numbers<[1], [0], [0], [1], [0, 0, 1, 1], [], []>, transpose_lhs_hint = false} : vector<256x256xf32>, vector<256x64xf32>, vector<256x64xf32> -> vector<256x64xf32>
    %reduce_sum3A_128 = arith.constant dense<0.000000e+00> : vector<64xf32>
    %reduce_sum3A_129 = vector.multi_reduction <add>, %slice3A_125, %reduce_sum3A_128 [0] : vector<256x64xf32> to vector<64xf32>
    %broadcast_in_dim3A_130 = vector.shape_cast %reduce_sum3A_129 : vector<64xf32> to vector<1x64xf32>
    %slice3A_131 = vector.extract_strided_slice %concatenate3A {offsets = [3584, 0], sizes = [256, 64], strides = [1, 1]} : vector<4096x64xf32> to vector<256x64xf32>
    %dot_general3A_132 = arith.constant dense<0.000000e+00> : vector<256x64xf32>
    %dot_general3A_133 = tpu.matmul %select_n3A_48, %slice3A_131, %dot_general3A_132 {dimension_numbers = #tpu.dot_dimension_numbers<[1], [0], [0], [1], [0, 0, 1, 1], [], []>, transpose_lhs_hint = false} : vector<256x256xf32>, vector<256x64xf32>, vector<256x64xf32> -> vector<256x64xf32>
    %reduce_sum3A_134 = arith.constant dense<0.000000e+00> : vector<64xf32>
    %reduce_sum3A_135 = vector.multi_reduction <add>, %slice3A_131, %reduce_sum3A_134 [0] : vector<256x64xf32> to vector<64xf32>
    %broadcast_in_dim3A_136 = vector.shape_cast %reduce_sum3A_135 : vector<64xf32> to vector<1x64xf32>
    %slice3A_137 = vector.extract_strided_slice %concatenate3A {offsets = [3840, 0], sizes = [256, 64], strides = [1, 1]} : vector<4096x64xf32> to vector<256x64xf32>
    %dot_general3A_138 = arith.constant dense<0.000000e+00> : vector<256x64xf32>
    %dot_general3A_139 = tpu.matmul %select_n3A_48, %slice3A_137, %dot_general3A_138 {dimension_numbers = #tpu.dot_dimension_numbers<[1], [0], [0], [1], [0, 0, 1, 1], [], []>, transpose_lhs_hint = false} : vector<256x256xf32>, vector<256x64xf32>, vector<256x64xf32> -> vector<256x64xf32>
    %reduce_sum3A_140 = arith.constant dense<0.000000e+00> : vector<64xf32>
    %reduce_sum3A_141 = vector.multi_reduction <add>, %slice3A_137, %reduce_sum3A_140 [0] : vector<256x64xf32> to vector<64xf32>
    %broadcast_in_dim3A_142 = vector.shape_cast %reduce_sum3A_141 : vector<64xf32> to vector<1x64xf32>
    %concatenate3A_143 = tpu.concatenate %broadcast_in_dim3A_52, %broadcast_in_dim3A_58, %broadcast_in_dim3A_64, %broadcast_in_dim3A_70, %broadcast_in_dim3A_76, %broadcast_in_dim3A_82, %broadcast_in_dim3A_88, %broadcast_in_dim3A_94, %broadcast_in_dim3A_100, %broadcast_in_dim3A_106, %broadcast_in_dim3A_112, %broadcast_in_dim3A_118, %broadcast_in_dim3A_124, %broadcast_in_dim3A_130, %broadcast_in_dim3A_136, %broadcast_in_dim3A_142 in 0 : vector<1x64xf32>, vector<1x64xf32>, vector<1x64xf32>, vector<1x64xf32>, vector<1x64xf32>, vector<1x64xf32>, vector<1x64xf32>, vector<1x64xf32>, vector<1x64xf32>, vector<1x64xf32>, vector<1x64xf32>, vector<1x64xf32>, vector<1x64xf32>, vector<1x64xf32>, vector<1x64xf32>, vector<1x64xf32> -> vector<16x64xf32>
    %iota3A_144 = tpu.iota {dimensions = array<i32: 0>} : vector<16x16xi32>
    %iota3A_145 = tpu.iota {dimensions = array<i32: 1>} : vector<16x16xi32>
    %gt3A_146 = arith.cmpi sgt, %iota3A_144, %iota3A_145 : vector<16x16xi32>
    %jit3A_147 = arith.constant 1.000000e+00 : f32
    %jit3A_148 = arith.constant 0.000000e+00 : f32
    %broadcast_in_dim3A_149 = vector.broadcast %jit3A_147 : f32 to vector<16x16xf32>
    %broadcast_in_dim3A_150 = vector.broadcast %jit3A_148 : f32 to vector<16x16xf32>
    %select_n3A_151 = arith.select %gt3A_146, %broadcast_in_dim3A_149, %broadcast_in_dim3A_150 : vector<16x16xi1>, vector<16x16xf32>
    %dot_general3A_152 = arith.constant dense<0.000000e+00> : vector<16x64xf32>
    %dot_general3A_153 = tpu.matmul %select_n3A_151, %concatenate3A_143, %dot_general3A_152 {dimension_numbers = #tpu.dot_dimension_numbers<[1], [0], [0], [1], [0, 0, 1, 1], [], []>, transpose_lhs_hint = false} : vector<16x16xf32>, vector<16x64xf32>, vector<16x64xf32> -> vector<16x64xf32>
    %slice3A_154 = vector.extract_strided_slice %dot_general3A_153 {offsets = [0, 0], sizes = [1, 64], strides = [1, 1]} : vector<16x64xf32> to vector<1x64xf32>
    %add3A_155 = vector.broadcast %slice3A_154 : vector<1x64xf32> to vector<256x64xf32>
    %add3A_156 = arith.addf %dot_general3A_50, %add3A_155 : vector<256x64xf32>
    %slice3A_157 = vector.extract_strided_slice %dot_general3A_153 {offsets = [1, 0], sizes = [1, 64], strides = [1, 1]} : vector<16x64xf32> to vector<1x64xf32>
    %add3A_158 = vector.broadcast %slice3A_157 : vector<1x64xf32> to vector<256x64xf32>
    %add3A_159 = arith.addf %dot_general3A_55, %add3A_158 : vector<256x64xf32>
    %slice3A_160 = vector.extract_strided_slice %dot_general3A_153 {offsets = [2, 0], sizes = [1, 64], strides = [1, 1]} : vector<16x64xf32> to vector<1x64xf32>
    %add3A_161 = vector.broadcast %slice3A_160 : vector<1x64xf32> to vector<256x64xf32>
    %add3A_162 = arith.addf %dot_general3A_61, %add3A_161 : vector<256x64xf32>
    %slice3A_163 = vector.extract_strided_slice %dot_general3A_153 {offsets = [3, 0], sizes = [1, 64], strides = [1, 1]} : vector<16x64xf32> to vector<1x64xf32>
    %add3A_164 = vector.broadcast %slice3A_163 : vector<1x64xf32> to vector<256x64xf32>
    %add3A_165 = arith.addf %dot_general3A_67, %add3A_164 : vector<256x64xf32>
    %slice3A_166 = vector.extract_strided_slice %dot_general3A_153 {offsets = [4, 0], sizes = [1, 64], strides = [1, 1]} : vector<16x64xf32> to vector<1x64xf32>
    %add3A_167 = vector.broadcast %slice3A_166 : vector<1x64xf32> to vector<256x64xf32>
    %add3A_168 = arith.addf %dot_general3A_73, %add3A_167 : vector<256x64xf32>
    %slice3A_169 = vector.extract_strided_slice %dot_general3A_153 {offsets = [5, 0], sizes = [1, 64], strides = [1, 1]} : vector<16x64xf32> to vector<1x64xf32>
    %add3A_170 = vector.broadcast %slice3A_169 : vector<1x64xf32> to vector<256x64xf32>
    %add3A_171 = arith.addf %dot_general3A_79, %add3A_170 : vector<256x64xf32>
    %slice3A_172 = vector.extract_strided_slice %dot_general3A_153 {offsets = [6, 0], sizes = [1, 64], strides = [1, 1]} : vector<16x64xf32> to vector<1x64xf32>
    %add3A_173 = vector.broadcast %slice3A_172 : vector<1x64xf32> to vector<256x64xf32>
    %add3A_174 = arith.addf %dot_general3A_85, %add3A_173 : vector<256x64xf32>
    %slice3A_175 = vector.extract_strided_slice %dot_general3A_153 {offsets = [7, 0], sizes = [1, 64], strides = [1, 1]} : vector<16x64xf32> to vector<1x64xf32>
    %add3A_176 = vector.broadcast %slice3A_175 : vector<1x64xf32> to vector<256x64xf32>
    %add3A_177 = arith.addf %dot_general3A_91, %add3A_176 : vector<256x64xf32>
    %slice3A_178 = vector.extract_strided_slice %dot_general3A_153 {offsets = [8, 0], sizes = [1, 64], strides = [1, 1]} : vector<16x64xf32> to vector<1x64xf32>
    %add3A_179 = vector.broadcast %slice3A_178 : vector<1x64xf32> to vector<256x64xf32>
    %add3A_180 = arith.addf %dot_general3A_97, %add3A_179 : vector<256x64xf32>
    %slice3A_181 = vector.extract_strided_slice %dot_general3A_153 {offsets = [9, 0], sizes = [1, 64], strides = [1, 1]} : vector<16x64xf32> to vector<1x64xf32>
    %add3A_182 = vector.broadcast %slice3A_181 : vector<1x64xf32> to vector<256x64xf32>
    %add3A_183 = arith.addf %dot_general3A_103, %add3A_182 : vector<256x64xf32>
    %slice3A_184 = vector.extract_strided_slice %dot_general3A_153 {offsets = [10, 0], sizes = [1, 64], strides = [1, 1]} : vector<16x64xf32> to vector<1x64xf32>
    %add3A_185 = vector.broadcast %slice3A_184 : vector<1x64xf32> to vector<256x64xf32>
    %add3A_186 = arith.addf %dot_general3A_109, %add3A_185 : vector<256x64xf32>
    %slice3A_187 = vector.extract_strided_slice %dot_general3A_153 {offsets = [11, 0], sizes = [1, 64], strides = [1, 1]} : vector<16x64xf32> to vector<1x64xf32>
    %add3A_188 = vector.broadcast %slice3A_187 : vector<1x64xf32> to vector<256x64xf32>
    %add3A_189 = arith.addf %dot_general3A_115, %add3A_188 : vector<256x64xf32>
    %slice3A_190 = vector.extract_strided_slice %dot_general3A_153 {offsets = [12, 0], sizes = [1, 64], strides = [1, 1]} : vector<16x64xf32> to vector<1x64xf32>
    %add3A_191 = vector.broadcast %slice3A_190 : vector<1x64xf32> to vector<256x64xf32>
    %add3A_192 = arith.addf %dot_general3A_121, %add3A_191 : vector<256x64xf32>
    %slice3A_193 = vector.extract_strided_slice %dot_general3A_153 {offsets = [13, 0], sizes = [1, 64], strides = [1, 1]} : vector<16x64xf32> to vector<1x64xf32>
    %add3A_194 = vector.broadcast %slice3A_193 : vector<1x64xf32> to vector<256x64xf32>
    %add3A_195 = arith.addf %dot_general3A_127, %add3A_194 : vector<256x64xf32>
    %slice3A_196 = vector.extract_strided_slice %dot_general3A_153 {offsets = [14, 0], sizes = [1, 64], strides = [1, 1]} : vector<16x64xf32> to vector<1x64xf32>
    %add3A_197 = vector.broadcast %slice3A_196 : vector<1x64xf32> to vector<256x64xf32>
    %add3A_198 = arith.addf %dot_general3A_133, %add3A_197 : vector<256x64xf32>
    %slice3A_199 = vector.extract_strided_slice %dot_general3A_153 {offsets = [15, 0], sizes = [1, 64], strides = [1, 1]} : vector<16x64xf32> to vector<1x64xf32>
    %add3A_200 = vector.broadcast %slice3A_199 : vector<1x64xf32> to vector<256x64xf32>
    %add3A_201 = arith.addf %dot_general3A_139, %add3A_200 : vector<256x64xf32>
    %concatenate3A_202 = tpu.concatenate %add3A_156, %add3A_159, %add3A_162, %add3A_165, %add3A_168, %add3A_171, %add3A_174, %add3A_177, %add3A_180, %add3A_183, %add3A_186, %add3A_189, %add3A_192, %add3A_195, %add3A_198, %add3A_201 in 0 : vector<256x64xf32>, vector<256x64xf32>, vector<256x64xf32>, vector<256x64xf32>, vector<256x64xf32>, vector<256x64xf32>, vector<256x64xf32>, vector<256x64xf32>, vector<256x64xf32>, vector<256x64xf32>, vector<256x64xf32>, vector<256x64xf32>, vector<256x64xf32>, vector<256x64xf32>, vector<256x64xf32>, vector<256x64xf32> -> vector<4096x64xf32>
    %reduce_sum3A_203 = arith.constant dense<0.000000e+00> : vector<64xf32>
    %reduce_sum3A_204 = vector.multi_reduction <add>, %concatenate3A_143, %reduce_sum3A_203 [0] : vector<16x64xf32> to vector<64xf32>
    %broadcast_in_dim3A_205 = vector.shape_cast %reduce_sum3A_204 : vector<64xf32> to vector<1x64xf32>
    %add3A_206 = arith.constant 1.270000e+02 : f32
    %add3A_207 = vector.broadcast %add3A_206 : f32 to vector<1x64xf32>
    %add3A_208 = arith.addf %broadcast_in_dim3A_205, %add3A_207 : vector<1x64xf32>
    %mul3A = arith.constant 7.812500e-03 : f32
    %mul3A_209 = vector.broadcast %mul3A : f32 to vector<1x64xf32>
    %mul3A_210 = arith.mulf %add3A_208, %mul3A_209 : vector<1x64xf32>
    %floor3A = math.floor %mul3A_210 : vector<1x64xf32>
    %mul3A_211 = arith.constant 1.280000e+02 : f32
    %mul3A_212 = vector.broadcast %mul3A_211 : f32 to vector<1x64xf32>
    %mul3A_213 = arith.mulf %floor3A, %mul3A_212 : vector<1x64xf32>
    %iota3A_214 = tpu.iota {dimensions = array<i32: 0>} : vector<64x64xi32>
    %iota3A_215 = tpu.iota {dimensions = array<i32: 1>} : vector<64x64xi32>
    %lt3A = arith.cmpi slt, %iota3A_214, %iota3A_215 : vector<64x64xi32>
    %jit3A_216 = arith.constant 1.000000e+00 : f32
    %jit3A_217 = arith.constant 0.000000e+00 : f32
    %broadcast_in_dim3A_218 = vector.broadcast %jit3A_216 : f32 to vector<64x64xf32>
    %broadcast_in_dim3A_219 = vector.broadcast %jit3A_217 : f32 to vector<64x64xf32>
    %select_n3A_220 = arith.select %lt3A, %broadcast_in_dim3A_218, %broadcast_in_dim3A_219 : vector<64x64xi1>, vector<64x64xf32>
    %dot_general3A_221 = arith.constant dense<0.000000e+00> : vector<1x64xf32>
    %dot_general3A_222 = tpu.matmul %mul3A_213, %select_n3A_220, %dot_general3A_221 {dimension_numbers = #tpu.dot_dimension_numbers<[1], [0], [0], [1], [0, 0, 1, 1], [], []>, transpose_lhs_hint = false} : vector<1x64xf32>, vector<64x64xf32>, vector<1x64xf32> -> vector<1x64xf32>
    %mul3A_223 = arith.mulf %concatenate3A_202, %concatenate3A : vector<4096x64xf32>
    %reduce_sum3A_224 = arith.constant dense<0.000000e+00> : vector<4096xf32>
    %reduce_sum3A_225 = vector.multi_reduction <add>, %mul3A_223, %reduce_sum3A_224 [1] : vector<4096x64xf32> to vector<4096xf32>
    %broadcast_in_dim3A_226 = vector.shape_cast %reduce_sum3A_225 : vector<4096xf32> to vector<4096x1xf32>
    %mul3A_227 = vector.broadcast %dot_general3A_222 : vector<1x64xf32> to vector<4096x64xf32>
    %mul3A_228 = arith.mulf %mul3A_227, %concatenate3A : vector<4096x64xf32>
    %reduce_sum3A_229 = arith.constant dense<0.000000e+00> : vector<4096xf32>
    %reduce_sum3A_230 = vector.multi_reduction <add>, %mul3A_228, %reduce_sum3A_229 [1] : vector<4096x64xf32> to vector<4096xf32>
    %broadcast_in_dim3A_231 = vector.shape_cast %reduce_sum3A_230 : vector<4096xf32> to vector<4096x1xf32>
    %add3A_232 = arith.addf %broadcast_in_dim3A_226, %broadcast_in_dim3A_231 : vector<4096x1xf32>
    %convert_element_type3A_233 = arith.fptosi %add3A_232 : vector<4096x1xf32> to vector<4096x1xi32>
    %swap3A = arith.constant 0 : index
    %swap3A_234 = arith.constant 0 : index
    %swap3A_235 = vector.load %arg2[%swap3A, %swap3A_234] : memref<4096x1xi32, #tpu.memory_space<vmem>>, vector<4096x1xi32>
    tpu.vector_store %arg2[%swap3A, %swap3A_234], %convert_element_type3A_233 {strides = array<i32>} : memref<4096x1xi32, #tpu.memory_space<vmem>>, vector<4096x1xi32>,
    %concatenate3A_236 = tpu.concatenate %div3A_30, %div3A_34 in 0 : vector<2048x1xf32>, vector<2048x1xf32> -> vector<4096x1xf32>
    %swap3A_237 = arith.constant 0 : index
    %swap3A_238 = arith.constant 0 : index
    %swap3A_239 = vector.load %arg3[%swap3A_237, %swap3A_238] : memref<4096x1xf32, #tpu.memory_space<vmem>>, vector<4096x1xf32>
    tpu.vector_store %arg3[%swap3A_237, %swap3A_238], %concatenate3A_236 {strides = array<i32>} : memref<4096x1xf32, #tpu.memory_space<vmem>>, vector<4096x1xf32>,
    %iota3A_240 = tpu.iota {dimensions = array<i32: 0>} : vector<96x64xi32>
    %convert_element_type3A_241 = arith.sitofp %iota3A_240 : vector<96x64xi32> to vector<96x64xf32>
    %mul3A_242 = arith.constant 7.812500e-03 : f32
    %mul3A_243 = vector.broadcast %mul3A_242 : f32 to vector<1x64xf32>
    %mul3A_244 = arith.mulf %dot_general3A_222, %mul3A_243 : vector<1x64xf32>
    %mul3A_245 = arith.constant 7.812500e-03 : f32
    %mul3A_246 = vector.broadcast %mul3A_245 : f32 to vector<1x64xf32>
    %mul3A_247 = arith.mulf %mul3A_213, %mul3A_246 : vector<1x64xf32>
    %ge3A = vector.broadcast %mul3A_244 : vector<1x64xf32> to vector<96x64xf32>
    %ge3A_248 = arith.cmpf oge, %convert_element_type3A_241, %ge3A : vector<96x64xf32>
    %add3A_249 = arith.addf %mul3A_244, %mul3A_247 : vector<1x64xf32>
    %lt3A_250 = vector.broadcast %add3A_249 : vector<1x64xf32> to vector<96x64xf32>
    %lt3A_251 = arith.cmpf olt, %convert_element_type3A_241, %lt3A_250 : vector<96x64xf32>
    %and3A = arith.andi %ge3A_248, %lt3A_251 : vector<96x64xi1>
    %jit3A_252 = arith.constant 1.000000e+00 : f32
    %jit3A_253 = arith.constant 0.000000e+00 : f32
    %broadcast_in_dim3A_254 = vector.broadcast %jit3A_252 : f32 to vector<96x64xf32>
    %broadcast_in_dim3A_255 = vector.broadcast %jit3A_253 : f32 to vector<96x64xf32>
    %select_n3A_256 = arith.select %and3A, %broadcast_in_dim3A_254, %broadcast_in_dim3A_255 : vector<96x64xi1>, vector<96x64xf32>
    %iota3A_257 = tpu.iota {dimensions = array<i32: 1>} : vector<96x64xi32>
    %convert_element_type3A_258 = arith.sitofp %iota3A_257 : vector<96x64xi32> to vector<96x64xf32>
    %gt3A_259 = arith.constant 0.000000e+00 : f32
    %gt3A_260 = vector.broadcast %gt3A_259 : f32 to vector<1x64xf32>
    %gt3A_261 = arith.cmpf ogt, %mul3A_213, %gt3A_260 : vector<1x64xf32>
    %jit3A_262 = arith.constant 1.000000e+00 : f32
    %jit3A_263 = arith.constant 0.000000e+00 : f32
    %broadcast_in_dim3A_264 = vector.broadcast %jit3A_262 : f32 to vector<1x64xf32>
    %broadcast_in_dim3A_265 = vector.broadcast %jit3A_263 : f32 to vector<1x64xf32>
    %select_n3A_266 = arith.select %gt3A_261, %broadcast_in_dim3A_264, %broadcast_in_dim3A_265 : vector<1x64xi1>, vector<1x64xf32>
    %slice3A_267 = vector.extract_strided_slice %convert_element_type3A_258 {offsets = [0, 0], sizes = [1, 64], strides = [1, 1]} : vector<96x64xf32> to vector<1x64xf32>
    %mul3A_268 = arith.mulf %slice3A_267, %select_n3A_266 : vector<1x64xf32>
    %reduce_max3A_269 = arith.constant dense<0xFF800000> : vector<1xf32>
    %reduce_max3A_270 = vector.multi_reduction <maximumf>, %mul3A_268, %reduce_max3A_269 [1] : vector<1x64xf32> to vector<1xf32>
    %broadcast_in_dim3A_271 = vector.shape_cast %reduce_max3A_270 : vector<1xf32> to vector<1x1xf32>
    %reduce_sum3A_272 = arith.constant dense<0.000000e+00> : vector<1xf32>
    %reduce_sum3A_273 = vector.multi_reduction <add>, %mul3A_247, %reduce_sum3A_272 [1] : vector<1x64xf32> to vector<1xf32>
    %broadcast_in_dim3A_274 = vector.shape_cast %reduce_sum3A_273 : vector<1xf32> to vector<1x1xf32>
    %reduce_sum3A_275 = arith.constant dense<0.000000e+00> : vector<96xf32>
    %reduce_sum3A_276 = vector.multi_reduction <add>, %select_n3A_256, %reduce_sum3A_275 [1] : vector<96x64xf32> to vector<96xf32>
    %broadcast_in_dim3A_277 = vector.shape_cast %reduce_sum3A_276 : vector<96xf32> to vector<96x1xf32>
    %mul3A_278 = arith.mulf %select_n3A_256, %convert_element_type3A_258 : vector<96x64xf32>
    %reduce_sum3A_279 = arith.constant dense<0.000000e+00> : vector<96xf32>
    %reduce_sum3A_280 = vector.multi_reduction <add>, %mul3A_278, %reduce_sum3A_279 [1] : vector<96x64xf32> to vector<96xf32>
    %broadcast_in_dim3A_281 = vector.shape_cast %reduce_sum3A_280 : vector<96xf32> to vector<96x1xf32>
    %sub3A_282 = arith.constant 1.000000e+00 : f32
    %sub3A_283 = vector.broadcast %sub3A_282 : f32 to vector<96x1xf32>
    %sub3A_284 = arith.subf %sub3A_283, %broadcast_in_dim3A_277 : vector<96x1xf32>
    %mul3A_285 = vector.broadcast %broadcast_in_dim3A_271 : vector<1x1xf32> to vector<96x1xf32>
    %mul3A_286 = arith.mulf %sub3A_284, %mul3A_285 : vector<96x1xf32>
    %add3A_287 = arith.addf %broadcast_in_dim3A_281, %mul3A_286 : vector<96x1xf32>
    %convert_element_type3A_288 = arith.fptosi %add3A_287 : vector<96x1xf32> to vector<96x1xi32>
    %swap3A_289 = arith.constant 0 : index
    %swap3A_290 = arith.constant 0 : index
    %swap3A_291 = vector.load %arg4[%swap3A_289, %swap3A_290] : memref<104x1xi32, #tpu.memory_space<vmem>>, vector<96x1xi32>
    tpu.vector_store %arg4[%swap3A_289, %swap3A_290], %convert_element_type3A_288 {strides = array<i32>} : memref<104x1xi32, #tpu.memory_space<vmem>>, vector<96x1xi32>,
    %broadcast_in_dim3A_292 = vector.shape_cast %broadcast_in_dim3A_274 : vector<1x1xf32> to vector<1x1xf32>
    %broadcast_in_dim3A_293 = vector.broadcast %broadcast_in_dim3A_292 : vector<1x1xf32> to vector<8x1xf32>
    %convert_element_type3A_294 = arith.fptosi %broadcast_in_dim3A_293 : vector<8x1xf32> to vector<8x1xi32>
    %swap3A_295 = arith.constant 96 : index
    %swap3A_296 = arith.constant 0 : index
    %swap3A_297 = vector.load %arg4[%swap3A_295, %swap3A_296] : memref<104x1xi32, #tpu.memory_space<vmem>>, vector<8x1xi32>
    tpu.vector_store %arg4[%swap3A_295, %swap3A_296], %convert_element_type3A_294 {strides = array<i32>} : memref<104x1xi32, #tpu.memory_space<vmem>>, vector<8x1xi32>,
    return
  }
}

module attributes {stable_mosaic.version = 14 : i64} {
  func.func @_gmm_body(%arg0: i32, %arg1: memref<104xi32, #tpu.memory_space<smem>>, %arg2: memref<128x768xf32, #tpu.memory_space<vmem>>, %arg3: memref<1x768x1536xf32, #tpu.memory_space<vmem>>, %arg4: memref<1x1x1536xf32, #tpu.memory_space<vmem>>, %arg5: memref<1x1536x768xf32, #tpu.memory_space<vmem>>, %arg6: memref<1x1x768xf32, #tpu.memory_space<vmem>>, %arg7: memref<128x768xf32, #tpu.memory_space<vmem>>) attributes {dimension_semantics = [#tpu.dimension_semantics<arbitrary>], iteration_bounds = array<i64: 96>, scalar_prefetch = 1 : i64, scratch_operands = 0 : i64, tpu.core_type = #tpu.core_type<tc>, window_params = [{transform_indices = @transform_0, window_bounds = array<i64: 128, 768>}, {transform_indices = @transform_1, window_bounds = array<i64: 1, 768, 1536>}, {transform_indices = @transform_2, window_bounds = array<i64: 1, 1, 1536>}, {transform_indices = @transform_3, window_bounds = array<i64: 1, 1536, 768>}, {transform_indices = @transform_4, window_bounds = array<i64: 1, 1, 768>}, {transform_indices = @transform_5, window_bounds = array<i64: 128, 768>}]} {
    %get3A = arith.constant 96 : index
    %get3A_0 = memref.load %arg1[%get3A] : memref<104xi32, #tpu.memory_space<smem>>
    %lt3A = arith.cmpi slt, %arg0, %get3A_0 : i32
    %convert_element_type3A = arith.extui %lt3A : i1 to i32
    %cond3A = arith.constant 0 : i32
    %cond3A_1 = arith.cmpi ne, %convert_element_type3A, %cond3A : i32
    scf.if %cond3A_1 {
      %get3A_2 = arith.constant 0 : index
      %get3A_3 = arith.constant 0 : index
      %get3A_4 = vector.load %arg2[%get3A_2, %get3A_3] : memref<128x768xf32, #tpu.memory_space<vmem>>, vector<128x768xf32>
      %get3A_5 = arith.constant 0 : index
      %get3A_6 = arith.constant 0 : index
      %get3A_7 = arith.constant 0 : index
      %get3A_8 = vector.load %arg3[%get3A_5, %get3A_6, %get3A_7] : memref<1x768x1536xf32, #tpu.memory_space<vmem>>, vector<1x768x1536xf32>
      %get3A_9 = vector.shape_cast %get3A_8 : vector<1x768x1536xf32> to vector<768x1536xf32>
      %dot_general3A = arith.constant dense<0.000000e+00> : vector<128x1536xf32>
      %dot_general3A_10 = tpu.matmul %get3A_4, %get3A_9, %dot_general3A {dimension_numbers = #tpu.dot_dimension_numbers<[1], [0], [0], [1], [0, 0, 1, 1], [], []>, transpose_lhs_hint = false} : vector<128x768xf32>, vector<768x1536xf32>, vector<128x1536xf32> -> vector<128x1536xf32>
      %get3A_11 = arith.constant 0 : index
      %get3A_12 = arith.constant 0 : index
      %get3A_13 = arith.constant 0 : index
      %get3A_14 = vector.load %arg4[%get3A_11, %get3A_12, %get3A_13] : memref<1x1x1536xf32, #tpu.memory_space<vmem>>, vector<1x1x1536xf32>
      %get3A_15 = vector.shape_cast %get3A_14 : vector<1x1x1536xf32> to vector<1x1536xf32>
      %add3A = vector.broadcast %get3A_15 : vector<1x1536xf32> to vector<128x1536xf32>
      %add3A_16 = arith.addf %dot_general3A_10, %add3A : vector<128x1536xf32>
      %mul3A = arith.constant 5.000000e-01 : f32
      %mul3A_17 = vector.broadcast %mul3A : f32 to vector<128x1536xf32>
      %mul3A_18 = arith.mulf %mul3A_17, %add3A_16 : vector<128x1536xf32>
      %mul3A_19 = arith.constant 0.707106769 : f32
      %mul3A_20 = vector.broadcast %mul3A_19 : f32 to vector<128x1536xf32>
      %mul3A_21 = arith.mulf %add3A_16, %mul3A_20 : vector<128x1536xf32>
      %erf3A = math.erf %mul3A_21 : vector<128x1536xf32>
      %add3A_22 = arith.constant 1.000000e+00 : f32
      %add3A_23 = vector.broadcast %add3A_22 : f32 to vector<128x1536xf32>
      %add3A_24 = arith.addf %add3A_23, %erf3A : vector<128x1536xf32>
      %mul3A_25 = arith.mulf %mul3A_18, %add3A_24 : vector<128x1536xf32>
      %get3A_26 = arith.constant 0 : index
      %get3A_27 = arith.constant 0 : index
      %get3A_28 = arith.constant 0 : index
      %get3A_29 = vector.load %arg5[%get3A_26, %get3A_27, %get3A_28] : memref<1x1536x768xf32, #tpu.memory_space<vmem>>, vector<1x1536x768xf32>
      %get3A_30 = vector.shape_cast %get3A_29 : vector<1x1536x768xf32> to vector<1536x768xf32>
      %dot_general3A_31 = arith.constant dense<0.000000e+00> : vector<128x768xf32>
      %dot_general3A_32 = tpu.matmul %mul3A_25, %get3A_30, %dot_general3A_31 {dimension_numbers = #tpu.dot_dimension_numbers<[1], [0], [0], [1], [0, 0, 1, 1], [], []>, transpose_lhs_hint = false} : vector<128x1536xf32>, vector<1536x768xf32>, vector<128x768xf32> -> vector<128x768xf32>
      %get3A_33 = arith.constant 0 : index
      %get3A_34 = arith.constant 0 : index
      %get3A_35 = arith.constant 0 : index
      %get3A_36 = vector.load %arg6[%get3A_33, %get3A_34, %get3A_35] : memref<1x1x768xf32, #tpu.memory_space<vmem>>, vector<1x1x768xf32>
      %get3A_37 = vector.shape_cast %get3A_36 : vector<1x1x768xf32> to vector<1x768xf32>
      %add3A_38 = vector.broadcast %get3A_37 : vector<1x768xf32> to vector<128x768xf32>
      %add3A_39 = arith.addf %dot_general3A_32, %add3A_38 : vector<128x768xf32>
      %swap3A = arith.constant 0 : index
      %swap3A_40 = arith.constant 0 : index
      %swap3A_41 = vector.load %arg7[%swap3A, %swap3A_40] : memref<128x768xf32, #tpu.memory_space<vmem>>, vector<128x768xf32>
      tpu.vector_store %arg7[%swap3A, %swap3A_40], %add3A_39 {strides = array<i32>} : memref<128x768xf32, #tpu.memory_space<vmem>>, vector<128x768xf32>,
    } else {
    }
    return
  }
  func.func @transform_0(%arg0: i32, %arg1: memref<104xi32, #tpu.memory_space<smem>>) -> (i32, i32) {
    %get3A = arith.constant 96 : index
    %get3A_0 = memref.load %arg1[%get3A] : memref<104xi32, #tpu.memory_space<smem>>
    %sub3A = arith.constant 1 : i32
    %sub3A_1 = arith.subi %get3A_0, %sub3A : i32
    %min3A = arith.minsi %arg0, %sub3A_1 : i32
    %c0_i32 = arith.constant 0 : i32
    %c0_i32_2 = arith.constant 0 : i32
    return %min3A, %c0_i32 : i32, i32
  }
  func.func @transform_1(%arg0: i32, %arg1: memref<104xi32, #tpu.memory_space<smem>>) -> (i32, i32, i32) {
    %get3A = arith.index_cast %arg0 : i32 to index
    %get3A_0 = memref.load %arg1[%get3A] : memref<104xi32, #tpu.memory_space<smem>>
    %c0_i32 = arith.constant 0 : i32
    %c0_i32_1 = arith.constant 0 : i32
    %c0_i32_2 = arith.constant 0 : i32
    return %get3A_0, %c0_i32, %c0_i32_1 : i32, i32, i32
  }
  func.func @transform_2(%arg0: i32, %arg1: memref<104xi32, #tpu.memory_space<smem>>) -> (i32, i32, i32) {
    %get3A = arith.index_cast %arg0 : i32 to index
    %get3A_0 = memref.load %arg1[%get3A] : memref<104xi32, #tpu.memory_space<smem>>
    %c0_i32 = arith.constant 0 : i32
    %c0_i32_1 = arith.constant 0 : i32
    %c0_i32_2 = arith.constant 0 : i32
    return %get3A_0, %c0_i32, %c0_i32_1 : i32, i32, i32
  }
  func.func @transform_3(%arg0: i32, %arg1: memref<104xi32, #tpu.memory_space<smem>>) -> (i32, i32, i32) {
    %get3A = arith.index_cast %arg0 : i32 to index
    %get3A_0 = memref.load %arg1[%get3A] : memref<104xi32, #tpu.memory_space<smem>>
    %c0_i32 = arith.constant 0 : i32
    %c0_i32_1 = arith.constant 0 : i32
    %c0_i32_2 = arith.constant 0 : i32
    return %get3A_0, %c0_i32, %c0_i32_1 : i32, i32, i32
  }
  func.func @transform_4(%arg0: i32, %arg1: memref<104xi32, #tpu.memory_space<smem>>) -> (i32, i32, i32) {
    %get3A = arith.index_cast %arg0 : i32 to index
    %get3A_0 = memref.load %arg1[%get3A] : memref<104xi32, #tpu.memory_space<smem>>
    %c0_i32 = arith.constant 0 : i32
    %c0_i32_1 = arith.constant 0 : i32
    %c0_i32_2 = arith.constant 0 : i32
    return %get3A_0, %c0_i32, %c0_i32_1 : i32, i32, i32
  }
  func.func @transform_5(%arg0: i32, %arg1: memref<104xi32, #tpu.memory_space<smem>>) -> (i32, i32) {
    %get3A = arith.constant 96 : index
    %get3A_0 = memref.load %arg1[%get3A] : memref<104xi32, #tpu.memory_space<smem>>
    %sub3A = arith.constant 1 : i32
    %sub3A_1 = arith.subi %get3A_0, %sub3A : i32
    %min3A = arith.minsi %arg0, %sub3A_1 : i32
    %c0_i32 = arith.constant 0 : i32
    %c0_i32_2 = arith.constant 0 : i32
    return %min3A, %c0_i32 : i32, i32
  }
}

</mosaic_0001>

<sc_bundles>
// kernel: kernel.6.cloned.1.call-start
scs
__scs_entry_jumppad:
0x0: {  	(pc) =	sbr.rel $0x88, $3  }
0x1: {  	(tag) =	ssettag $0x0;
	lr =	simm.s32 $0x1  }
0x2: {  	[smem:$0x3F9B] =	sst lr;
	_ =	strace $0xD0000000  }
0x3: {  	_ = 	snop  }
0x4: {  	_ = 	snop  }
0x5: {  	_ = 	snop  }
0x6: {  	_ = 	snop  }
0x7: {  	_ = 	snop  }
__scs_overlays_trampoline_lowered:
0x8: {  	[smem:$0x3FAA] =	sst s0  }
0x9: {  	[smem:$0x3FAB] =	sst s1  }
0xa: {  	[smem:$0x3FAC] =	sst s2  }
0xb: {  	[smem:$0x3FAD] =	sst s3  }
0xc: {  	[smem:$0x3FAE] =	sst s4  }
0xd: {  	[smem:$0x3FAF] =	sst s5  }
0xe: {  	[smem:$0x3FB0] =	sst s6  }
0xf: {  	[smem:$0x3FB1] =	sst s7  }
0x10: {  	[smem:$0x3FB2] =	sst s8  }
0x11: {  	[smem:$0x3FB3] =	sst s9;
	s0 =	simm.s32 @!p0 $0x0  }
0x12: {  	s1 =	sld [smem:$0x3F99];
	s0 =	simm.s32 @p0 $0x1  }
0x13: {  	[smem:$0x3FB4] =	sst s0;
	s0 =	simm.s32 @!p1 $0x0  }
0x14: {  	s2 =	sld [smem:$0x3F98];
	s0 =	simm.s32 @p1 $0x1  }
0x15: {  	[smem:$0x3FB5] =	sst s0;
	s0 =	simm.s32 @!p2 $0x0  }
0x16: {  	s3 =	sld [smem:$0x3FDB];
	s0 =	simm.s32 @p2 $0x1  }
0x17: {  	s4 =	simm.s32 $0x1BF5;
	[smem:$0x3FB7] =	sst s0  }
0x18: {  	s0 =	sld [smem:$0x3F9A];
	_ =	swait.ge [sflag:s4], $0x0  }
0x19: {  	s7 =	sld [smem:$0x3F9B]  }
0x1a: {  	s8 =	sadd.s32 $0xFFFFE003, lr  }
0x1b: {  	s9 =	sadd.s32 $0xFFFFFEF7, lr;
	s5 =	simm.s32 $0xFFFFFFFF;
	p2 =	slt.u32 s8, $0xFFFFF086  }
0x1c: {  	p1 =	slt.u32 s9, $0xF7A;
	s5 =	simm.s32 @!p2 $0x0  }
0x1d: {  	s5 =	simm.s32 @p1 $0x1;
	p0 =	seq.s32 s7, s2  }
0x1e: {  	s7 =	smul.u32 @!p0 $0xF7A, s2;
	p2 =	seq.s32 @!p0 s5, $0x0  }
0x1f: {  	s9 =	smul.u32 $0xF7A, s1;
	s8 =	simm.s32 @!p0 $0x1BF5;
	p2 =	por !p2, p0  }
0x20: {  	[sflag:s8] =	ssyncset.s32 @!p0 $0xFFFFF086;
	s6 =	sadd.s32 @!p0 s3, s7;
	s7 =	simm.s32 @!p0 $0x108  }
0x21: {  	s3 =	sadd.s32 s3, s9;
	s6 =	sadd.s32 @!p0 $0x88, s6;
	s7 =	simm.s32 @p2 $0x1082  }
0x22: {  	[simem:s7], [sflag:s8] =	dma.local @!p0 [hbm:s6], $0xF7A  }
0x23: {  	s9 =	sor.u32 $0xD0000000, s2;
	s6 =	simm.s32 $0x108;
	_ =	swait.ge @!p0 [sflag:s8], $0x0  }
0x24: {  	s3 =	sadd.s32 $0x88, s3;
	s6 =	simm.s32 @!p1 $0x1082;
	[sflag:s4] =	ssyncset.s32 $0xFFFFF086  }
0x25: {  	[simem:s6], [sflag:s4] =	dma.local [hbm:s3], $0xF7A  }
0x26: {  	[smem:$0x3F9B] =	sst s1;
	(tag) =	ssettag s2;
	_ =	strace s9  }
0x27: {  	s1 =	sld [smem:$0x3FAB]  }
0x28: {  	s2 =	sld [smem:$0x3FAC]  }
0x29: {  	s4 =	sld [smem:$0x3FAE]  }
0x2a: {  	p0 =	seq.s32 s5, $0x0;
	s5 =	sld [smem:$0x3FAF]  }
0x2b: {  	s6 =	sld [smem:$0x3FB0]  }
0x2c: {  	s7 =	sld [smem:$0x3FB1]  }
0x2d: {  	s3 =	simm.s32 $0x108;
	s8 =	sld [smem:$0x3FB2]  }
0x2e: {  	s3 =	simm.s32 @!p0 $0x1082;
	s9 =	sld [smem:$0x3FB3]  }
0x2f: {  	lr =	sadd.s32 s0, s3;
	s0 =	sld [smem:$0x3FAA]  }
0x30: {  	s3 =	sld [smem:$0x3FAD]  }
0x31: {  	[smem:$0x3FB6] =	sst s10  }
0x32: {  	s10 =	sld [smem:$0x3FB4];
	_ =	sdelay $0x3  }
0x33: {  	p0 =	seq.s32 s10, $0x1;
	s10 =	sld [smem:$0x3FB6];
	_ =	sdelay $0x3  }
0x34: {  	[smem:$0x3FB6] =	sst s10  }
0x35: {  	s10 =	sld [smem:$0x3FB5];
	_ =	sdelay $0x3  }
0x36: {  	p1 =	seq.s32 s10, $0x1;
	s10 =	sld [smem:$0x3FB6];
	_ =	sdelay $0x3  }
0x37: {  	[smem:$0x3FB6] =	sst s10  }
0x38: {  	s10 =	sld [smem:$0x3FB7]  }
0x39: {  	_ = 	snop;
	(pc) =	sbr.ind lr, $3  }
0x3a: {  	_ = 	snop  }
0x3b: {  	_ = 	snop  }
0x3c: {  	p2 =	seq.s32 s10, $0x1;
	s10 =	sld [smem:$0x3FB6]  }
0x3d: {  	_ =	shalt  }
0x3e: {  	_ =	shalt  }
0x3f: {  	_ =	shalt  }
0x40: {  	_ =	shalt  }
0x41: {  	_ =	shalt  }
0x42: {  	_ =	shalt  }
0x43: {  	_ =	shalt  }
0x44: {  	_ =	shalt  }
0x45: {  	_ =	shalt  }
0x46: {  	_ =	shalt  }
0x47: {  	_ =	shalt  }
0x48: {  	_ =	shalt  }
0x49: {  	_ =	shalt  }
0x4a: {  	_ =	shalt  }
0x4b: {  	_ =	shalt  }
0x4c: {  	_ =	shalt  }
0x4d: {  	_ =	shalt  }
0x4e: {  	_ =	shalt  }
0x4f: {  	_ =	shalt  }
0x50: {  	_ =	shalt  }
0x51: {  	_ =	shalt  }
0x52: {  	_ =	shalt  }
0x53: {  	_ =	shalt  }
0x54: {  	_ =	shalt  }
0x55: {  	_ =	shalt  }
0x56: {  	_ =	shalt  }
0x57: {  	_ =	shalt  }
0x58: {  	_ =	shalt  }
0x59: {  	_ =	shalt  }
0x5a: {  	_ =	shalt  }
0x5b: {  	_ =	shalt  }
0x5c: {  	_ =	shalt  }
0x5d: {  	_ =	shalt  }
0x5e: {  	_ =	shalt  }
0x5f: {  	_ =	shalt  }
0x60: {  	_ =	shalt  }
0x61: {  	_ =	shalt  }
0x62: {  	_ =	shalt  }
0x63: {  	_ =	shalt  }
0x64: {  	_ =	shalt  }
0x65: {  	_ =	shalt  }
0x66: {  	_ =	shalt  }
0x67: {  	_ =	shalt  }
0x68: {  	_ =	shalt  }
0x69: {  	_ =	shalt  }
0x6a: {  	_ =	shalt  }
0x6b: {  	_ =	shalt  }
0x6c: {  	_ =	shalt  }
0x6d: {  	_ =	shalt  }
0x6e: {  	_ =	shalt  }
0x6f: {  	_ =	shalt  }
0x70: {  	_ =	shalt  }
0x71: {  	_ =	shalt  }
0x72: {  	_ =	shalt  }
0x73: {  	_ =	shalt  }
0x74: {  	_ =	shalt  }
0x75: {  	_ =	shalt  }
0x76: {  	_ =	shalt  }
0x77: {  	_ =	shalt  }
0x78: {  	_ =	shalt  }
0x79: {  	_ =	shalt  }
0x7a: {  	_ =	shalt  }
0x7b: {  	_ =	shalt  }
0x7c: {  	_ =	shalt  }
0x7d: {  	_ =	shalt  }
0x7e: {  	_ =	shalt  }
0x7f: {  	_ =	shalt  }
0x80: {  	_ =	shalt  }
0x81: {  	_ =	shalt  }
0x82: {  	_ =	shalt  }
0x83: {  	_ =	shalt  }
0x84: {  	_ =	shalt  }
0x85: {  	_ =	shalt  }
0x86: {  	_ =	shalt  }
0x87: {  	_ =	shalt  }
.Lfunc_end0:
.L_simem_size_0:
called_computation_lowered:
.L_overlay_start_0:
0x88: {  	s2 =	sld [smem:$0x3FD9]  }
0x89: {  	s3 =	sld [smem:$0x3FFE];
	_ =	sdelay $0x1  }
0x8a: {  	s1 =	srdreg.scid  }
0x8b: {  	s0 =	sand.u32 $0x1, s1  }
0x8c: {  	s17 =	sshll.u32 s0, $0xA;
	s2 =	sadd.s32 s3, s2  }
0x8d: {  	s2 =	sadd.s32 s2, s17  }
0x8e: {  	[smem:$0x3FC2] =	sst s2  }
0x8f: {  	_ = 	snop  }
0x90: {  	s2 =	sld [smem:$0x3FC9]  }
0x91: {  	s18 =	sld [smem:$0x3FD0];
	(tm) =	ssettm $0x1  }
0x92: {  	s4 =	sld [smem:$0x3FFB];
	_ =	sdelay $0x3  }
0x93: {  	_ =	strace s4  }
0x94: {  	s4 =	sld [smem:$0x3FFC];
	_ =	sdelay $0x3  }
0x95: {  	_ =	strace s4  }
0x96: {  	s4 =	sld [smem:$0x3FFD];
	_ =	sdelay $0x3  }
0x97: {  	_ =	strace s4  }
0x98: {  	_ =	strace $0x8FFFFFFF  }
0x99: {  	s19 =	sld [smem:$0x3FDB];
	_ =	sdelay $0x1  }
0x9a: {  	s5 =	simm.s32 $_scs_section_size  }
0x9b: {  	s6 =	simm.s32 $_size__tile_overlayer_lowered;
	s7 =	simm.s32 $_tile_overlayer_lowered  }
0x9c: {  	s22 =	simm.s32 $0x1BFF;
	s21 =	sshll.u32 s7, $0x1;
	s4 =	sadd.s32 s5, s19  }
0x9d: {  	s8 =	simm.s32 $0x0;
	s20 =	sshll.u32 s6, $0x1;
	s6 =	sadd.s32 s21, s4  }
0x9e: {  	[timem:s8], [sflag:s22] =	dma.local [hbm:s6], s20  }
0x9f: {  	_ =	swait.ge [sflag:s22], s20  }
0xa0: {  	s5 =	ssub.s32 $0x0, s20;
	[sflag:s22] =	ssyncset.done $0x0  }
0xa1: {  	[sflag:s22] =	ssyncadd.s32 s5;
	_ =	sdelay $0x1  }
0xa2: {  	s23 =	simm.s32 $0x1B8B  }
0xa3: {  	_ =	swait.ge [sflag:s23], $0x1  }
0xa4: {  	[sflag:s23] =	ssyncset.done $0x0  }
0xa5: {  	s25 =	simm.s32 $0x1B8E;
	s24 =	sld [smem:$0x3FFE];
	[sflag:s23] =	ssyncadd.s32 $0xFFFFFFFF  }
0xa6: {  	s26 =	simm.s32 $execute0_lowered;
	[smem:$0x3FD2] =	sst s25  }
0xa7: {  	s6 =	sshll.u32 s26, $0x1;
	_ =	strace $0x80000046;
	[dreg:$0x1] =	wrdreg $0xFFFFFFFF  }
0xa8: {  	s28 =	simm.s32 $_size_execute0_lowered;
	s4 =	sadd.s32 s4, s6;
	[dreg:$0x0] =	wrdreg $0x0  }
0xa9: {  	s6 =	sshll.u32 s28, $0x1;
	[dreg:$0x2] =	wrdreg s4  }
0xaa: {  	[dreg:$0x3] =	wrdreg s6  }
0xab: {  	[dreg:$0x4] =	wrdreg $0xC0  }
0xac: {  	_ =	task [dreg:s8], $0x5FFFF  }
0xad: {  	[dreg:$0x1] =	wrdreg $0xFFFFFFFF  }
0xae: {  	[dreg:$0x0] =	wrdreg $0x60  }
0xaf: {  	[dreg:$0x2] =	wrdreg s2  }
0xb0: {  	[dreg:$0x3] =	wrdreg s18  }
0xb1: {  	[dreg:$0x4] =	wrdreg s24  }
0xb2: {  	[dreg:$0x5] =	wrdreg $0x9  }
0xb3: {  	_ =	task.clear_ibuf [dreg:s8], $0x6FFFF;
	_ =	strace $0x90000046  }
0xb4: {  	s29 =	simm.s32 $0x9;
	_ =	strace $0x80000048  }
0xb5: {  	_ =	swait.ge [sflag:s29], $0x1  }
0xb6: {  	[sflag:s29] =	ssyncadd.s32 $0xFFFFFFFF  }
0xb7: {  	_ =	strace $0x90000048  }
0xb8: {  	_ =	sfence  }
0xb9: {  	s30 =	sld [smem:$0x0];
	_ =	sdelay $0x2  }
0xba: {  	s31 =	sshll.u32 s1, $0xD;
	s1 =	sshrl.u32 s1, $0x2  }
0xbb: {  	s3 =	sand.u32 $0x4000, s31;
	s1 =	sadd.s32 s1, s30  }
0xbc: {  	s0 =	sor.u32 s3, s0;
	s1 =	sshll.u32 s1, $0x11  }
0xbd: {  	s0 =	sor.u32 s1, s0  }
0xbe: {  	s0 =	sadd.s32 $0x8F2B, s0  }
0xbf: {  	[sflag:s0] =	ssyncadd.remote.s32 $0x1  }
0xc0: {  	_ =	sfence.sel $0xFFFF  }
0xc1: {  	[dreg:$0x0] =	wrdreg $0xFFFFFFFF;
	(pc) =	sbr.abs _section_cstart, $3  }
0xc2: {  	[dreg:$0x1] =	wrdreg $0xFFFFFFFF  }
0xc3: {  	_ =	task.clear_ibuf [dreg:s8], $0x2FFFF;
	_ =	strace $0x9FFFFFFF  }
0xc4: {  	(tm) =	ssettm $0x7FFFFFFF  }
0xc5: {  	_ =	shalt  }
tec
execute0_lowered:
.L_overlay_start_1:
0x0: {  	(tag) =	ssettag $0x1  }
0x1: {  	s1 =	rddreg [dreg:$0x0]  }
0x2: {  	s0 =	rddreg [dreg:$0x1]  }
0x3: {  	s2 =	rddreg [dreg:$0x2];
	s4 =	srdreg.scid;
	s3 =	simm.s32 $0x0  }
0x4: {  	s6 =	stileid.u32;
	s25 =	simm.s32 $0x80;
	s26 =	simm.s32 $0x100  }
0x5: {  	s28 =	simm.s32 $0x3180;
	s29 =	simm.s32 $0x3980;
	s30 =	simm.s32 $0x4180  }
0x6: {  	s31 =	simm.s32 $0x4980;
	s11 =	simm.s32 $0x6180;
	s12 =	simm.s32 $0x6980  }
0x7: {  	s13 =	simm.s32 $0x7180;
	s14 =	simm.s32 $0x7980;
	s10 =	simm.s32 $0x8180  }
0x8: {  	s15 =	simm.s32 $0x8980;
	s16 =	simm.s32 $0x9180;
	s17 =	simm.s32 $0x9980  }
0x9: {  	s18 =	simm.s32 $0xA180;
	s19 =	simm.s32 $0xA980;
	s5 =	sand.u32 $0x1, s4  }
0xa: {  	[smem:$0x7FF] =	sst s3;
	s20 =	sshll.u32 s6, $0x5;
	s4 =	sadd.s32 $0x400, s2  }
0xb: {  	s8 =	sadd.s32 $0x600, s2;
	_ =	strace $0x80000047;
	[dreg:$0x7] =	wrdreg s25  }
0xc: {  	s21 =	sshll.u32 s5, $0x4;
	s5 =	ssub.s32 $0x2, s5;
	[dreg:$0x8] =	wrdreg s26  }
0xd: {  	s25 =	simm.s32 $0x2180;
	s26 =	simm.s32 $0x2980;
	s6 =	sor.u32 s21, s20  }
0xe: {  	s23 =	sshrl.u32 s5, $0x1;
	s20 =	simm.s32 $0xB180;
	s7 =	sadd.s32 s6, s2  }
0xf: {  	s0 =	sadd.s32 s0, s6;
	s9 =	ssub.s32 s5, s23;
	s5 =	sadd.s32 $0x100, s1  }
0x10: {  	v2 =	vlaneseq.u32;
	s6 =	sadd.s32 $0x200, s1;
	[dreg:$0x4] =	wrdreg s0;
	s22 =	sadd.s32 $0x200, s7  }
0x11: {  	vm0 =	vmmov $0xffff;
	v1 =	vshrl.u32 v2, $0x3;
	s24 =	sadd.s32 $0x208, s7;
	s7 =	sadd.s32 $0x500, s2;
	[dreg:$0x5] =	wrdreg s22  }
0x12: {  	v0 =	vand.u32 $0x7, v2;
	v2 =	vor.u32 $0x8, v2;
	v1 =	vmul.u32 $0x8, v1;
	s9 =	smax.u32 s9, $0x1;
	s2 =	simm.s32 $0x5980;
	[dreg:$0x6] =	wrdreg s24  }
.LBB2_1:
0x13: {  	s21 =	rddreg [dreg:$0x4]  }
0x14: {  	s0 =	rddreg [dreg:$0x5]  }
0x15: {  	s22 =	rddreg [dreg:$0x7]  }
0x16: {  	[tilespmem:s3], [sflag:$0x1] =	stream.linear.gather [hbm4b:s21+s3], $0x80, $0x38;
	[tilespmem:$0x18180] =	vst v63  }
0x17: {  	s23 =	rddreg [dreg:$0x6]  }
0x18: {  	[tilespmem:s22], [sflag:$0x2] =	stream.linear.gather [hbm4b:s0+s3], $0x40, $0x38;
	[tilespmem:$0x18180] =	vst v63  }
0x19: {  	s24 =	rddreg [dreg:$0x8];
	s0 =	simm.s32 $0x1  }
0x1a: {  	[tilespmem:s24], [sflag:$0x3] =	stream.linear.gather [hbm4b:s23+s3], $0x40, $0x38;
	[tilespmem:$0x18180] =	vst v63  }
0x1b: {  	_ =	swait.ge [sflag:s0], $0x80  }
0x1c: {  	[sflag:s0] =	ssyncset.done $0x0  }
0x1d: {  	[sflag:s0] =	ssyncadd.s32 $0xFFFFFF80  }
0x1e: {  	v3 =	vld [tilespmem:$0x0];
	_ =	sdelay $0x4  }
0x1f: {  	v4 =	vshrl.u32 v3, $0x3  }
0x20: {  	v4 =	vmul.u32 $0x30, v4  }
0x21: {  	v3 =	vand.u32 $0x7, v3  }
0x22: {  	v3 =	vor.u32 v3, v4  }
0x23: {  	v4 =	vperm.xlane v3, v0;
	_ =	sdelay $0x1  }
0x24: {  	v4 =	vadd.s32 v1, v4;
	_ =	sdelay $0x3  }
0x25: {  	s21 =	simm.s32 $0x180;
	v3 =	vperm.xlane v3, v2  }
0x26: {  	[tilespmem:s21], [sflag:$0x4] =	stream.indirect_vreg.gather [hbm4b:s1+s3], $0x80, v4, vm0, $0xb8;
	[tilespmem:$0x18180] =	vst v63  }
0x27: {  	s22 =	simm.s32 $0x980;
	v3 =	vadd.s32 v1, v3  }
0x28: {  	[tilespmem:s22], [sflag:$0x4] =	stream.indirect_vreg.gather [hbm4b:s5+s3], $0x80, v4, vm0, $0xb8;
	[tilespmem:$0x18180] =	vst v63  }
0x29: {  	s23 =	simm.s32 $0x1180  }
0x2a: {  	[tilespmem:s23], [sflag:$0x4] =	stream.indirect_vreg.gather [hbm4b:s6+s3], $0x80, v4, vm0, $0xb8;
	[tilespmem:$0x18180] =	vst v63  }
0x2b: {  	s24 =	simm.s32 $0x1980  }
0x2c: {  	[tilespmem:s24], [sflag:$0x4] =	stream.indirect_vreg.gather [hbm4b:s1+s3], $0x80, v3, vm0, $0xb8;
	[tilespmem:$0x18180] =	vst v63  }
0x2d: {  	_ = 	snop  }
0x2e: {  	[tilespmem:s25], [sflag:$0x4] =	stream.indirect_vreg.gather [hbm4b:s5+s3], $0x80, v3, vm0, $0xb8;
	[tilespmem:$0x18180] =	vst v63  }
0x2f: {  	_ = 	snop  }
0x30: {  	[tilespmem:s26], [sflag:$0x4] =	stream.indirect_vreg.gather [hbm4b:s6+s3], $0x80, v3, vm0, $0xb8;
	[tilespmem:$0x18180] =	vst v63  }
0x31: {  	v3 =	vld [tilespmem:$0x10];
	_ =	sdelay $0x4  }
0x32: {  	v49 =	vshrl.u32 v3, $0x3  }
0x33: {  	v4 =	vmul.u32 $0x30, v49  }
0x34: {  	v3 =	vand.u32 $0x7, v3  }
0x35: {  	v3 =	vor.u32 v3, v4  }
0x36: {  	v4 =	vperm.xlane v3, v0;
	_ =	sdelay $0x1  }
0x37: {  	v4 =	vadd.s32 v1, v4;
	_ =	sdelay $0x3  }
0x38: {  	v3 =	vperm.xlane v3, v2  }
0x39: {  	[tilespmem:s28], [sflag:$0x4] =	stream.indirect_vreg.gather [hbm4b:s1+s3], $0x80, v4, vm0, $0xb8;
	[tilespmem:$0x18180] =	vst v63  }
0x3a: {  	v3 =	vadd.s32 v1, v3  }
0x3b: {  	[tilespmem:s29], [sflag:$0x4] =	stream.indirect_vreg.gather [hbm4b:s5+s3], $0x80, v4, vm0, $0xb8;
	[tilespmem:$0x18180] =	vst v63  }
0x3c: {  	_ = 	snop  }
0x3d: {  	[tilespmem:s30], [sflag:$0x4] =	stream.indirect_vreg.gather [hbm4b:s6+s3], $0x80, v4, vm0, $0xb8;
	[tilespmem:$0x18180] =	vst v63  }
0x3e: {  	_ = 	snop  }
0x3f: {  	[tilespmem:s31], [sflag:$0x4] =	stream.indirect_vreg.gather [hbm4b:s1+s3], $0x80, v3, vm0, $0xb8;
	[tilespmem:$0x18180] =	vst v63  }
0x40: {  	s0 =	simm.s32 $0x5180  }
0x41: {  	[tilespmem:s0], [sflag:$0x4] =	stream.indirect_vreg.gather [hbm4b:s5+s3], $0x80, v3, vm0, $0xb8;
	[tilespmem:$0x18180] =	vst v63  }
0x42: {  	_ = 	snop  }
0x43: {  	[tilespmem:s2], [sflag:$0x4] =	stream.indirect_vreg.gather [hbm4b:s6+s3], $0x80, v3, vm0, $0xb8;
	[tilespmem:$0x18180] =	vst v63  }
0x44: {  	v3 =	vld [tilespmem:$0x20];
	_ =	sdelay $0x4  }
0x45: {  	v50 =	vshrl.u32 v3, $0x3  }
0x46: {  	v4 =	vmul.u32 $0x30, v50  }
0x47: {  	v3 =	vand.u32 $0x7, v3  }
0x48: {  	v3 =	vor.u32 v3, v4  }
0x49: {  	v4 =	vperm.xlane v3, v0;
	_ =	sdelay $0x1  }
0x4a: {  	v4 =	vadd.s32 v1, v4;
	_ =	sdelay $0x3  }
0x4b: {  	v3 =	vperm.xlane v3, v2  }
0x4c: {  	[tilespmem:s11], [sflag:$0x4] =	stream.indirect_vreg.gather [hbm4b:s1+s3], $0x80, v4, vm0, $0xb8;
	[tilespmem:$0x18180] =	vst v63  }
0x4d: {  	v3 =	vadd.s32 v1, v3  }
0x4e: {  	[tilespmem:s12], [sflag:$0x4] =	stream.indirect_vreg.gather [hbm4b:s5+s3], $0x80, v4, vm0, $0xb8;
	[tilespmem:$0x18180] =	vst v63  }
0x4f: {  	_ = 	snop  }
0x50: {  	[tilespmem:s13], [sflag:$0x4] =	stream.indirect_vreg.gather [hbm4b:s6+s3], $0x80, v4, vm0, $0xb8;
	[tilespmem:$0x18180] =	vst v63  }
0x51: {  	_ = 	snop  }
0x52: {  	[tilespmem:s14], [sflag:$0x4] =	stream.indirect_vreg.gather [hbm4b:s1+s3], $0x80, v3, vm0, $0xb8;
	[tilespmem:$0x18180] =	vst v63  }
0x53: {  	_ = 	snop  }
0x54: {  	[tilespmem:s10], [sflag:$0x4] =	stream.indirect_vreg.gather [hbm4b:s5+s3], $0x80, v3, vm0, $0xb8;
	[tilespmem:$0x18180] =	vst v63  }
0x55: {  	_ = 	snop  }
0x56: {  	[tilespmem:s15], [sflag:$0x4] =	stream.indirect_vreg.gather [hbm4b:s6+s3], $0x80, v3, vm0, $0xb8;
	[tilespmem:$0x18180] =	vst v63  }
0x57: {  	v3 =	vld [tilespmem:$0x30];
	_ =	sdelay $0x4  }
0x58: {  	v51 =	vshrl.u32 v3, $0x3  }
0x59: {  	v4 =	vmul.u32 $0x30, v51  }
0x5a: {  	v3 =	vand.u32 $0x7, v3  }
0x5b: {  	v3 =	vor.u32 v3, v4  }
0x5c: {  	v4 =	vperm.xlane v3, v0;
	_ =	sdelay $0x1  }
0x5d: {  	v4 =	vadd.s32 v1, v4;
	_ =	sdelay $0x3  }
0x5e: {  	v3 =	vperm.xlane v3, v2  }
0x5f: {  	[tilespmem:s16], [sflag:$0x4] =	stream.indirect_vreg.gather [hbm4b:s1+s3], $0x80, v4, vm0, $0xb8;
	[tilespmem:$0x18180] =	vst v63  }
0x60: {  	v3 =	vadd.s32 v1, v3  }
0x61: {  	[tilespmem:s17], [sflag:$0x4] =	stream.indirect_vreg.gather [hbm4b:s5+s3], $0x80, v4, vm0, $0xb8;
	[tilespmem:$0x18180] =	vst v63  }
0x62: {  	_ = 	snop  }
0x63: {  	[tilespmem:s18], [sflag:$0x4] =	stream.indirect_vreg.gather [hbm4b:s6+s3], $0x80, v4, vm0, $0xb8;
	[tilespmem:$0x18180] =	vst v63  }
0x64: {  	_ = 	snop  }
0x65: {  	[tilespmem:s19], [sflag:$0x4] =	stream.indirect_vreg.gather [hbm4b:s1+s3], $0x80, v3, vm0, $0xb8;
	[tilespmem:$0x18180] =	vst v63  }
0x66: {  	_ = 	snop  }
0x67: {  	[tilespmem:s20], [sflag:$0x4] =	stream.indirect_vreg.gather [hbm4b:s5+s3], $0x80, v3, vm0, $0xb8;
	[tilespmem:$0x18180] =	vst v63  }
0x68: {  	s0 =	simm.s32 $0xB980  }
0x69: {  	[tilespmem:s0], [sflag:$0x4] =	stream.indirect_vreg.gather [hbm4b:s6+s3], $0x80, v3, vm0, $0xb8;
	[tilespmem:$0x18180] =	vst v63  }
0x6a: {  	v3 =	vld [tilespmem:$0x40];
	_ =	sdelay $0x4  }
0x6b: {  	v52 =	vshrl.u32 v3, $0x3  }
0x6c: {  	v4 =	vmul.u32 $0x30, v52  }
0x6d: {  	v3 =	vand.u32 $0x7, v3  }
0x6e: {  	v3 =	vor.u32 v3, v4  }
0x6f: {  	v4 =	vperm.xlane v3, v0;
	_ =	sdelay $0x1  }
0x70: {  	v4 =	vadd.s32 v1, v4;
	_ =	sdelay $0x3  }
0x71: {  	s0 =	simm.s32 $0xC180;
	v3 =	vperm.xlane v3, v2  }
0x72: {  	[tilespmem:s0], [sflag:$0x5] =	stream.indirect_vreg.gather [hbm4b:s1+s3], $0x80, v4, vm0, $0xb8;
	[tilespmem:$0x18180] =	vst v63  }
0x73: {  	v3 =	vadd.s32 v1, v3;
	s0 =	simm.s32 $0xC980  }
0x74: {  	[tilespmem:s0], [sflag:$0x5] =	stream.indirect_vreg.gather [hbm4b:s5+s3], $0x80, v4, vm0, $0xb8;
	[tilespmem:$0x18180] =	vst v63  }
0x75: {  	s0 =	simm.s32 $0xD180  }
0x76: {  	[tilespmem:s0], [sflag:$0x5] =	stream.indirect_vreg.gather [hbm4b:s6+s3], $0x80, v4, vm0, $0xb8;
	[tilespmem:$0x18180] =	vst v63  }
0x77: {  	s0 =	simm.s32 $0xD980  }
0x78: {  	[tilespmem:s0], [sflag:$0x5] =	stream.indirect_vreg.gather [hbm4b:s1+s3], $0x80, v3, vm0, $0xb8;
	[tilespmem:$0x18180] =	vst v63  }
0x79: {  	s0 =	simm.s32 $0xE180  }
0x7a: {  	[tilespmem:s0], [sflag:$0x5] =	stream.indirect_vreg.gather [hbm4b:s5+s3], $0x80, v3, vm0, $0xb8;
	[tilespmem:$0x18180] =	vst v63  }
0x7b: {  	s0 =	simm.s32 $0xE980  }
0x7c: {  	[tilespmem:s0], [sflag:$0x5] =	stream.indirect_vreg.gather [hbm4b:s6+s3], $0x80, v3, vm0, $0xb8;
	[tilespmem:$0x18180] =	vst v63  }
0x7d: {  	v3 =	vld [tilespmem:$0x50];
	_ =	sdelay $0x4  }
0x7e: {  	v53 =	vshrl.u32 v3, $0x3  }
0x7f: {  	v4 =	vmul.u32 $0x30, v53  }
0x80: {  	v3 =	vand.u32 $0x7, v3  }
0x81: {  	v3 =	vor.u32 v3, v4  }
0x82: {  	v4 =	vperm.xlane v3, v0;
	_ =	sdelay $0x1  }
0x83: {  	v4 =	vadd.s32 v1, v4;
	_ =	sdelay $0x3  }
0x84: {  	s0 =	simm.s32 $0xF180;
	v3 =	vperm.xlane v3, v2  }
0x85: {  	[tilespmem:s0], [sflag:$0x5] =	stream.indirect_vreg.gather [hbm4b:s1+s3], $0x80, v4, vm0, $0xb8;
	[tilespmem:$0x18180] =	vst v63  }
0x86: {  	v3 =	vadd.s32 v1, v3;
	s0 =	simm.s32 $0xF980  }
0x87: {  	[tilespmem:s0], [sflag:$0x5] =	stream.indirect_vreg.gather [hbm4b:s5+s3], $0x80, v4, vm0, $0xb8;
	[tilespmem:$0x18180] =	vst v63  }
0x88: {  	s0 =	simm.s32 $0x10180  }
0x89: {  	[tilespmem:s0], [sflag:$0x5] =	stream.indirect_vreg.gather [hbm4b:s6+s3], $0x80, v4, vm0, $0xb8;
	[tilespmem:$0x18180] =	vst v63  }
0x8a: {  	s0 =	simm.s32 $0x10980  }
0x8b: {  	[tilespmem:s0], [sflag:$0x5] =	stream.indirect_vreg.gather [hbm4b:s1+s3], $0x80, v3, vm0, $0xb8;
	[tilespmem:$0x18180] =	vst v63  }
0x8c: {  	s0 =	simm.s32 $0x11180  }
0x8d: {  	[tilespmem:s0], [sflag:$0x5] =	stream.indirect_vreg.gather [hbm4b:s5+s3], $0x80, v3, vm0, $0xb8;
	[tilespmem:$0x18180] =	vst v63  }
0x8e: {  	s0 =	simm.s32 $0x11980  }
0x8f: {  	[tilespmem:s0], [sflag:$0x5] =	stream.indirect_vreg.gather [hbm4b:s6+s3], $0x80, v3, vm0, $0xb8;
	[tilespmem:$0x18180] =	vst v63  }
0x90: {  	v3 =	vld [tilespmem:$0x60];
	_ =	sdelay $0x4  }
0x91: {  	v54 =	vshrl.u32 v3, $0x3  }
0x92: {  	v4 =	vmul.u32 $0x30, v54  }
0x93: {  	v3 =	vand.u32 $0x7, v3  }
0x94: {  	v3 =	vor.u32 v3, v4  }
0x95: {  	v4 =	vperm.xlane v3, v0;
	_ =	sdelay $0x1  }
0x96: {  	v4 =	vadd.s32 v1, v4;
	_ =	sdelay $0x3  }
0x97: {  	s0 =	simm.s32 $0x12180;
	v3 =	vperm.xlane v3, v2  }
0x98: {  	[tilespmem:s0], [sflag:$0x5] =	stream.indirect_vreg.gather [hbm4b:s1+s3], $0x80, v4, vm0, $0xb8;
	[tilespmem:$0x18180] =	vst v63  }
0x99: {  	v3 =	vadd.s32 v1, v3;
	s0 =	simm.s32 $0x12980  }
0x9a: {  	[tilespmem:s0], [sflag:$0x5] =	stream.indirect_vreg.gather [hbm4b:s5+s3], $0x80, v4, vm0, $0xb8;
	[tilespmem:$0x18180] =	vst v63  }
0x9b: {  	s0 =	simm.s32 $0x13180  }
0x9c: {  	[tilespmem:s0], [sflag:$0x5] =	stream.indirect_vreg.gather [hbm4b:s6+s3], $0x80, v4, vm0, $0xb8;
	[tilespmem:$0x18180] =	vst v63  }
0x9d: {  	s0 =	simm.s32 $0x13980  }
0x9e: {  	[tilespmem:s0], [sflag:$0x5] =	stream.indirect_vreg.gather [hbm4b:s1+s3], $0x80, v3, vm0, $0xb8;
	[tilespmem:$0x18180] =	vst v63  }
0x9f: {  	s0 =	simm.s32 $0x14180  }
0xa0: {  	[tilespmem:s0], [sflag:$0x5] =	stream.indirect_vreg.gather [hbm4b:s5+s3], $0x80, v3, vm0, $0xb8;
	[tilespmem:$0x18180] =	vst v63  }
0xa1: {  	s0 =	simm.s32 $0x14980  }
0xa2: {  	[tilespmem:s0], [sflag:$0x5] =	stream.indirect_vreg.gather [hbm4b:s6+s3], $0x80, v3, vm0, $0xb8;
	[tilespmem:$0x18180] =	vst v63  }
0xa3: {  	v3 =	vld [tilespmem:$0x70];
	_ =	sdelay $0x4  }
0xa4: {  	v55 =	vshrl.u32 v3, $0x3  }
0xa5: {  	v4 =	vmul.u32 $0x30, v55  }
0xa6: {  	v3 =	vand.u32 $0x7, v3  }
0xa7: {  	v3 =	vor.u32 v3, v4  }
0xa8: {  	v4 =	vperm.xlane v3, v0;
	_ =	sdelay $0x1  }
0xa9: {  	v4 =	vadd.s32 v1, v4;
	_ =	sdelay $0x3  }
0xaa: {  	s0 =	simm.s32 $0x15180;
	v3 =	vperm.xlane v3, v2  }
0xab: {  	[tilespmem:s0], [sflag:$0x5] =	stream.indirect_vreg.gather [hbm4b:s1+s3], $0x80, v4, vm0, $0xb8;
	[tilespmem:$0x18180] =	vst v63  }
0xac: {  	v3 =	vadd.s32 v1, v3;
	s0 =	simm.s32 $0x15980  }
0xad: {  	[tilespmem:s0], [sflag:$0x5] =	stream.indirect_vreg.gather [hbm4b:s5+s3], $0x80, v4, vm0, $0xb8;
	[tilespmem:$0x18180] =	vst v63  }
0xae: {  	s0 =	simm.s32 $0x16180  }
0xaf: {  	[tilespmem:s0], [sflag:$0x5] =	stream.indirect_vreg.gather [hbm4b:s6+s3], $0x80, v4, vm0, $0xb8;
	[tilespmem:$0x18180] =	vst v63  }
0xb0: {  	s0 =	simm.s32 $0x16980  }
0xb1: {  	[tilespmem:s0], [sflag:$0x5] =	stream.indirect_vreg.gather [hbm4b:s1+s3], $0x80, v3, vm0, $0xb8;
	[tilespmem:$0x18180] =	vst v63  }
0xb2: {  	s0 =	simm.s32 $0x17180  }
0xb3: {  	[tilespmem:s0], [sflag:$0x5] =	stream.indirect_vreg.gather [hbm4b:s5+s3], $0x80, v3, vm0, $0xb8;
	[tilespmem:$0x18180] =	vst v63  }
0xb4: {  	s0 =	simm.s32 $0x17980  }
0xb5: {  	[tilespmem:s0], [sflag:$0x5] =	stream.indirect_vreg.gather [hbm4b:s6+s3], $0x80, v3, vm0, $0xb8;
	[tilespmem:$0x18180] =	vst v63  }
0xb6: {  	s0 =	simm.s32 $0x4  }
0xb7: {  	_ =	swait.ge [sflag:s0], $0xC000  }
0xb8: {  	[sflag:s0] =	ssyncset.done $0x0  }
0xb9: {  	[sflag:s0] =	ssyncadd.s32 $0xFFFF4000;
	s0 =	simm.s32 $0x2  }
0xba: {  	_ =	swait.ge [sflag:s0], $0x40  }
0xbb: {  	[sflag:s0] =	ssyncset.done $0x0  }
0xbc: {  	[sflag:s0] =	ssyncadd.s32 $0xFFFFFFC0  }
0xbd: {  	v3 =	vld [tilespmem:$0x80];
	_ =	sdelay $0x4  }
0xbe: {  	v56 =	vshrl.u32 v3, $0x3  }
0xbf: {  	v4 =	vmul.u32 $0x30, v56  }
0xc0: {  	v3 =	vand.u32 $0x7, v3  }
0xc1: {  	v3 =	vor.u32 v3, v4  }
0xc2: {  	v4 =	vperm.xlane v3, v0;
	_ =	sdelay $0x1  }
0xc3: {  	v4 =	vadd.s32 v1, v4;
	_ =	sdelay $0x3  }
0xc4: {  	v3 =	vperm.xlane v3, v2  }
0xc5: {  	[hbm4b:s4+s3] =	stream.indirect_vreg.scatter [tilespmem:s21], [sflag:$0x6], $0x80, v4, vm0, $0xb8;
	[tilespmem:$0x18180] =	vst v63  }
0xc6: {  	v3 =	vadd.s32 v1, v3  }
0xc7: {  	[hbm4b:s7+s3] =	stream.indirect_vreg.scatter [tilespmem:s22], [sflag:$0x6], $0x80, v4, vm0, $0xb8;
	[tilespmem:$0x18180] =	vst v63  }
0xc8: {  	_ = 	snop  }
0xc9: {  	[hbm4b:s8+s3] =	stream.indirect_vreg.scatter [tilespmem:s23], [sflag:$0x6], $0x80, v4, vm0, $0xb8;
	[tilespmem:$0x18180] =	vst v63  }
0xca: {  	_ = 	snop  }
0xcb: {  	[hbm4b:s4+s3] =	stream.indirect_vreg.scatter [tilespmem:s24], [sflag:$0x6], $0x80, v3, vm0, $0xb8;
	[tilespmem:$0x18180] =	vst v63  }
0xcc: {  	_ = 	snop  }
0xcd: {  	[hbm4b:s7+s3] =	stream.indirect_vreg.scatter [tilespmem:s25], [sflag:$0x6], $0x80, v3, vm0, $0xb8;
	[tilespmem:$0x18180] =	vst v63  }
0xce: {  	_ = 	snop  }
0xcf: {  	[hbm4b:s8+s3] =	stream.indirect_vreg.scatter [tilespmem:s26], [sflag:$0x6], $0x80, v3, vm0, $0xb8;
	[tilespmem:$0x18180] =	vst v63  }
0xd0: {  	v3 =	vld [tilespmem:$0x90];
	_ =	sdelay $0x4  }
0xd1: {  	v57 =	vshrl.u32 v3, $0x3  }
0xd2: {  	v4 =	vmul.u32 $0x30, v57  }
0xd3: {  	v3 =	vand.u32 $0x7, v3  }
0xd4: {  	v3 =	vor.u32 v3, v4  }
0xd5: {  	v4 =	vperm.xlane v3, v0;
	_ =	sdelay $0x1  }
0xd6: {  	v4 =	vadd.s32 v1, v4;
	_ =	sdelay $0x3  }
0xd7: {  	v3 =	vperm.xlane v3, v2  }
0xd8: {  	[hbm4b:s4+s3] =	stream.indirect_vreg.scatter [tilespmem:s28], [sflag:$0x6], $0x80, v4, vm0, $0xb8;
	[tilespmem:$0x18180] =	vst v63  }
0xd9: {  	v3 =	vadd.s32 v1, v3  }
0xda: {  	[hbm4b:s7+s3] =	stream.indirect_vreg.scatter [tilespmem:s29], [sflag:$0x6], $0x80, v4, vm0, $0xb8;
	[tilespmem:$0x18180] =	vst v63  }
0xdb: {  	_ = 	snop  }
0xdc: {  	[hbm4b:s8+s3] =	stream.indirect_vreg.scatter [tilespmem:s30], [sflag:$0x6], $0x80, v4, vm0, $0xb8;
	[tilespmem:$0x18180] =	vst v63  }
0xdd: {  	_ = 	snop  }
0xde: {  	[hbm4b:s4+s3] =	stream.indirect_vreg.scatter [tilespmem:s31], [sflag:$0x6], $0x80, v3, vm0, $0xb8;
	[tilespmem:$0x18180] =	vst v63  }
0xdf: {  	s23 =	simm.s32 $0x5180  }
0xe0: {  	[hbm4b:s7+s3] =	stream.indirect_vreg.scatter [tilespmem:s23], [sflag:$0x6], $0x80, v3, vm0, $0xb8;
	[tilespmem:$0x18180] =	vst v63  }
0xe1: {  	_ = 	snop  }
0xe2: {  	[hbm4b:s8+s3] =	stream.indirect_vreg.scatter [tilespmem:s2], [sflag:$0x6], $0x80, v3, vm0, $0xb8;
	[tilespmem:$0x18180] =	vst v63  }
0xe3: {  	v3 =	vld [tilespmem:$0xA0];
	_ =	sdelay $0x4  }
0xe4: {  	v58 =	vshrl.u32 v3, $0x3  }
0xe5: {  	v4 =	vmul.u32 $0x30, v58  }
0xe6: {  	v3 =	vand.u32 $0x7, v3  }
0xe7: {  	v3 =	vor.u32 v3, v4  }
0xe8: {  	v4 =	vperm.xlane v3, v0;
	_ =	sdelay $0x1  }
0xe9: {  	v4 =	vadd.s32 v1, v4;
	_ =	sdelay $0x3  }
0xea: {  	v3 =	vperm.xlane v3, v2  }
0xeb: {  	[hbm4b:s4+s3] =	stream.indirect_vreg.scatter [tilespmem:s11], [sflag:$0x6], $0x80, v4, vm0, $0xb8;
	[tilespmem:$0x18180] =	vst v63  }
0xec: {  	v3 =	vadd.s32 v1, v3  }
0xed: {  	[hbm4b:s7+s3] =	stream.indirect_vreg.scatter [tilespmem:s12], [sflag:$0x6], $0x80, v4, vm0, $0xb8;
	[tilespmem:$0x18180] =	vst v63  }
0xee: {  	_ = 	snop  }
0xef: {  	[hbm4b:s8+s3] =	stream.indirect_vreg.scatter [tilespmem:s13], [sflag:$0x6], $0x80, v4, vm0, $0xb8;
	[tilespmem:$0x18180] =	vst v63  }
0xf0: {  	_ = 	snop  }
0xf1: {  	[hbm4b:s4+s3] =	stream.indirect_vreg.scatter [tilespmem:s14], [sflag:$0x6], $0x80, v3, vm0, $0xb8;
	[tilespmem:$0x18180] =	vst v63  }
0xf2: {  	_ = 	snop  }
0xf3: {  	[hbm4b:s7+s3] =	stream.indirect_vreg.scatter [tilespmem:s10], [sflag:$0x6], $0x80, v3, vm0, $0xb8;
	[tilespmem:$0x18180] =	vst v63  }
0xf4: {  	_ = 	snop  }
0xf5: {  	[hbm4b:s8+s3] =	stream.indirect_vreg.scatter [tilespmem:s15], [sflag:$0x6], $0x80, v3, vm0, $0xb8;
	[tilespmem:$0x18180] =	vst v63  }
0xf6: {  	v3 =	vld [tilespmem:$0xB0];
	_ =	sdelay $0x4  }
0xf7: {  	v59 =	vshrl.u32 v3, $0x3  }
0xf8: {  	v4 =	vmul.u32 $0x30, v59  }
0xf9: {  	v3 =	vand.u32 $0x7, v3  }
0xfa: {  	v3 =	vor.u32 v3, v4  }
0xfb: {  	v4 =	vperm.xlane v3, v0;
	_ =	sdelay $0x1  }
0xfc: {  	v4 =	vadd.s32 v1, v4;
	_ =	sdelay $0x3  }
0xfd: {  	v3 =	vperm.xlane v3, v2  }
0xfe: {  	[hbm4b:s4+s3] =	stream.indirect_vreg.scatter [tilespmem:s16], [sflag:$0x6], $0x80, v4, vm0, $0xb8;
	[tilespmem:$0x18180] =	vst v63  }
0xff: {  	v3 =	vadd.s32 v1, v3  }
0x100: {  	[hbm4b:s7+s3] =	stream.indirect_vreg.scatter [tilespmem:s17], [sflag:$0x6], $0x80, v4, vm0, $0xb8;
	[tilespmem:$0x18180] =	vst v63  }
0x101: {  	_ = 	snop  }
0x102: {  	[hbm4b:s8+s3] =	stream.indirect_vreg.scatter [tilespmem:s18], [sflag:$0x6], $0x80, v4, vm0, $0xb8;
	[tilespmem:$0x18180] =	vst v63  }
0x103: {  	_ = 	snop  }
0x104: {  	[hbm4b:s4+s3] =	stream.indirect_vreg.scatter [tilespmem:s19], [sflag:$0x6], $0x80, v3, vm0, $0xb8;
	[tilespmem:$0x18180] =	vst v63  }
0x105: {  	_ = 	snop  }
0x106: {  	[hbm4b:s7+s3] =	stream.indirect_vreg.scatter [tilespmem:s20], [sflag:$0x6], $0x80, v3, vm0, $0xb8;
	[tilespmem:$0x18180] =	vst v63  }
0x107: {  	s21 =	simm.s32 $0x5;
	s24 =	simm.s32 $0xB980  }
0x108: {  	[hbm4b:s8+s3] =	stream.indirect_vreg.scatter [tilespmem:s24], [sflag:$0x6], $0x80, v3, vm0, $0xb8;
	[tilespmem:$0x18180] =	vst v63  }
0x109: {  	_ =	swait.ge [sflag:s21], $0xC000  }
0x10a: {  	[sflag:s21] =	ssyncset.done $0x0  }
0x10b: {  	s22 =	simm.s32 $0x3;
	[sflag:s21] =	ssyncadd.s32 $0xFFFF4000  }
0x10c: {  	_ =	swait.ge [sflag:s22], $0x40  }
0x10d: {  	[sflag:s22] =	ssyncset.done $0x0  }
0x10e: {  	[sflag:s22] =	ssyncadd.s32 $0xFFFFFFC0  }
0x10f: {  	v3 =	vld [tilespmem:$0x100];
	_ =	sdelay $0x4  }
0x110: {  	v60 =	vshrl.u32 v3, $0x3  }
0x111: {  	v4 =	vmul.u32 $0x30, v60  }
0x112: {  	v3 =	vand.u32 $0x7, v3  }
0x113: {  	v3 =	vor.u32 v3, v4  }
0x114: {  	v4 =	vperm.xlane v3, v0;
	_ =	sdelay $0x1  }
0x115: {  	v4 =	vadd.s32 v1, v4;
	_ =	sdelay $0x3  }
0x116: {  	s23 =	simm.s32 $0xC180;
	v3 =	vperm.xlane v3, v2  }
0x117: {  	[hbm4b:s4+s3] =	stream.indirect_vreg.scatter [tilespmem:s23], [sflag:$0x7], $0x80, v4, vm0, $0xb8;
	[tilespmem:$0x18180] =	vst v63  }
0x118: {  	s24 =	simm.s32 $0xC980;
	v3 =	vadd.s32 v1, v3  }
0x119: {  	[hbm4b:s7+s3] =	stream.indirect_vreg.scatter [tilespmem:s24], [sflag:$0x7], $0x80, v4, vm0, $0xb8;
	[tilespmem:$0x18180] =	vst v63  }
0x11a: {  	s21 =	simm.s32 $0xD180  }
0x11b: {  	[hbm4b:s8+s3] =	stream.indirect_vreg.scatter [tilespmem:s21], [sflag:$0x7], $0x80, v4, vm0, $0xb8;
	[tilespmem:$0x18180] =	vst v63  }
0x11c: {  	s22 =	simm.s32 $0xD980  }
0x11d: {  	[hbm4b:s4+s3] =	stream.indirect_vreg.scatter [tilespmem:s22], [sflag:$0x7], $0x80, v3, vm0, $0xb8;
	[tilespmem:$0x18180] =	vst v63  }
0x11e: {  	s23 =	simm.s32 $0xE180  }
0x11f: {  	[hbm4b:s7+s3] =	stream.indirect_vreg.scatter [tilespmem:s23], [sflag:$0x7], $0x80, v3, vm0, $0xb8;
	[tilespmem:$0x18180] =	vst v63  }
0x120: {  	s24 =	simm.s32 $0xE980  }
0x121: {  	[hbm4b:s8+s3] =	stream.indirect_vreg.scatter [tilespmem:s24], [sflag:$0x7], $0x80, v3, vm0, $0xb8;
	[tilespmem:$0x18180] =	vst v63  }
0x122: {  	v3 =	vld [tilespmem:$0x110];
	_ =	sdelay $0x4  }
0x123: {  	v61 =	vshrl.u32 v3, $0x3  }
0x124: {  	v4 =	vmul.u32 $0x30, v61  }
0x125: {  	v3 =	vand.u32 $0x7, v3  }
0x126: {  	v3 =	vor.u32 v3, v4  }
0x127: {  	v4 =	vperm.xlane v3, v0;
	_ =	sdelay $0x1  }
0x128: {  	v4 =	vadd.s32 v1, v4;
	_ =	sdelay $0x3  }
0x129: {  	s21 =	simm.s32 $0xF180;
	v3 =	vperm.xlane v3, v2  }
0x12a: {  	[hbm4b:s4+s3] =	stream.indirect_vreg.scatter [tilespmem:s21], [sflag:$0x7], $0x80, v4, vm0, $0xb8;
	[tilespmem:$0x18180] =	vst v63  }
0x12b: {  	s22 =	simm.s32 $0xF980;
	v3 =	vadd.s32 v1, v3  }
0x12c: {  	[hbm4b:s7+s3] =	stream.indirect_vreg.scatter [tilespmem:s22], [sflag:$0x7], $0x80, v4, vm0, $0xb8;
	[tilespmem:$0x18180] =	vst v63  }
0x12d: {  	s23 =	simm.s32 $0x10180  }
0x12e: {  	[hbm4b:s8+s3] =	stream.indirect_vreg.scatter [tilespmem:s23], [sflag:$0x7], $0x80, v4, vm0, $0xb8;
	[tilespmem:$0x18180] =	vst v63  }
0x12f: {  	s24 =	simm.s32 $0x10980  }
0x130: {  	[hbm4b:s4+s3] =	stream.indirect_vreg.scatter [tilespmem:s24], [sflag:$0x7], $0x80, v3, vm0, $0xb8;
	[tilespmem:$0x18180] =	vst v63  }
0x131: {  	s21 =	simm.s32 $0x11180  }
0x132: {  	[hbm4b:s7+s3] =	stream.indirect_vreg.scatter [tilespmem:s21], [sflag:$0x7], $0x80, v3, vm0, $0xb8;
	[tilespmem:$0x18180] =	vst v63  }
0x133: {  	s22 =	simm.s32 $0x11980  }
0x134: {  	[hbm4b:s8+s3] =	stream.indirect_vreg.scatter [tilespmem:s22], [sflag:$0x7], $0x80, v3, vm0, $0xb8;
	[tilespmem:$0x18180] =	vst v63  }
0x135: {  	v3 =	vld [tilespmem:$0x120];
	_ =	sdelay $0x4  }
0x136: {  	v62 =	vshrl.u32 v3, $0x3  }
0x137: {  	v4 =	vmul.u32 $0x30, v62  }
0x138: {  	v3 =	vand.u32 $0x7, v3  }
0x139: {  	v3 =	vor.u32 v3, v4  }
0x13a: {  	v4 =	vperm.xlane v3, v0;
	_ =	sdelay $0x1  }
0x13b: {  	v4 =	vadd.s32 v1, v4;
	_ =	sdelay $0x3  }
0x13c: {  	s23 =	simm.s32 $0x12180;
	v3 =	vperm.xlane v3, v2  }
0x13d: {  	[hbm4b:s4+s3] =	stream.indirect_vreg.scatter [tilespmem:s23], [sflag:$0x7], $0x80, v4, vm0, $0xb8;
	[tilespmem:$0x18180] =	vst v63  }
0x13e: {  	s24 =	simm.s32 $0x12980;
	v3 =	vadd.s32 v1, v3  }
0x13f: {  	[hbm4b:s7+s3] =	stream.indirect_vreg.scatter [tilespmem:s24], [sflag:$0x7], $0x80, v4, vm0, $0xb8;
	[tilespmem:$0x18180] =	vst v63  }
0x140: {  	s21 =	simm.s32 $0x13180  }
0x141: {  	[hbm4b:s8+s3] =	stream.indirect_vreg.scatter [tilespmem:s21], [sflag:$0x7], $0x80, v4, vm0, $0xb8;
	[tilespmem:$0x18180] =	vst v63  }
0x142: {  	s22 =	simm.s32 $0x13980  }
0x143: {  	[hbm4b:s4+s3] =	stream.indirect_vreg.scatter [tilespmem:s22], [sflag:$0x7], $0x80, v3, vm0, $0xb8;
	[tilespmem:$0x18180] =	vst v63  }
0x144: {  	s23 =	simm.s32 $0x14180  }
0x145: {  	[hbm4b:s7+s3] =	stream.indirect_vreg.scatter [tilespmem:s23], [sflag:$0x7], $0x80, v3, vm0, $0xb8;
	[tilespmem:$0x18180] =	vst v63  }
0x146: {  	s24 =	simm.s32 $0x14980  }
0x147: {  	[hbm4b:s8+s3] =	stream.indirect_vreg.scatter [tilespmem:s24], [sflag:$0x7], $0x80, v3, vm0, $0xb8;
	[tilespmem:$0x18180] =	vst v63  }
0x148: {  	v3 =	vld [tilespmem:$0x130];
	_ =	sdelay $0x4  }
0x149: {  	v63 =	vshrl.u32 v3, $0x3  }
0x14a: {  	v4 =	vmul.u32 $0x30, v63  }
0x14b: {  	v3 =	vand.u32 $0x7, v3  }
0x14c: {  	v3 =	vor.u32 v3, v4  }
0x14d: {  	v4 =	vperm.xlane v3, v0;
	_ =	sdelay $0x1  }
0x14e: {  	v4 =	vadd.s32 v1, v4;
	_ =	sdelay $0x3  }
0x14f: {  	s21 =	simm.s32 $0x15180;
	v3 =	vperm.xlane v3, v2  }
0x150: {  	[hbm4b:s4+s3] =	stream.indirect_vreg.scatter [tilespmem:s21], [sflag:$0x7], $0x80, v4, vm0, $0xb8;
	[tilespmem:$0x18180] =	vst v63  }
0x151: {  	s22 =	simm.s32 $0x15980;
	v3 =	vadd.s32 v1, v3  }
0x152: {  	[hbm4b:s7+s3] =	stream.indirect_vreg.scatter [tilespmem:s22], [sflag:$0x7], $0x80, v4, vm0, $0xb8;
	[tilespmem:$0x18180] =	vst v63  }
0x153: {  	s23 =	simm.s32 $0x16180  }
0x154: {  	[hbm4b:s8+s3] =	stream.indirect_vreg.scatter [tilespmem:s23], [sflag:$0x7], $0x80, v4, vm0, $0xb8;
	[tilespmem:$0x18180] =	vst v63  }
0x155: {  	s24 =	simm.s32 $0x16980  }
0x156: {  	[hbm4b:s4+s3] =	stream.indirect_vreg.scatter [tilespmem:s24], [sflag:$0x7], $0x80, v3, vm0, $0xb8;
	[tilespmem:$0x18180] =	vst v63  }
0x157: {  	s21 =	simm.s32 $0x17180  }
0x158: {  	[hbm4b:s7+s3] =	stream.indirect_vreg.scatter [tilespmem:s21], [sflag:$0x7], $0x80, v3, vm0, $0xb8;
	[tilespmem:$0x18180] =	vst v63  }
0x159: {  	s22 =	simm.s32 $0x17980;
	s23 =	simm.s32 $0x6  }
0x15a: {  	[hbm4b:s8+s3] =	stream.indirect_vreg.scatter [tilespmem:s22], [sflag:$0x7], $0x80, v3, vm0, $0xb8;
	[tilespmem:$0x18180] =	vst v63  }
0x15b: {  	p0 =	sne.s32 s9, $0x1;
	_ =	swait.ge [sflag:s23], $0xC000  }
.Ltmp0:
0x15c: {  	[sflag:s23] =	ssyncset.done $0x0;
	(pc) =	sbr.rel @p0 .LBB2_1-.Ltmp0, $4  }
0x15d: {  	s24 =	simm.s32 $0x7;
	[sflag:s23] =	ssyncadd.s32 $0xFFFF4000  }
0x15e: {  	_ =	swait.ge [sflag:s24], $0xC000  }
0x15f: {  	[sflag:s24] =	ssyncset.done $0x0  }
0x160: {  	s9 =	sadd.s32 $0xFFFFFFFF, s9;
	[sflag:s24] =	ssyncadd.s32 $0xFFFF4000  }
0x161: {  	_ =	sfence.sel $0x180000  }
0x162: {  	[bflag:$0x0] =	sbarrier.arrive $0xFFFF  }
0x163: {  	_ =	strace $0x90000047  }
0x164: {  	s0 =	stileid.u32;
	[bflag:$0x2] =	sbarrier.arrive $0xFFFF  }
0x165: {  	p0 =	sne.s32 s0, $0x0;
	s0 =	rddreg [dreg:$0x3]  }
0x166: {  	s0 =	sadd.s32 @!p0 $0x100000, s0  }
0x167: {  	[sflag:s0] =	ssyncadd.tile.s32 @!p0 $0x1;
	_ =	shalt  }
.Lfunc_end2:
_tile_overlayer_lowered:
.L_overlay_start_2:
0x168: {  	(tag) =	ssettag $0x2  }
0x169: {  	s0 =	rddreg [dreg:$0x0];
	s2 =	stileid.u32  }
0x16a: {  	s1 =	rddreg [dreg:$0x1];
	p0 =	sne.s32 s2, $0x0  }
0x16b: {  	s3 =	rddreg [dreg:$0x2];
	[bflag:$0x3] =	sbarrier.arrive $0xFFFF;
	s2 =	simm.s32 @!p0 $0x1C08  }
0x16c: {  	[timem:s3], [sflag:s2] =	dma.local @!p0 [hbm:s0], s1  }
0x16d: {  	s0 =	simm.s32 @!p0 $0x8  }
0x16e: {  	_ =	swait.ge @!p0 [sflag:s0], s1  }
0x16f: {  	s1 =	ssub.s32 @!p0 $0x0, s1;
	[sflag:s0] =	ssyncset.done @!p0 $0x0  }
0x170: {  	[sflag:s0] =	ssyncadd.s32 @!p0 s1  }
0x171: {  	[bflag:$0x3] =	sbarrier.arrive $0xFFFF  }
0x172: {  	_ =	shalt  }

// kernel: kernel.9.cloned.1.call-start
scs
__scs_entry_jumppad:
0x0: {  	(pc) =	sbr.rel $0x88, $3  }
0x1: {  	(tag) =	ssettag $0x0;
	lr =	simm.s32 $0x1  }
0x2: {  	[smem:$0x3F9B] =	sst lr;
	_ =	strace $0xD0000000  }
0x3: {  	_ = 	snop  }
0x4: {  	_ = 	snop  }
0x5: {  	_ = 	snop  }
0x6: {  	_ = 	snop  }
0x7: {  	_ = 	snop  }
__scs_overlays_trampoline_lowered:
0x8: {  	[smem:$0x3FAA] =	sst s0  }
0x9: {  	[smem:$0x3FAB] =	sst s1  }
0xa: {  	[smem:$0x3FAC] =	sst s2  }
0xb: {  	[smem:$0x3FAD] =	sst s3  }
0xc: {  	[smem:$0x3FAE] =	sst s4  }
0xd: {  	[smem:$0x3FAF] =	sst s5  }
0xe: {  	[smem:$0x3FB0] =	sst s6  }
0xf: {  	[smem:$0x3FB1] =	sst s7  }
0x10: {  	[smem:$0x3FB2] =	sst s8  }
0x11: {  	[smem:$0x3FB3] =	sst s9;
	s0 =	simm.s32 @!p0 $0x0  }
0x12: {  	s1 =	sld [smem:$0x3F99];
	s0 =	simm.s32 @p0 $0x1  }
0x13: {  	[smem:$0x3FB4] =	sst s0;
	s0 =	simm.s32 @!p1 $0x0  }
0x14: {  	s2 =	sld [smem:$0x3F98];
	s0 =	simm.s32 @p1 $0x1  }
0x15: {  	[smem:$0x3FB5] =	sst s0;
	s0 =	simm.s32 @!p2 $0x0  }
0x16: {  	s3 =	sld [smem:$0x3FDB];
	s0 =	simm.s32 @p2 $0x1  }
0x17: {  	s4 =	simm.s32 $0x1BF5;
	[smem:$0x3FB7] =	sst s0  }
0x18: {  	s0 =	sld [smem:$0x3F9A];
	_ =	swait.ge [sflag:s4], $0x0  }
0x19: {  	s7 =	sld [smem:$0x3F9B]  }
0x1a: {  	s8 =	sadd.s32 $0xFFFFE003, lr  }
0x1b: {  	s9 =	sadd.s32 $0xFFFFFEF7, lr;
	s5 =	simm.s32 $0xFFFFFFFF;
	p2 =	slt.u32 s8, $0xFFFFF086  }
0x1c: {  	p1 =	slt.u32 s9, $0xF7A;
	s5 =	simm.s32 @!p2 $0x0  }
0x1d: {  	s5 =	simm.s32 @p1 $0x1;
	p0 =	seq.s32 s7, s2  }
0x1e: {  	s7 =	smul.u32 @!p0 $0xF7A, s2;
	p2 =	seq.s32 @!p0 s5, $0x0  }
0x1f: {  	s9 =	smul.u32 $0xF7A, s1;
	s8 =	simm.s32 @!p0 $0x1BF5;
	p2 =	por !p2, p0  }
0x20: {  	[sflag:s8] =	ssyncset.s32 @!p0 $0xFFFFF086;
	s6 =	sadd.s32 @!p0 s3, s7;
	s7 =	simm.s32 @!p0 $0x108  }
0x21: {  	s3 =	sadd.s32 s3, s9;
	s6 =	sadd.s32 @!p0 $0x88, s6;
	s7 =	simm.s32 @p2 $0x1082  }
0x22: {  	[simem:s7], [sflag:s8] =	dma.local @!p0 [hbm:s6], $0xF7A  }
0x23: {  	s9 =	sor.u32 $0xD0000000, s2;
	s6 =	simm.s32 $0x108;
	_ =	swait.ge @!p0 [sflag:s8], $0x0  }
0x24: {  	s3 =	sadd.s32 $0x88, s3;
	s6 =	simm.s32 @!p1 $0x1082;
	[sflag:s4] =	ssyncset.s32 $0xFFFFF086  }
0x25: {  	[simem:s6], [sflag:s4] =	dma.local [hbm:s3], $0xF7A  }
0x26: {  	[smem:$0x3F9B] =	sst s1;
	(tag) =	ssettag s2;
	_ =	strace s9  }
0x27: {  	s1 =	sld [smem:$0x3FAB]  }
0x28: {  	s2 =	sld [smem:$0x3FAC]  }
0x29: {  	s4 =	sld [smem:$0x3FAE]  }
0x2a: {  	p0 =	seq.s32 s5, $0x0;
	s5 =	sld [smem:$0x3FAF]  }
0x2b: {  	s6 =	sld [smem:$0x3FB0]  }
0x2c: {  	s7 =	sld [smem:$0x3FB1]  }
0x2d: {  	s3 =	simm.s32 $0x108;
	s8 =	sld [smem:$0x3FB2]  }
0x2e: {  	s3 =	simm.s32 @!p0 $0x1082;
	s9 =	sld [smem:$0x3FB3]  }
0x2f: {  	lr =	sadd.s32 s0, s3;
	s0 =	sld [smem:$0x3FAA]  }
0x30: {  	s3 =	sld [smem:$0x3FAD]  }
0x31: {  	[smem:$0x3FB6] =	sst s10  }
0x32: {  	s10 =	sld [smem:$0x3FB4];
	_ =	sdelay $0x3  }
0x33: {  	p0 =	seq.s32 s10, $0x1;
	s10 =	sld [smem:$0x3FB6];
	_ =	sdelay $0x3  }
0x34: {  	[smem:$0x3FB6] =	sst s10  }
0x35: {  	s10 =	sld [smem:$0x3FB5];
	_ =	sdelay $0x3  }
0x36: {  	p1 =	seq.s32 s10, $0x1;
	s10 =	sld [smem:$0x3FB6];
	_ =	sdelay $0x3  }
0x37: {  	[smem:$0x3FB6] =	sst s10  }
0x38: {  	s10 =	sld [smem:$0x3FB7]  }
0x39: {  	_ = 	snop;
	(pc) =	sbr.ind lr, $3  }
0x3a: {  	_ = 	snop  }
0x3b: {  	_ = 	snop  }
0x3c: {  	p2 =	seq.s32 s10, $0x1;
	s10 =	sld [smem:$0x3FB6]  }
0x3d: {  	_ =	shalt  }
0x3e: {  	_ =	shalt  }
0x3f: {  	_ =	shalt  }
0x40: {  	_ =	shalt  }
0x41: {  	_ =	shalt  }
0x42: {  	_ =	shalt  }
0x43: {  	_ =	shalt  }
0x44: {  	_ =	shalt  }
0x45: {  	_ =	shalt  }
0x46: {  	_ =	shalt  }
0x47: {  	_ =	shalt  }
0x48: {  	_ =	shalt  }
0x49: {  	_ =	shalt  }
0x4a: {  	_ =	shalt  }
0x4b: {  	_ =	shalt  }
0x4c: {  	_ =	shalt  }
0x4d: {  	_ =	shalt  }
0x4e: {  	_ =	shalt  }
0x4f: {  	_ =	shalt  }
0x50: {  	_ =	shalt  }
0x51: {  	_ =	shalt  }
0x52: {  	_ =	shalt  }
0x53: {  	_ =	shalt  }
0x54: {  	_ =	shalt  }
0x55: {  	_ =	shalt  }
0x56: {  	_ =	shalt  }
0x57: {  	_ =	shalt  }
0x58: {  	_ =	shalt  }
0x59: {  	_ =	shalt  }
0x5a: {  	_ =	shalt  }
0x5b: {  	_ =	shalt  }
0x5c: {  	_ =	shalt  }
0x5d: {  	_ =	shalt  }
0x5e: {  	_ =	shalt  }
0x5f: {  	_ =	shalt  }
0x60: {  	_ =	shalt  }
0x61: {  	_ =	shalt  }
0x62: {  	_ =	shalt  }
0x63: {  	_ =	shalt  }
0x64: {  	_ =	shalt  }
0x65: {  	_ =	shalt  }
0x66: {  	_ =	shalt  }
0x67: {  	_ =	shalt  }
0x68: {  	_ =	shalt  }
0x69: {  	_ =	shalt  }
0x6a: {  	_ =	shalt  }
0x6b: {  	_ =	shalt  }
0x6c: {  	_ =	shalt  }
0x6d: {  	_ =	shalt  }
0x6e: {  	_ =	shalt  }
0x6f: {  	_ =	shalt  }
0x70: {  	_ =	shalt  }
0x71: {  	_ =	shalt  }
0x72: {  	_ =	shalt  }
0x73: {  	_ =	shalt  }
0x74: {  	_ =	shalt  }
0x75: {  	_ =	shalt  }
0x76: {  	_ =	shalt  }
0x77: {  	_ =	shalt  }
0x78: {  	_ =	shalt  }
0x79: {  	_ =	shalt  }
0x7a: {  	_ =	shalt  }
0x7b: {  	_ =	shalt  }
0x7c: {  	_ =	shalt  }
0x7d: {  	_ =	shalt  }
0x7e: {  	_ =	shalt  }
0x7f: {  	_ =	shalt  }
0x80: {  	_ =	shalt  }
0x81: {  	_ =	shalt  }
0x82: {  	_ =	shalt  }
0x83: {  	_ =	shalt  }
0x84: {  	_ =	shalt  }
0x85: {  	_ =	shalt  }
0x86: {  	_ =	shalt  }
0x87: {  	_ =	shalt  }
.Lfunc_end0:
.L_simem_size_0:
called_computation.1_lowered:
.L_overlay_start_0:
0x88: {  	s2 =	sld [smem:$0x3FD9]  }
0x89: {  	s3 =	sld [smem:$0x3FFE];
	_ =	sdelay $0x1  }
0x8a: {  	s1 =	srdreg.scid  }
0x8b: {  	s0 =	sand.u32 $0x1, s1  }
0x8c: {  	s17 =	sshll.u32 s0, $0xA;
	s2 =	sadd.s32 s3, s2  }
0x8d: {  	s2 =	sadd.s32 s2, s17  }
0x8e: {  	[smem:$0x3FC2] =	sst s2  }
0x8f: {  	_ = 	snop  }
0x90: {  	s2 =	sld [smem:$0x3FD0];
	(tm) =	ssettm $0x1  }
0x91: {  	s18 =	sld [smem:$0x3FFB];
	_ =	sdelay $0x3  }
0x92: {  	_ =	strace s18  }
0x93: {  	s3 =	sld [smem:$0x3FFC];
	_ =	sdelay $0x3  }
0x94: {  	_ =	strace s3  }
0x95: {  	s3 =	sld [smem:$0x3FFD];
	_ =	sdelay $0x3  }
0x96: {  	_ =	strace s3  }
0x97: {  	_ =	strace $0x8FFFFFFF  }
0x98: {  	s19 =	sld [smem:$0x3FDB];
	_ =	sdelay $0x1  }
0x99: {  	s4 =	simm.s32 $_scs_section_size  }
0x9a: {  	s5 =	simm.s32 $_size__tile_overlayer_lowered;
	s6 =	simm.s32 $_tile_overlayer_lowered  }
0x9b: {  	s22 =	simm.s32 $0x1BFF;
	s21 =	sshll.u32 s6, $0x1;
	s3 =	sadd.s32 s4, s19  }
0x9c: {  	s7 =	simm.s32 $0x0;
	s20 =	sshll.u32 s5, $0x1;
	s5 =	sadd.s32 s21, s3  }
0x9d: {  	[timem:s7], [sflag:s22] =	dma.local [hbm:s5], s20  }
0x9e: {  	_ =	swait.ge [sflag:s22], s20  }
0x9f: {  	s4 =	ssub.s32 $0x0, s20;
	[sflag:s22] =	ssyncset.done $0x0  }
0xa0: {  	[sflag:s22] =	ssyncadd.s32 s4;
	_ =	sdelay $0x1  }
0xa1: {  	s23 =	simm.s32 $0x1B8B  }
0xa2: {  	_ =	swait.ge [sflag:s23], $0x1  }
0xa3: {  	[sflag:s23] =	ssyncset.done $0x0  }
0xa4: {  	s25 =	simm.s32 $0x1B8E;
	s24 =	sld [smem:$0x3FFE];
	[sflag:s23] =	ssyncadd.s32 $0xFFFFFFFF  }
0xa5: {  	s26 =	simm.s32 $execute0_lowered;
	[smem:$0x3FD2] =	sst s25  }
0xa6: {  	s5 =	sshll.u32 s26, $0x1;
	_ =	strace $0x80000049;
	[dreg:$0x1] =	wrdreg $0xFFFFFFFF  }
0xa7: {  	s28 =	simm.s32 $_size_execute0_lowered;
	s3 =	sadd.s32 s3, s5;
	[dreg:$0x0] =	wrdreg $0x0  }
0xa8: {  	s5 =	sshll.u32 s28, $0x1;
	[dreg:$0x2] =	wrdreg s3  }
0xa9: {  	[dreg:$0x3] =	wrdreg s5  }
0xaa: {  	[dreg:$0x4] =	wrdreg $0xC0  }
0xab: {  	_ =	task [dreg:s7], $0x5FFFF  }
0xac: {  	[dreg:$0x1] =	wrdreg $0xFFFFFFFF  }
0xad: {  	[dreg:$0x0] =	wrdreg $0x60  }
0xae: {  	[dreg:$0x2] =	wrdreg s24  }
0xaf: {  	[dreg:$0x3] =	wrdreg s2  }
0xb0: {  	[dreg:$0x4] =	wrdreg $0x9  }
0xb1: {  	_ =	task.clear_ibuf [dreg:s7], $0x5FFFF;
	_ =	strace $0x90000049  }
0xb2: {  	s29 =	simm.s32 $0x9;
	_ =	strace $0x8000004B  }
0xb3: {  	_ =	swait.ge [sflag:s29], $0x1  }
0xb4: {  	[sflag:s29] =	ssyncadd.s32 $0xFFFFFFFF  }
0xb5: {  	_ =	strace $0x9000004B  }
0xb6: {  	_ =	sfence  }
0xb7: {  	s30 =	sld [smem:$0x0];
	_ =	sdelay $0x2  }
0xb8: {  	s31 =	sshll.u32 s1, $0xD;
	s1 =	sshrl.u32 s1, $0x2  }
0xb9: {  	s3 =	sand.u32 $0x4000, s31;
	s1 =	sadd.s32 s1, s30  }
0xba: {  	s0 =	sor.u32 s3, s0;
	s1 =	sshll.u32 s1, $0x11  }
0xbb: {  	s0 =	sor.u32 s1, s0  }
0xbc: {  	s0 =	sadd.s32 $0x8F2B, s0  }
0xbd: {  	[sflag:s0] =	ssyncadd.remote.s32 $0x1  }
0xbe: {  	_ =	sfence.sel $0xFFFF  }
0xbf: {  	[dreg:$0x0] =	wrdreg $0xFFFFFFFF;
	(pc) =	sbr.abs _section_cstart, $3  }
0xc0: {  	[dreg:$0x1] =	wrdreg $0xFFFFFFFF  }
0xc1: {  	_ =	task.clear_ibuf [dreg:s7], $0x2FFFF;
	_ =	strace $0x9FFFFFFF  }
0xc2: {  	(tm) =	ssettm $0x7FFFFFFF  }
0xc3: {  	_ =	shalt  }
tec
execute0_lowered:
.L_overlay_start_1:
0x0: {  	(tag) =	ssettag $0x1  }
0x1: {  	s0 =	rddreg [dreg:$0x0]  }
0x2: {  	s1 =	rddreg [dreg:$0x1];
	s2 =	simm.s32 $0x0  }
0x3: {  	s3 =	srdreg.scid;
	s5 =	stileid.u32;
	s13 =	simm.s32 $0x3  }
0x4: {  	s14 =	simm.s32 $0x4;
	s15 =	simm.s32 $0x4100;
	s22 =	simm.s32 $0x19900  }
0x5: {  	s23 =	simm.s32 $0x1A100;
	s24 =	simm.s32 $0x1A900;
	s28 =	simm.s32 $0x5  }
0x6: {  	s29 =	simm.s32 $0x6;
	s30 =	simm.s32 $0x1;
	s31 =	simm.s32 $0x2  }
0x7: {  	[smem:$0x7FF] =	sst s2;
	s4 =	sand.u32 $0x1, s3;
	s5 =	sshll.u32 s5, $0x7  }
0x8: {  	s3 =	sadd.s32 $0x120600, s0;
	s7 =	sadd.s32 $0x200, s0;
	s6 =	sshll.u32 s4, $0x6  }
0x9: {  	s8 =	sadd.s32 $0x400, s0;
	s4 =	ssub.s32 $0x2, s4;
	s6 =	sor.u32 s6, s5  }
0xa: {  	_ =	strace $0x8000004A;
	s25 =	sshrl.u32 s4, $0x1;
	s9 =	sor.u32 $0x800, s6  }
0xb: {  	s10 =	sshrl.u32 s6, $0x3;
	s12 =	ssub.s32 s4, s25;
	s6 =	sshll.u32 s6, $0x4  }
0xc: {  	s25 =	simm.s32 $0x1B100;
	s11 =	sshrl.u32 s9, $0x3;
	s4 =	sadd.s32 s7, s10  }
0xd: {  	s26 =	sshll.u32 s9, $0x4;
	s10 =	smul.u32 $0x300, s10;
	s6 =	sadd.s32 s8, s6  }
0xe: {  	v2 =	vlaneseq.u32;
	s9 =	sadd.s32 $0x120800, s0;
	s5 =	sadd.s32 s7, s11;
	s7 =	sadd.s32 s8, s26  }
0xf: {  	vm0 =	vmmov $0xffff;
	v1 =	vshrl.u32 v2, $0x3;
	s8 =	sadd.s32 $0x120700, s0;
	s11 =	smax.u32 s12, $0x1;
	s26 =	simm.s32 $0x1B900  }
0x10: {  	v0 =	vand.u32 $0x7, v2;
	v2 =	vor.u32 $0x8, v2;
	v1 =	vmul.u32 $0x8, v1;
	s0 =	simm.s32 $0x7;
	s10 =	sadd.s32 s1, s10;
	s1 =	simm.s32 $0x0  }
.LBB2_1:
0x11: {  	[tilespmem:s2], [sflag:$0x3] =	stream.linear.gather [hbm4b:s4+s2], $0x40, $0x38;
	[tilespmem:$0x1C100] =	vst v63  }
0x12: {  	s12 =	simm.s32 $0x80  }
0x13: {  	[tilespmem:s12], [sflag:$0x4] =	stream.linear.gather [hbm4b:s5+s2], $0x40, $0x38;
	[tilespmem:$0x1C100] =	vst v63  }
0x14: {  	s12 =	simm.s32 $0x100  }
0x15: {  	[tilespmem:s12], [sflag:$0x5] =	stream.linear.gather [hbm4b:s6+s2], $0x2000, $0x38;
	[tilespmem:$0x1C100] =	vst v63  }
0x16: {  	s16 =	simm.s32 $0x2100  }
0x17: {  	[tilespmem:s16], [sflag:$0x6] =	stream.linear.gather [hbm4b:s7+s2], $0x2000, $0x38;
	[tilespmem:$0x1C100] =	vst v63  }
0x18: {  	_ =	swait.ge [sflag:s13], $0x40  }
0x19: {  	[sflag:s13] =	ssyncset.done $0x0  }
0x1a: {  	[sflag:s13] =	ssyncadd.s32 $0xFFFFFFC0  }
0x1b: {  	_ =	swait.ge [sflag:s14], $0x40  }
0x1c: {  	[sflag:s14] =	ssyncset.done $0x0  }
0x1d: {  	[sflag:s14] =	ssyncadd.s32 $0xFFFFFFC0  }
0x1e: {  	v3 =	vld [tilespmem:$0x0];
	_ =	sdelay $0x4  }
0x1f: {  	v4 =	vshrl.u32 v3, $0x3  }
0x20: {  	v4 =	vmul.u32 $0x30, v4  }
0x21: {  	v3 =	vand.u32 $0x7, v3  }
0x22: {  	v3 =	vor.u32 v3, v4  }
0x23: {  	v4 =	vperm.xlane v3, v0;
	_ =	sdelay $0x1  }
0x24: {  	v4 =	vadd.s32 v1, v4;
	_ =	sdelay $0x3  }
0x25: {  	v3 =	vperm.xlane v3, v2  }
0x26: {  	[tilespmem:s15], [sflag:$0x1] =	stream.indirect_vreg.gather [hbm4b:s3+s2], $0x80, v4, vm0, $0xb8;
	[tilespmem:$0x1C100] =	vst v63  }
0x27: {  	s17 =	simm.s32 $0x4900;
	v3 =	vadd.s32 v1, v3  }
0x28: {  	[tilespmem:s17], [sflag:$0x1] =	stream.indirect_vreg.gather [hbm4b:s8+s2], $0x80, v4, vm0, $0xb8;
	[tilespmem:$0x1C100] =	vst v63  }
0x29: {  	s19 =	simm.s32 $0x5100  }
0x2a: {  	[tilespmem:s19], [sflag:$0x1] =	stream.indirect_vreg.gather [hbm4b:s9+s2], $0x80, v4, vm0, $0xb8;
	[tilespmem:$0x1C100] =	vst v63  }
0x2b: {  	s20 =	simm.s32 $0x5900  }
0x2c: {  	[tilespmem:s20], [sflag:$0x1] =	stream.indirect_vreg.gather [hbm4b:s3+s2], $0x80, v3, vm0, $0xb8;
	[tilespmem:$0x1C100] =	vst v63  }
0x2d: {  	s21 =	simm.s32 $0x6100  }
0x2e: {  	[tilespmem:s21], [sflag:$0x1] =	stream.indirect_vreg.gather [hbm4b:s8+s2], $0x80, v3, vm0, $0xb8;
	[tilespmem:$0x1C100] =	vst v63  }
0x2f: {  	s18 =	simm.s32 $0x6900  }
0x30: {  	[tilespmem:s18], [sflag:$0x1] =	stream.indirect_vreg.gather [hbm4b:s9+s2], $0x80, v3, vm0, $0xb8;
	[tilespmem:$0x1C100] =	vst v63  }
0x31: {  	v3 =	vld [tilespmem:$0x10];
	_ =	sdelay $0x4  }
0x32: {  	v4 =	vshrl.u32 v3, $0x3  }
0x33: {  	v4 =	vmul.u32 $0x30, v4  }
0x34: {  	v3 =	vand.u32 $0x7, v3  }
0x35: {  	v3 =	vor.u32 v3, v4  }
0x36: {  	v4 =	vperm.xlane v3, v0;
	_ =	sdelay $0x1  }
0x37: {  	v4 =	vadd.s32 v1, v4;
	_ =	sdelay $0x3  }
0x38: {  	s19 =	simm.s32 $0x7100;
	v3 =	vperm.xlane v3, v2  }
0x39: {  	[tilespmem:s19], [sflag:$0x1] =	stream.indirect_vreg.gather [hbm4b:s3+s2], $0x80, v4, vm0, $0xb8;
	[tilespmem:$0x1C100] =	vst v63  }
0x3a: {  	s20 =	simm.s32 $0x7900;
	v3 =	vadd.s32 v1, v3  }
0x3b: {  	[tilespmem:s20], [sflag:$0x1] =	stream.indirect_vreg.gather [hbm4b:s8+s2], $0x80, v4, vm0, $0xb8;
	[tilespmem:$0x1C100] =	vst v63  }
0x3c: {  	s21 =	simm.s32 $0x8100  }
0x3d: {  	[tilespmem:s21], [sflag:$0x1] =	stream.indirect_vreg.gather [hbm4b:s9+s2], $0x80, v4, vm0, $0xb8;
	[tilespmem:$0x1C100] =	vst v63  }
0x3e: {  	s18 =	simm.s32 $0x8900  }
0x3f: {  	[tilespmem:s18], [sflag:$0x1] =	stream.indirect_vreg.gather [hbm4b:s3+s2], $0x80, v3, vm0, $0xb8;
	[tilespmem:$0x1C100] =	vst v63  }
0x40: {  	s19 =	simm.s32 $0x9100  }
0x41: {  	[tilespmem:s19], [sflag:$0x1] =	stream.indirect_vreg.gather [hbm4b:s8+s2], $0x80, v3, vm0, $0xb8;
	[tilespmem:$0x1C100] =	vst v63  }
0x42: {  	s20 =	simm.s32 $0x9900  }
0x43: {  	[tilespmem:s20], [sflag:$0x1] =	stream.indirect_vreg.gather [hbm4b:s9+s2], $0x80, v3, vm0, $0xb8;
	[tilespmem:$0x1C100] =	vst v63  }
0x44: {  	v3 =	vld [tilespmem:$0x20];
	_ =	sdelay $0x4  }
0x45: {  	v4 =	vshrl.u32 v3, $0x3  }
0x46: {  	v4 =	vmul.u32 $0x30, v4  }
0x47: {  	v3 =	vand.u32 $0x7, v3  }
0x48: {  	v3 =	vor.u32 v3, v4  }
0x49: {  	v4 =	vperm.xlane v3, v0;
	_ =	sdelay $0x1  }
0x4a: {  	v4 =	vadd.s32 v1, v4;
	_ =	sdelay $0x3  }
0x4b: {  	s21 =	simm.s32 $0xA100;
	v3 =	vperm.xlane v3, v2  }
0x4c: {  	[tilespmem:s21], [sflag:$0x1] =	stream.indirect_vreg.gather [hbm4b:s3+s2], $0x80, v4, vm0, $0xb8;
	[tilespmem:$0x1C100] =	vst v63  }
0x4d: {  	s18 =	simm.s32 $0xA900;
	v3 =	vadd.s32 v1, v3  }
0x4e: {  	[tilespmem:s18], [sflag:$0x1] =	stream.indirect_vreg.gather [hbm4b:s8+s2], $0x80, v4, vm0, $0xb8;
	[tilespmem:$0x1C100] =	vst v63  }
0x4f: {  	s19 =	simm.s32 $0xB100  }
0x50: {  	[tilespmem:s19], [sflag:$0x1] =	stream.indirect_vreg.gather [hbm4b:s9+s2], $0x80, v4, vm0, $0xb8;
	[tilespmem:$0x1C100] =	vst v63  }
0x51: {  	s20 =	simm.s32 $0xB900  }
0x52: {  	[tilespmem:s20], [sflag:$0x1] =	stream.indirect_vreg.gather [hbm4b:s3+s2], $0x80, v3, vm0, $0xb8;
	[tilespmem:$0x1C100] =	vst v63  }
0x53: {  	s21 =	simm.s32 $0xC100  }
0x54: {  	[tilespmem:s21], [sflag:$0x1] =	stream.indirect_vreg.gather [hbm4b:s8+s2], $0x80, v3, vm0, $0xb8;
	[tilespmem:$0x1C100] =	vst v63  }
0x55: {  	s18 =	simm.s32 $0xC900  }
0x56: {  	[tilespmem:s18], [sflag:$0x1] =	stream.indirect_vreg.gather [hbm4b:s9+s2], $0x80, v3, vm0, $0xb8;
	[tilespmem:$0x1C100] =	vst v63  }
0x57: {  	v3 =	vld [tilespmem:$0x30];
	_ =	sdelay $0x4  }
0x58: {  	v4 =	vshrl.u32 v3, $0x3  }
0x59: {  	v4 =	vmul.u32 $0x30, v4  }
0x5a: {  	v3 =	vand.u32 $0x7, v3  }
0x5b: {  	v3 =	vor.u32 v3, v4  }
0x5c: {  	v4 =	vperm.xlane v3, v0;
	_ =	sdelay $0x1  }
0x5d: {  	v4 =	vadd.s32 v1, v4;
	_ =	sdelay $0x3  }
0x5e: {  	s19 =	simm.s32 $0xD100;
	v3 =	vperm.xlane v3, v2  }
0x5f: {  	[tilespmem:s19], [sflag:$0x1] =	stream.indirect_vreg.gather [hbm4b:s3+s2], $0x80, v4, vm0, $0xb8;
	[tilespmem:$0x1C100] =	vst v63  }
0x60: {  	s20 =	simm.s32 $0xD900;
	v3 =	vadd.s32 v1, v3  }
0x61: {  	[tilespmem:s20], [sflag:$0x1] =	stream.indirect_vreg.gather [hbm4b:s8+s2], $0x80, v4, vm0, $0xb8;
	[tilespmem:$0x1C100] =	vst v63  }
0x62: {  	s21 =	simm.s32 $0xE100  }
0x63: {  	[tilespmem:s21], [sflag:$0x1] =	stream.indirect_vreg.gather [hbm4b:s9+s2], $0x80, v4, vm0, $0xb8;
	[tilespmem:$0x1C100] =	vst v63  }
0x64: {  	s18 =	simm.s32 $0xE900  }
0x65: {  	[tilespmem:s18], [sflag:$0x1] =	stream.indirect_vreg.gather [hbm4b:s3+s2], $0x80, v3, vm0, $0xb8;
	[tilespmem:$0x1C100] =	vst v63  }
0x66: {  	s19 =	simm.s32 $0xF100  }
0x67: {  	[tilespmem:s19], [sflag:$0x1] =	stream.indirect_vreg.gather [hbm4b:s8+s2], $0x80, v3, vm0, $0xb8;
	[tilespmem:$0x1C100] =	vst v63  }
0x68: {  	s20 =	simm.s32 $0xF900  }
0x69: {  	[tilespmem:s20], [sflag:$0x1] =	stream.indirect_vreg.gather [hbm4b:s9+s2], $0x80, v3, vm0, $0xb8;
	[tilespmem:$0x1C100] =	vst v63  }
0x6a: {  	v3 =	vld [tilespmem:$0x80];
	_ =	sdelay $0x4  }
0x6b: {  	v4 =	vshrl.u32 v3, $0x3  }
0x6c: {  	v4 =	vmul.u32 $0x30, v4  }
0x6d: {  	v3 =	vand.u32 $0x7, v3  }
0x6e: {  	v3 =	vor.u32 v3, v4  }
0x6f: {  	v4 =	vperm.xlane v3, v0;
	_ =	sdelay $0x1  }
0x70: {  	v4 =	vadd.s32 v1, v4;
	_ =	sdelay $0x3  }
0x71: {  	s21 =	simm.s32 $0x10100;
	v3 =	vperm.xlane v3, v2  }
0x72: {  	[tilespmem:s21], [sflag:$0x2] =	stream.indirect_vreg.gather [hbm4b:s3+s2], $0x80, v4, vm0, $0xb8;
	[tilespmem:$0x1C100] =	vst v63  }
0x73: {  	s18 =	simm.s32 $0x10900;
	v3 =	vadd.s32 v1, v3  }
0x74: {  	[tilespmem:s18], [sflag:$0x2] =	stream.indirect_vreg.gather [hbm4b:s8+s2], $0x80, v4, vm0, $0xb8;
	[tilespmem:$0x1C100] =	vst v63  }
0x75: {  	s19 =	simm.s32 $0x11100  }
0x76: {  	[tilespmem:s19], [sflag:$0x2] =	stream.indirect_vreg.gather [hbm4b:s9+s2], $0x80, v4, vm0, $0xb8;
	[tilespmem:$0x1C100] =	vst v63  }
0x77: {  	s20 =	simm.s32 $0x11900  }
0x78: {  	[tilespmem:s20], [sflag:$0x2] =	stream.indirect_vreg.gather [hbm4b:s3+s2], $0x80, v3, vm0, $0xb8;
	[tilespmem:$0x1C100] =	vst v63  }
0x79: {  	s21 =	simm.s32 $0x12100  }
0x7a: {  	[tilespmem:s21], [sflag:$0x2] =	stream.indirect_vreg.gather [hbm4b:s8+s2], $0x80, v3, vm0, $0xb8;
	[tilespmem:$0x1C100] =	vst v63  }
0x7b: {  	s18 =	simm.s32 $0x12900  }
0x7c: {  	[tilespmem:s18], [sflag:$0x2] =	stream.indirect_vreg.gather [hbm4b:s9+s2], $0x80, v3, vm0, $0xb8;
	[tilespmem:$0x1C100] =	vst v63  }
0x7d: {  	v3 =	vld [tilespmem:$0x90];
	_ =	sdelay $0x4  }
0x7e: {  	v4 =	vshrl.u32 v3, $0x3  }
0x7f: {  	v4 =	vmul.u32 $0x30, v4  }
0x80: {  	v3 =	vand.u32 $0x7, v3  }
0x81: {  	v3 =	vor.u32 v3, v4  }
0x82: {  	v4 =	vperm.xlane v3, v0;
	_ =	sdelay $0x1  }
0x83: {  	v4 =	vadd.s32 v1, v4;
	_ =	sdelay $0x3  }
0x84: {  	s19 =	simm.s32 $0x13100;
	v3 =	vperm.xlane v3, v2  }
0x85: {  	[tilespmem:s19], [sflag:$0x2] =	stream.indirect_vreg.gather [hbm4b:s3+s2], $0x80, v4, vm0, $0xb8;
	[tilespmem:$0x1C100] =	vst v63  }
0x86: {  	s20 =	simm.s32 $0x13900;
	v3 =	vadd.s32 v1, v3  }
0x87: {  	[tilespmem:s20], [sflag:$0x2] =	stream.indirect_vreg.gather [hbm4b:s8+s2], $0x80, v4, vm0, $0xb8;
	[tilespmem:$0x1C100] =	vst v63  }
0x88: {  	s21 =	simm.s32 $0x14100  }
0x89: {  	[tilespmem:s21], [sflag:$0x2] =	stream.indirect_vreg.gather [hbm4b:s9+s2], $0x80, v4, vm0, $0xb8;
	[tilespmem:$0x1C100] =	vst v63  }
0x8a: {  	s18 =	simm.s32 $0x14900  }
0x8b: {  	[tilespmem:s18], [sflag:$0x2] =	stream.indirect_vreg.gather [hbm4b:s3+s2], $0x80, v3, vm0, $0xb8;
	[tilespmem:$0x1C100] =	vst v63  }
0x8c: {  	s19 =	simm.s32 $0x15100  }
0x8d: {  	[tilespmem:s19], [sflag:$0x2] =	stream.indirect_vreg.gather [hbm4b:s8+s2], $0x80, v3, vm0, $0xb8;
	[tilespmem:$0x1C100] =	vst v63  }
0x8e: {  	s20 =	simm.s32 $0x15900  }
0x8f: {  	[tilespmem:s20], [sflag:$0x2] =	stream.indirect_vreg.gather [hbm4b:s9+s2], $0x80, v3, vm0, $0xb8;
	[tilespmem:$0x1C100] =	vst v63  }
0x90: {  	v3 =	vld [tilespmem:$0xA0];
	_ =	sdelay $0x4  }
0x91: {  	v4 =	vshrl.u32 v3, $0x3  }
0x92: {  	v4 =	vmul.u32 $0x30, v4  }
0x93: {  	v3 =	vand.u32 $0x7, v3  }
0x94: {  	v3 =	vor.u32 v3, v4  }
0x95: {  	v4 =	vperm.xlane v3, v0;
	_ =	sdelay $0x1  }
0x96: {  	v4 =	vadd.s32 v1, v4;
	_ =	sdelay $0x3  }
0x97: {  	s21 =	simm.s32 $0x16100;
	v3 =	vperm.xlane v3, v2  }
0x98: {  	[tilespmem:s21], [sflag:$0x2] =	stream.indirect_vreg.gather [hbm4b:s3+s2], $0x80, v4, vm0, $0xb8;
	[tilespmem:$0x1C100] =	vst v63  }
0x99: {  	s18 =	simm.s32 $0x16900;
	v3 =	vadd.s32 v1, v3  }
0x9a: {  	[tilespmem:s18], [sflag:$0x2] =	stream.indirect_vreg.gather [hbm4b:s8+s2], $0x80, v4, vm0, $0xb8;
	[tilespmem:$0x1C100] =	vst v63  }
0x9b: {  	s19 =	simm.s32 $0x17100  }
0x9c: {  	[tilespmem:s19], [sflag:$0x2] =	stream.indirect_vreg.gather [hbm4b:s9+s2], $0x80, v4, vm0, $0xb8;
	[tilespmem:$0x1C100] =	vst v63  }
0x9d: {  	s20 =	simm.s32 $0x17900  }
0x9e: {  	[tilespmem:s20], [sflag:$0x2] =	stream.indirect_vreg.gather [hbm4b:s3+s2], $0x80, v3, vm0, $0xb8;
	[tilespmem:$0x1C100] =	vst v63  }
0x9f: {  	s21 =	simm.s32 $0x18100  }
0xa0: {  	[tilespmem:s21], [sflag:$0x2] =	stream.indirect_vreg.gather [hbm4b:s8+s2], $0x80, v3, vm0, $0xb8;
	[tilespmem:$0x1C100] =	vst v63  }
0xa1: {  	s18 =	simm.s32 $0x18900  }
0xa2: {  	[tilespmem:s18], [sflag:$0x2] =	stream.indirect_vreg.gather [hbm4b:s9+s2], $0x80, v3, vm0, $0xb8;
	[tilespmem:$0x1C100] =	vst v63  }
0xa3: {  	v3 =	vld [tilespmem:$0xB0];
	_ =	sdelay $0x4  }
0xa4: {  	v4 =	vshrl.u32 v3, $0x3  }
0xa5: {  	v4 =	vmul.u32 $0x30, v4  }
0xa6: {  	v3 =	vand.u32 $0x7, v3  }
0xa7: {  	v3 =	vor.u32 v3, v4  }
0xa8: {  	v4 =	vperm.xlane v3, v0;
	_ =	sdelay $0x1  }
0xa9: {  	v4 =	vadd.s32 v1, v4;
	_ =	sdelay $0x3  }
0xaa: {  	s19 =	simm.s32 $0x19100;
	v3 =	vperm.xlane v3, v2  }
0xab: {  	[tilespmem:s19], [sflag:$0x2] =	stream.indirect_vreg.gather [hbm4b:s3+s2], $0x80, v4, vm0, $0xb8;
	[tilespmem:$0x1C100] =	vst v63  }
0xac: {  	v3 =	vadd.s32 v1, v3  }
0xad: {  	[tilespmem:s22], [sflag:$0x2] =	stream.indirect_vreg.gather [hbm4b:s8+s2], $0x80, v4, vm0, $0xb8;
	[tilespmem:$0x1C100] =	vst v63  }
0xae: {  	_ = 	snop  }
0xaf: {  	[tilespmem:s23], [sflag:$0x2] =	stream.indirect_vreg.gather [hbm4b:s9+s2], $0x80, v4, vm0, $0xb8;
	[tilespmem:$0x1C100] =	vst v63  }
0xb0: {  	_ = 	snop  }
0xb1: {  	[tilespmem:s24], [sflag:$0x2] =	stream.indirect_vreg.gather [hbm4b:s3+s2], $0x80, v3, vm0, $0xb8;
	[tilespmem:$0x1C100] =	vst v63  }
0xb2: {  	_ = 	snop  }
0xb3: {  	[tilespmem:s25], [sflag:$0x2] =	stream.indirect_vreg.gather [hbm4b:s8+s2], $0x80, v3, vm0, $0xb8;
	[tilespmem:$0x1C100] =	vst v63  }
0xb4: {  	_ = 	snop  }
0xb5: {  	[tilespmem:s26], [sflag:$0x2] =	stream.indirect_vreg.gather [hbm4b:s9+s2], $0x80, v3, vm0, $0xb8;
	[tilespmem:$0x1C100] =	vst v63  }
0xb6: {  	_ =	swait.ge [sflag:s28], $0x2000  }
0xb7: {  	[sflag:s28] =	ssyncset.done $0x0  }
0xb8: {  	[sflag:s28] =	ssyncadd.s32 $0xFFFFE000  }
0xb9: {  	_ =	swait.ge [sflag:s29], $0x2000  }
0xba: {  	[sflag:s29] =	ssyncset.done $0x0  }
0xbb: {  	[sflag:s29] =	ssyncadd.s32 $0xFFFFE000  }
0xbc: {  	_ =	swait.ge [sflag:s30], $0xC000  }
0xbd: {  	[sflag:s30] =	ssyncset.done $0x0  }
0xbe: {  	s20 =	simm.s32 $0x0;
	[sflag:s30] =	ssyncadd.s32 $0xFFFF4000  }
0xbf: {  	s17 =	smul.u32 $0x1800, s20;
	_ =	swait.ge [sflag:s31], $0xC000  }
0xc0: {  	s18 =	sand.u32 $0x380, s2;
	[sflag:s31] =	ssyncset.done $0x0  }
0xc1: {  	s19 =	sor.u32 s18, s17;
	[sflag:s31] =	ssyncadd.s32 $0xFFFF4000  }
0xc2: {  	v4 =	vld [tilespmem:s19+$0x4110]  }
0xc3: {  	v3 =	vld [tilespmem:s19+$0x10110]  }
0xc4: {  	v6 =	vld [tilespmem:s19+$0x4120]  }
0xc5: {  	v5 =	vld [tilespmem:s19+$0x10120]  }
0xc6: {  	v10 =	vld [tilespmem:s19+$0x4130]  }
0xc7: {  	v9 =	vld [tilespmem:s19+$0x10130]  }
0xc8: {  	v12 =	vld [tilespmem:s19+$0x4140]  }
0xc9: {  	v11 =	vld [tilespmem:s19+$0x10140]  }
0xca: {  	v13 =	vld [tilespmem:s19+$0x4160]  }
0xcb: {  	v14 =	vld [tilespmem:s19+$0x4170]  }
0xcc: {  	v15 =	vld [tilespmem:s19+$0x4500]  }
0xcd: {  	v16 =	vld [tilespmem:s19+$0x4510]  }
0xce: {  	v17 =	vld [tilespmem:s19+$0x4520]  }
0xcf: {  	v18 =	vld [tilespmem:s19+$0x4530]  }
0xd0: {  	v19 =	vld [tilespmem:s19+$0x4540]  }
0xd1: {  	v20 =	vld [tilespmem:s19+$0x4550]  }
0xd2: {  	v21 =	vld [tilespmem:s19+$0x4560]  }
0xd3: {  	v22 =	vld [tilespmem:s19+$0x4570]  }
0xd4: {  	v23 =	vld [tilespmem:s19+$0x4900]  }
0xd5: {  	v24 =	vld [tilespmem:s19+$0x4910]  }
0xd6: {  	v25 =	vld [tilespmem:s19+$0x4920]  }
0xd7: {  	v26 =	vld [tilespmem:s19+$0x4930]  }
0xd8: {  	v27 =	vld [tilespmem:s19+$0x4940]  }
0xd9: {  	v28 =	vld [tilespmem:s19+$0x4950]  }
0xda: {  	v29 =	vld [tilespmem:s19+$0x4960]  }
0xdb: {  	v30 =	vld [tilespmem:s19+$0x4970]  }
0xdc: {  	v31 =	vld [tilespmem:s19+$0x4D00]  }
0xdd: {  	v32 =	vld [tilespmem:s19+$0x4D10]  }
0xde: {  	v33 =	vld [tilespmem:s19+$0x4D20]  }
0xdf: {  	v34 =	vld [tilespmem:s19+$0x4D30]  }
0xe0: {  	v35 =	vld [tilespmem:s19+$0x4D40]  }
0xe1: {  	v36 =	vld [tilespmem:s19+$0x4D50]  }
0xe2: {  	v37 =	vld [tilespmem:s19+$0x4D60]  }
0xe3: {  	v38 =	vld [tilespmem:s19+$0x4D70]  }
0xe4: {  	v39 =	vld [tilespmem:s19+$0x5100]  }
0xe5: {  	v40 =	vld [tilespmem:s19+$0x5110]  }
0xe6: {  	v41 =	vld [tilespmem:s19+$0x5120]  }
0xe7: {  	v42 =	vld [tilespmem:s19+$0x5130]  }
0xe8: {  	v43 =	vld [tilespmem:s19+$0x5140]  }
0xe9: {  	v44 =	vld [tilespmem:s19+$0x5150]  }
0xea: {  	v45 =	vld [tilespmem:s19+$0x5160]  }
0xeb: {  	v46 =	vld [tilespmem:s19+$0x5500]  }
0xec: {  	v47 =	vld [tilespmem:s19+$0x5510]  }
0xed: {  	v48 =	vld [tilespmem:s19+$0x11510]  }
0xee: {  	v49 =	vld [tilespmem:s19+$0x11530]  }
0xef: {  	v50 =	vld [tilespmem:s19+$0x5530]  }
0xf0: {  	v51 =	vld [tilespmem:s19+$0x5520]  }
0xf1: {  	v7 =	vld [tilespmem:s12+$0x0]  }
0xf2: {  	v8 =	vld [tilespmem:s16+$0x0]  }
0xf3: {  	v52 =	vld [tilespmem:s19+$0x11520]  }
0xf4: {  	v53 =	vld [tilespmem:s19+$0x11500]  }
0xf5: {  	v54 =	vld [tilespmem:s19+$0x5170]  }
0xf6: {  	v55 =	vld [tilespmem:s19+$0x11170];
	v50 =	vmul.f32 v50, v7  }
0xf7: {  	v56 =	vld [tilespmem:s19+$0x11160];
	v49 =	vmul.f32 v49, v8;
	v51 =	vmul.f32 v51, v7  }
0xf8: {  	v57 =	vld [tilespmem:s19+$0x11150];
	v52 =	vmul.f32 v52, v8;
	v47 =	vmul.f32 v47, v7  }
0xf9: {  	v61 =	vld [tilespmem:s19+$0x11100];
	v48 =	vmul.f32 v48, v8;
	v46 =	vmul.f32 v46, v7  }
0xfa: {  	v58 =	vld [tilespmem:s19+$0x11140];
	v62 =	vmul.f32 v53, v8;
	v63 =	vmul.f32 v54, v7;
	v49 =	vadd.f32 v49, v50  }
0xfb: {  	v53 =	vld [tilespmem:s19+$0x11130];
	v59 =	vmul.f32 v55, v8;
	v45 =	vmul.f32 v45, v7;
	v51 =	vadd.f32 v52, v51  }
0xfc: {  	v60 =	vmul.f32 v56, v8;
	v44 =	vmul.f32 v44, v7;
	v56 =	vld [tilespmem:s19+$0x10D60];
	v47 =	vadd.f32 v48, v47;
	[tilespmem:s19+$0x5530] =	vst v49  }
0xfd: {  	v43 =	vmul.f32 v43, v7;
	v39 =	vmul.f32 v39, v7;
	v55 =	vld [tilespmem:s19+$0x10970];
	v46 =	vadd.f32 v62, v46;
	[tilespmem:s19+$0x5520] =	vst v51  }
0xfe: {  	v61 =	vmul.f32 v61, v8;
	v12 =	vmul.f32 v12, v7;
	v48 =	vld [tilespmem:s19+$0x11120];
	v52 =	vadd.f32 v59, v63;
	[tilespmem:s19+$0x5510] =	vst v47  }
0xff: {  	v11 =	vmul.f32 v11, v8;
	v63 =	vmul.f32 v58, v8;
	v45 =	vadd.f32 v60, v45;
	v58 =	vld [tilespmem:s19+$0x10D50];
	[tilespmem:s19+$0x5500] =	vst v46  }
0x100: {  	v42 =	vmul.f32 v42, v7;
	v62 =	vmul.f32 v57, v8;
	v59 =	vld [tilespmem:s19+$0x10D40];
	v39 =	vadd.f32 v61, v39;
	[tilespmem:s19+$0x5170] =	vst v52  }
0x101: {  	v41 =	vmul.f32 v41, v7;
	v40 =	vmul.f32 v40, v7;
	v60 =	vld [tilespmem:s19+$0x10D30];
	v11 =	vadd.f32 v11, v12;
	[tilespmem:s19+$0x5160] =	vst v45  }
0x102: {  	v38 =	vmul.f32 v38, v7;
	v61 =	vld [tilespmem:s19+$0x10910];
	v44 =	vadd.f32 v62, v44;
	[tilespmem:s19+$0x5100] =	vst v39;
	v57 =	vmul.f32 v53, v8  }
0x103: {  	v37 =	vmul.f32 v37, v7;
	v49 =	vld [tilespmem:s19+$0x11110];
	v43 =	vadd.f32 v63, v43;
	[tilespmem:s19+$0x4140] =	vst v11;
	v46 =	vmul.f32 v56, v8  }
0x104: {  	v36 =	vmul.f32 v36, v7;
	v47 =	vld [tilespmem:s19+$0x10D70];
	[tilespmem:s19+$0x5150] =	vst v44;
	v48 =	vmul.f32 v48, v8;
	v42 =	vadd.f32 v57, v42  }
0x105: {  	v35 =	vmul.f32 v35, v7;
	v62 =	vld [tilespmem:s19+$0x10D20];
	[tilespmem:s19+$0x5140] =	vst v43;
	v54 =	vmul.f32 v58, v8;
	v37 =	vadd.f32 v46, v37  }
0x106: {  	v34 =	vmul.f32 v34, v7;
	v63 =	vld [tilespmem:s19+$0x10D10];
	v45 =	vmul.f32 v59, v8;
	v41 =	vadd.f32 v48, v41;
	[tilespmem:s19+$0x5130] =	vst v42  }
0x107: {  	v33 =	vmul.f32 v33, v7;
	v56 =	vld [tilespmem:s19+$0x10960];
	v44 =	vmul.f32 v60, v8;
	v36 =	vadd.f32 v54, v36;
	[tilespmem:s19+$0x4D60] =	vst v37  }
0x108: {  	v32 =	vmul.f32 v32, v7;
	v53 =	vld [tilespmem:s19+$0x10D00];
	v49 =	vmul.f32 v49, v8;
	v35 =	vadd.f32 v45, v35;
	[tilespmem:s19+$0x5120] =	vst v41  }
0x109: {  	v6 =	vmul.f32 v6, v7;
	v12 =	vld [tilespmem:s19+$0x5560];
	v47 =	vmul.f32 v47, v8;
	v34 =	vadd.f32 v44, v34;
	[tilespmem:s19+$0x4D50] =	vst v36  }
0x10a: {  	v5 =	vmul.f32 v5, v8;
	v58 =	vld [tilespmem:s19+$0x10940];
	v43 =	vmul.f32 v62, v8;
	v40 =	vadd.f32 v49, v40;
	[tilespmem:s19+$0x4D40] =	vst v35  }
0x10b: {  	v29 =	vmul.f32 v29, v7;
	v59 =	vld [tilespmem:s19+$0x10930];
	v42 =	vmul.f32 v63, v8;
	v38 =	vadd.f32 v47, v38;
	[tilespmem:s19+$0x4D30] =	vst v34  }
0x10c: {  	v5 =	vadd.f32 v5, v6;
	v6 =	vld [tilespmem:s19+$0x4100];
	v39 =	vmul.f32 v56, v8;
	v33 =	vadd.f32 v43, v33;
	[tilespmem:s19+$0x5110] =	vst v40  }
0x10d: {  	v31 =	vmul.f32 v31, v7;
	v60 =	vld [tilespmem:s19+$0x10920];
	v41 =	vmul.f32 v53, v8;
	v32 =	vadd.f32 v42, v32;
	[tilespmem:s19+$0x4D70] =	vst v38  }
0x10e: {  	v24 =	vmul.f32 v24, v7;
	v57 =	vld [tilespmem:s19+$0x10950];
	v34 =	vmul.f32 v61, v8;
	v29 =	vadd.f32 v39, v29;
	[tilespmem:s19+$0x4D20] =	vst v33  }
0x10f: {  	v27 =	vmul.f32 v27, v7;
	v62 =	vld [tilespmem:s19+$0x10900];
	v37 =	vmul.f32 v58, v8;
	v31 =	vadd.f32 v41, v31;
	[tilespmem:s19+$0x4D10] =	vst v32  }
0x110: {  	v26 =	vmul.f32 v26, v7;
	v63 =	vld [tilespmem:s19+$0x10570];
	v36 =	vmul.f32 v59, v8;
	v24 =	vadd.f32 v34, v24;
	[tilespmem:s19+$0x4960] =	vst v29  }
0x111: {  	v30 =	vmul.f32 v30, v7;
	v40 =	vmul.f32 v55, v8;
	v27 =	vadd.f32 v37, v27;
	v29 =	vld [tilespmem:s19+$0x10540];
	[tilespmem:s19+$0x4D00] =	vst v31  }
0x112: {  	v25 =	vmul.f32 v25, v7;
	v35 =	vmul.f32 v60, v8;
	v26 =	vadd.f32 v36, v26;
	v31 =	vld [tilespmem:s19+$0x10560];
	[tilespmem:s19+$0x4910] =	vst v24  }
0x113: {  	v28 =	vmul.f32 v28, v7;
	v38 =	vmul.f32 v57, v8;
	v30 =	vadd.f32 v40, v30;
	v24 =	vld [tilespmem:s19+$0x10170];
	[tilespmem:s19+$0x4940] =	vst v27  }
0x114: {  	v23 =	vmul.f32 v23, v7;
	v33 =	vmul.f32 v62, v8;
	v25 =	vadd.f32 v35, v25;
	v27 =	vld [tilespmem:s19+$0x10520];
	[tilespmem:s19+$0x4930] =	vst v26  }
0x115: {  	v22 =	vmul.f32 v22, v7;
	v32 =	vmul.f32 v63, v8;
	v28 =	vadd.f32 v38, v28;
	[tilespmem:s19+$0x4970] =	vst v30;
	v30 =	vld [tilespmem:s19+$0x10550]  }
0x116: {  	v19 =	vmul.f32 v19, v7;
	v23 =	vadd.f32 v33, v23;
	[tilespmem:s19+$0x4920] =	vst v25;
	v25 =	vld [tilespmem:s19+$0x10500];
	v29 =	vmul.f32 v29, v8  }
0x117: {  	v21 =	vmul.f32 v21, v7;
	v22 =	vadd.f32 v32, v22;
	[tilespmem:s19+$0x4950] =	vst v28;
	v28 =	vld [tilespmem:s19+$0x10530];
	v31 =	vmul.f32 v31, v8  }
0x118: {  	v14 =	vmul.f32 v14, v7;
	[tilespmem:s19+$0x4900] =	vst v23;
	v23 =	vld [tilespmem:s19+$0x10160];
	v24 =	vmul.f32 v24, v8;
	v19 =	vadd.f32 v29, v19  }
0x119: {  	v17 =	vmul.f32 v17, v7;
	v26 =	vld [tilespmem:s19+$0x10510];
	[tilespmem:s19+$0x4570] =	vst v22;
	v27 =	vmul.f32 v27, v8;
	v21 =	vadd.f32 v31, v21  }
0x11a: {  	v20 =	vmul.f32 v20, v7;
	v22 =	vld [tilespmem:s19+$0x4150];
	v30 =	vmul.f32 v30, v8;
	v14 =	vadd.f32 v24, v14;
	[tilespmem:s19+$0x4540] =	vst v19  }
0x11b: {  	v15 =	vmul.f32 v15, v7;
	v25 =	vmul.f32 v25, v8;
	v17 =	vadd.f32 v27, v17;
	v19 =	vld [tilespmem:s19+$0x11550];
	[tilespmem:s19+$0x4560] =	vst v21  }
0x11c: {  	v18 =	vmul.f32 v18, v7;
	v28 =	vmul.f32 v28, v8;
	v20 =	vadd.f32 v30, v20;
	v21 =	vld [tilespmem:s19+$0x10150];
	[tilespmem:s19+$0x4170] =	vst v14  }
0x11d: {  	v13 =	vmul.f32 v13, v7;
	v23 =	vmul.f32 v23, v8;
	v15 =	vadd.f32 v25, v15;
	[tilespmem:s19+$0x4520] =	vst v17;
	v17 =	vld [tilespmem:s19+$0x5540]  }
0x11e: {  	v16 =	vmul.f32 v16, v7;
	v26 =	vmul.f32 v26, v8;
	v18 =	vadd.f32 v28, v18;
	[tilespmem:s19+$0x4550] =	vst v20;
	v20 =	vld [tilespmem:s19+$0x11540]  }
0x11f: {  	v10 =	vmul.f32 v10, v7;
	v9 =	vmul.f32 v9, v8;
	v13 =	vadd.f32 v23, v13;
	[tilespmem:s19+$0x4500] =	vst v15;
	v15 =	vld [tilespmem:s19+$0x5550]  }
0x120: {  	v4 =	vmul.f32 v4, v7;
	v3 =	vmul.f32 v3, v8;
	v16 =	vadd.f32 v26, v16;
	[tilespmem:s19+$0x4530] =	vst v18;
	v18 =	vld [tilespmem:s19+$0x11560]  }
0x121: {  	v9 =	vadd.f32 v9, v10;
	v10 =	vmul.f32 v22, v7;
	v14 =	vld [tilespmem:s19+$0x5570];
	[tilespmem:s19+$0x4160] =	vst v13;
	v13 =	vmul.f32 v21, v8  }
0x122: {  	v3 =	vadd.f32 v3, v4;
	[tilespmem:s19+$0x4510] =	vst v16;
	v16 =	vld [tilespmem:s19+$0x11570]  }
0x123: {  	s21 =	simm.s32 $0x0;
	[tilespmem:s19+$0x4130] =	vst v9;
	v9 =	vld [tilespmem:s19+$0x10100];
	v11 =	vmul.f32 v17, v7;
	v17 =	vmul.f32 v20, v8;
	v4 =	vadd.f32 v13, v10  }
0x124: {  	s17 =	smul.u32 $0x1800, s21;
	s18 =	simm.s32 $0x80;
	[tilespmem:s19+$0x4120] =	vst v5;
	v5 =	vmul.f32 v15, v7;
	v10 =	vmul.f32 v19, v8  }
0x125: {  	s20 =	sand.u32 $0x380, s18;
	v11 =	vadd.f32 v17, v11;
	[tilespmem:s19+$0x4150] =	vst v4;
	v4 =	vmul.f32 v12, v7;
	v12 =	vmul.f32 v18, v8  }
0x126: {  	s17 =	sor.u32 s20, s17;
	[tilespmem:s19+$0x4110] =	vst v3;
	v5 =	vadd.f32 v10, v5  }
0x127: {  	v3 =	vld [tilespmem:s17+$0x4110];
	v10 =	vmul.f32 v14, v7;
	[tilespmem:s19+$0x5540] =	vst v11;
	v11 =	vmul.f32 v16, v8;
	v12 =	vadd.f32 v12, v4  }
0x128: {  	v7 =	vmul.f32 v6, v7;
	v8 =	vmul.f32 v9, v8;
	v4 =	vld [tilespmem:s17+$0x10110];
	[tilespmem:s19+$0x5550] =	vst v5  }
0x129: {  	v9 =	vadd.f32 v11, v10;
	v6 =	vld [tilespmem:s17+$0x4120];
	[tilespmem:s19+$0x5560] =	vst v12  }
0x12a: {  	v7 =	vadd.f32 v8, v7;
	v5 =	vld [tilespmem:s17+$0x10120]  }
0x12b: {  	v8 =	vld [tilespmem:s17+$0x4130];
	[tilespmem:s19+$0x5570] =	vst v9  }
0x12c: {  	v18 =	vld [tilespmem:s17+$0x4530];
	[tilespmem:s19+$0x4100] =	vst v7  }
0x12d: {  	v7 =	vld [tilespmem:s17+$0x10130]  }
0x12e: {  	v10 =	vld [tilespmem:s17+$0x4140]  }
0x12f: {  	v9 =	vld [tilespmem:s17+$0x10140]  }
0x130: {  	v12 =	vld [tilespmem:s17+$0x4150]  }
0x131: {  	v11 =	vld [tilespmem:s17+$0x10150]  }
0x132: {  	v13 =	vld [tilespmem:s17+$0x4160]  }
0x133: {  	v14 =	vld [tilespmem:s17+$0x4170]  }
0x134: {  	v15 =	vld [tilespmem:s17+$0x4500]  }
0x135: {  	v16 =	vld [tilespmem:s17+$0x4510]  }
0x136: {  	v17 =	vld [tilespmem:s17+$0x4520]  }
0x137: {  	v19 =	vld [tilespmem:s17+$0x4540]  }
0x138: {  	v20 =	vld [tilespmem:s17+$0x4550]  }
0x139: {  	v21 =	vld [tilespmem:s17+$0x4560]  }
0x13a: {  	v22 =	vld [tilespmem:s17+$0x4570]  }
0x13b: {  	v23 =	vld [tilespmem:s17+$0x4900]  }
0x13c: {  	v24 =	vld [tilespmem:s17+$0x4910]  }
0x13d: {  	v25 =	vld [tilespmem:s17+$0x4920]  }
0x13e: {  	v26 =	vld [tilespmem:s17+$0x4930]  }
0x13f: {  	v27 =	vld [tilespmem:s17+$0x4940]  }
0x140: {  	v28 =	vld [tilespmem:s17+$0x4950]  }
0x141: {  	v29 =	vld [tilespmem:s17+$0x4960]  }
0x142: {  	v30 =	vld [tilespmem:s17+$0x4970]  }
0x143: {  	v31 =	vld [tilespmem:s17+$0x4D00]  }
0x144: {  	v34 =	vld [tilespmem:s17+$0x4D10]  }
0x145: {  	v35 =	vld [tilespmem:s17+$0x4D20]  }
0x146: {  	v36 =	vld [tilespmem:s17+$0x4D30]  }
0x147: {  	v37 =	vld [tilespmem:s17+$0x4D40]  }
0x148: {  	v38 =	vld [tilespmem:s17+$0x4D50]  }
0x149: {  	v39 =	vld [tilespmem:s17+$0x4D60]  }
0x14a: {  	v40 =	vld [tilespmem:s17+$0x4D70]  }
0x14b: {  	v41 =	vld [tilespmem:s17+$0x5100]  }
0x14c: {  	v42 =	vld [tilespmem:s17+$0x5110]  }
0x14d: {  	v43 =	vld [tilespmem:s17+$0x5120]  }
0x14e: {  	v44 =	vld [tilespmem:s17+$0x5130]  }
0x14f: {  	v45 =	vld [tilespmem:s17+$0x5140]  }
0x150: {  	v46 =	vld [tilespmem:s17+$0x5150]  }
0x151: {  	v47 =	vld [tilespmem:s17+$0x5160]  }
0x152: {  	v48 =	vld [tilespmem:s17+$0x5500]  }
0x153: {  	v50 =	vld [tilespmem:s17+$0x5510]  }
0x154: {  	v49 =	vld [tilespmem:s17+$0x11510]  }
0x155: {  	s19 =	simm.s32 $0x2;
	v51 =	vld [tilespmem:s17+$0x11530]  }
.LBB2_2:
0x156: {  	p0 =	sne.s32 s19, $0x3F;
	v52 =	vld [tilespmem:s17+$0x5530]  }
0x157: {  	s12 =	sadd.s32 $0x80, s12;
	v53 =	vld [tilespmem:s17+$0x5520]  }
0x158: {  	s16 =	sadd.s32 $0x80, s16;
	v33 =	vld [tilespmem:s12+$0x0]  }
0x159: {  	v32 =	vld [tilespmem:s16+$0x0]  }
0x15a: {  	v54 =	vld [tilespmem:s17+$0x11520]  }
0x15b: {  	v55 =	vld [tilespmem:s17+$0x11500]  }
0x15c: {  	v56 =	vld [tilespmem:s17+$0x5170]  }
0x15d: {  	v57 =	vld [tilespmem:s17+$0x11170];
	v50 =	vmul.f32 v50, v33;
	v53 =	vmul.f32 v53, v33  }
0x15e: {  	v52 =	vmul.f32 v52, v33;
	v58 =	vld [tilespmem:s17+$0x11160];
	v51 =	vmul.f32 v51, v32  }
0x15f: {  	v49 =	vmul.f32 v49, v32;
	v59 =	vld [tilespmem:s17+$0x11150];
	v54 =	vmul.f32 v54, v32  }
0x160: {  	v48 =	vmul.f32 v48, v33;
	v60 =	vld [tilespmem:s17+$0x11140];
	v55 =	vmul.f32 v55, v32;
	v51 =	vadd.f32 v51, v52  }
0x161: {  	v49 =	vadd.f32 v49, v50;
	v52 =	vld [tilespmem:s17+$0x11130];
	v56 =	vmul.f32 v56, v33;
	v50 =	vadd.f32 v54, v53  }
0x162: {  	v47 =	vmul.f32 v47, v33;
	v53 =	vld [tilespmem:s17+$0x11120];
	v54 =	vmul.f32 v57, v32;
	v48 =	vadd.f32 v55, v48;
	[tilespmem:s17+$0x5530] =	vst v51  }
0x163: {  	v46 =	vmul.f32 v46, v33;
	v51 =	vld [tilespmem:s17+$0x11110];
	v55 =	vmul.f32 v58, v32;
	[tilespmem:s17+$0x5520] =	vst v50  }
0x164: {  	v45 =	vmul.f32 v45, v33;
	v50 =	vld [tilespmem:s17+$0x11100];
	v57 =	vmul.f32 v59, v32;
	v54 =	vadd.f32 v54, v56;
	[tilespmem:s17+$0x5510] =	vst v49  }
0x165: {  	v44 =	vmul.f32 v44, v33;
	v49 =	vld [tilespmem:s17+$0x10D70];
	v56 =	vmul.f32 v60, v32;
	v47 =	vadd.f32 v55, v47;
	[tilespmem:s17+$0x5500] =	vst v48  }
0x166: {  	v43 =	vmul.f32 v43, v33;
	v48 =	vld [tilespmem:s17+$0x10D60];
	v52 =	vmul.f32 v52, v32;
	v46 =	vadd.f32 v57, v46;
	[tilespmem:s17+$0x5170] =	vst v54  }
0x167: {  	v42 =	vmul.f32 v42, v33;
	v54 =	vld [tilespmem:s17+$0x10D50];
	v53 =	vmul.f32 v53, v32;
	v45 =	vadd.f32 v56, v45;
	[tilespmem:s17+$0x5160] =	vst v47  }
0x168: {  	v41 =	vmul.f32 v41, v33;
	v47 =	vld [tilespmem:s17+$0x10D40];
	v51 =	vmul.f32 v51, v32;
	v44 =	vadd.f32 v52, v44;
	[tilespmem:s17+$0x5150] =	vst v46  }
0x169: {  	v40 =	vmul.f32 v40, v33;
	v46 =	vld [tilespmem:s17+$0x10D30];
	v50 =	vmul.f32 v50, v32;
	v43 =	vadd.f32 v53, v43;
	[tilespmem:s17+$0x5140] =	vst v45  }
0x16a: {  	v39 =	vmul.f32 v39, v33;
	v45 =	vld [tilespmem:s17+$0x10D20];
	v49 =	vmul.f32 v49, v32;
	v42 =	vadd.f32 v51, v42;
	[tilespmem:s17+$0x5130] =	vst v44  }
0x16b: {  	v38 =	vmul.f32 v38, v33;
	v44 =	vld [tilespmem:s17+$0x10D10];
	v48 =	vmul.f32 v48, v32;
	v41 =	vadd.f32 v50, v41;
	[tilespmem:s17+$0x5120] =	vst v43  }
0x16c: {  	v37 =	vmul.f32 v37, v33;
	v43 =	vld [tilespmem:s17+$0x10D00];
	v50 =	vmul.f32 v54, v32;
	v40 =	vadd.f32 v49, v40;
	[tilespmem:s17+$0x5110] =	vst v42  }
0x16d: {  	v36 =	vmul.f32 v36, v33;
	v42 =	vld [tilespmem:s17+$0x10970];
	v47 =	vmul.f32 v47, v32;
	v39 =	vadd.f32 v48, v39;
	[tilespmem:s17+$0x5100] =	vst v41  }
0x16e: {  	v35 =	vmul.f32 v35, v33;
	v41 =	vld [tilespmem:s17+$0x10960];
	v46 =	vmul.f32 v46, v32;
	v38 =	vadd.f32 v50, v38;
	[tilespmem:s17+$0x4D70] =	vst v40  }
0x16f: {  	v34 =	vmul.f32 v34, v33;
	v40 =	vld [tilespmem:s17+$0x10950];
	v45 =	vmul.f32 v45, v32;
	v37 =	vadd.f32 v47, v37;
	[tilespmem:s17+$0x4D60] =	vst v39  }
0x170: {  	v31 =	vmul.f32 v31, v33;
	v39 =	vld [tilespmem:s17+$0x10940];
	v44 =	vmul.f32 v44, v32;
	v36 =	vadd.f32 v46, v36;
	[tilespmem:s17+$0x4D50] =	vst v38  }
0x171: {  	v30 =	vmul.f32 v30, v33;
	v38 =	vld [tilespmem:s17+$0x10930];
	v43 =	vmul.f32 v43, v32;
	v35 =	vadd.f32 v45, v35;
	[tilespmem:s17+$0x4D40] =	vst v37  }
0x172: {  	v29 =	vmul.f32 v29, v33;
	v37 =	vld [tilespmem:s17+$0x10920];
	v42 =	vmul.f32 v42, v32;
	v34 =	vadd.f32 v44, v34;
	[tilespmem:s17+$0x4D30] =	vst v36  }
0x173: {  	v28 =	vmul.f32 v28, v33;
	v36 =	vld [tilespmem:s17+$0x10910];
	v41 =	vmul.f32 v41, v32;
	v31 =	vadd.f32 v43, v31;
	[tilespmem:s17+$0x4D20] =	vst v35  }
0x174: {  	v27 =	vmul.f32 v27, v33;
	v35 =	vld [tilespmem:s17+$0x10900];
	v40 =	vmul.f32 v40, v32;
	v30 =	vadd.f32 v42, v30;
	[tilespmem:s17+$0x4D10] =	vst v34  }
0x175: {  	v26 =	vmul.f32 v26, v33;
	v34 =	vld [tilespmem:s17+$0x10570];
	v39 =	vmul.f32 v39, v32;
	v29 =	vadd.f32 v41, v29;
	[tilespmem:s17+$0x4D00] =	vst v31  }
0x176: {  	v25 =	vmul.f32 v25, v33;
	v31 =	vld [tilespmem:s17+$0x10560];
	v38 =	vmul.f32 v38, v32;
	v28 =	vadd.f32 v40, v28;
	[tilespmem:s17+$0x4970] =	vst v30  }
0x177: {  	v24 =	vmul.f32 v24, v33;
	v30 =	vld [tilespmem:s17+$0x10550];
	v37 =	vmul.f32 v37, v32;
	v27 =	vadd.f32 v39, v27;
	[tilespmem:s17+$0x4960] =	vst v29  }
0x178: {  	v23 =	vmul.f32 v23, v33;
	v29 =	vld [tilespmem:s17+$0x10540];
	v36 =	vmul.f32 v36, v32;
	v26 =	vadd.f32 v38, v26;
	[tilespmem:s17+$0x4950] =	vst v28  }
0x179: {  	v22 =	vmul.f32 v22, v33;
	v28 =	vld [tilespmem:s17+$0x10530];
	v35 =	vmul.f32 v35, v32;
	v25 =	vadd.f32 v37, v25;
	[tilespmem:s17+$0x4940] =	vst v27  }
0x17a: {  	v21 =	vmul.f32 v21, v33;
	v27 =	vld [tilespmem:s17+$0x10520];
	v34 =	vmul.f32 v34, v32;
	v24 =	vadd.f32 v36, v24;
	[tilespmem:s17+$0x4930] =	vst v26  }
0x17b: {  	v20 =	vmul.f32 v20, v33;
	v26 =	vld [tilespmem:s17+$0x10510];
	v31 =	vmul.f32 v31, v32;
	v23 =	vadd.f32 v35, v23;
	[tilespmem:s17+$0x4920] =	vst v25  }
0x17c: {  	v19 =	vmul.f32 v19, v33;
	v25 =	vld [tilespmem:s17+$0x10500];
	v30 =	vmul.f32 v30, v32;
	v22 =	vadd.f32 v34, v22;
	[tilespmem:s17+$0x4910] =	vst v24  }
0x17d: {  	v18 =	vmul.f32 v18, v33;
	v24 =	vld [tilespmem:s17+$0x10170];
	v29 =	vmul.f32 v29, v32;
	v21 =	vadd.f32 v31, v21;
	[tilespmem:s17+$0x4900] =	vst v23  }
0x17e: {  	v17 =	vmul.f32 v17, v33;
	v23 =	vld [tilespmem:s17+$0x10160];
	v28 =	vmul.f32 v28, v32;
	v20 =	vadd.f32 v30, v20;
	[tilespmem:s17+$0x4570] =	vst v22  }
0x17f: {  	v16 =	vmul.f32 v16, v33;
	v22 =	vmul.f32 v27, v32;
	v19 =	vadd.f32 v29, v19;
	[tilespmem:s17+$0x4560] =	vst v21;
	v21 =	vld [tilespmem:s17+$0x11540]  }
0x180: {  	v15 =	vmul.f32 v15, v33;
	v26 =	vmul.f32 v26, v32;
	v18 =	vadd.f32 v28, v18;
	[tilespmem:s17+$0x4550] =	vst v20;
	v20 =	vld [tilespmem:s17+$0x11550]  }
0x181: {  	v14 =	vmul.f32 v14, v33;
	v25 =	vmul.f32 v25, v32;
	v17 =	vadd.f32 v22, v17;
	[tilespmem:s17+$0x4540] =	vst v19;
	v19 =	vld [tilespmem:s17+$0x11560]  }
0x182: {  	v13 =	vmul.f32 v13, v33;
	v22 =	vmul.f32 v24, v32;
	v16 =	vadd.f32 v26, v16;
	[tilespmem:s17+$0x4530] =	vst v18;
	v18 =	vld [tilespmem:s17+$0x11570]  }
0x183: {  	v12 =	vmul.f32 v12, v33;
	v23 =	vmul.f32 v23, v32;
	v15 =	vadd.f32 v25, v15;
	[tilespmem:s17+$0x4520] =	vst v17;
	v17 =	vld [tilespmem:s17+$0x5540]  }
0x184: {  	v10 =	vmul.f32 v10, v33;
	v11 =	vmul.f32 v11, v32;
	v14 =	vadd.f32 v22, v14;
	[tilespmem:s17+$0x4510] =	vst v16;
	v16 =	vld [tilespmem:s17+$0x5550]  }
0x185: {  	v8 =	vmul.f32 v8, v33;
	v9 =	vmul.f32 v9, v32;
	v13 =	vadd.f32 v23, v13;
	[tilespmem:s17+$0x4500] =	vst v15;
	v15 =	vld [tilespmem:s17+$0x5560]  }
0x186: {  	v6 =	vmul.f32 v6, v33;
	v7 =	vmul.f32 v7, v32;
	v11 =	vadd.f32 v11, v12;
	[tilespmem:s17+$0x4170] =	vst v14;
	v12 =	vld [tilespmem:s17+$0x5570]  }
0x187: {  	v3 =	vmul.f32 v3, v33;
	v5 =	vmul.f32 v5, v32;
	v9 =	vadd.f32 v9, v10;
	v14 =	vld [tilespmem:s17+$0x4100];
	[tilespmem:s17+$0x4160] =	vst v13  }
0x188: {  	v4 =	vmul.f32 v4, v32;
	v7 =	vadd.f32 v7, v8;
	v10 =	vld [tilespmem:s17+$0x10100];
	[tilespmem:s17+$0x4150] =	vst v11;
	v8 =	vmul.f32 v17, v33  }
0x189: {  	s20 =	sshrl.u32 s19, $0x3;
	v5 =	vadd.f32 v5, v6;
	v6 =	vmul.f32 v21, v32;
	[tilespmem:s17+$0x4140] =	vst v9;
	v9 =	vmul.f32 v16, v33  }
0x18a: {  	s18 =	sadd.s32 $0x80, s18;
	s20 =	smul.u32 $0x1800, s20;
	v3 =	vadd.f32 v4, v3;
	v4 =	vmul.f32 v20, v32;
	[tilespmem:s17+$0x4130] =	vst v7;
	v7 =	vmul.f32 v15, v33  }
0x18b: {  	s21 =	sand.u32 $0x380, s18;
	[tilespmem:s17+$0x4120] =	vst v5;
	v5 =	vadd.f32 v6, v8;
	v6 =	vmul.f32 v19, v32;
	v8 =	vmul.f32 v12, v33  }
0x18c: {  	s20 =	sor.u32 s21, s20;
	v9 =	vadd.f32 v4, v9;
	v12 =	vmul.f32 v18, v32;
	v11 =	vmul.f32 v14, v33;
	[tilespmem:s17+$0x4110] =	vst v3  }
0x18d: {  	v3 =	vld [tilespmem:s20+$0x4110];
	v10 =	vmul.f32 v10, v32;
	[tilespmem:s17+$0x5540] =	vst v5;
	v5 =	vadd.f32 v6, v7  }
0x18e: {  	v7 =	vadd.f32 v12, v8;
	v4 =	vld [tilespmem:s20+$0x10110];
	[tilespmem:s17+$0x5550] =	vst v9  }
0x18f: {  	v6 =	vld [tilespmem:s20+$0x4120];
	v9 =	vadd.f32 v10, v11;
	[tilespmem:s17+$0x5560] =	vst v5  }
0x190: {  	v5 =	vld [tilespmem:s20+$0x10120];
	[tilespmem:s17+$0x5570] =	vst v7  }
0x191: {  	v8 =	vld [tilespmem:s20+$0x4130];
	[tilespmem:s17+$0x4100] =	vst v9;
	s17 =	smov.u32 s20  }
0x192: {  	v7 =	vld [tilespmem:s17+$0x10130]  }
0x193: {  	v10 =	vld [tilespmem:s17+$0x4140]  }
0x194: {  	v9 =	vld [tilespmem:s17+$0x10140]  }
0x195: {  	v12 =	vld [tilespmem:s17+$0x4150]  }
0x196: {  	v11 =	vld [tilespmem:s17+$0x10150]  }
0x197: {  	v13 =	vld [tilespmem:s17+$0x4160]  }
0x198: {  	v14 =	vld [tilespmem:s17+$0x4170]  }
0x199: {  	v15 =	vld [tilespmem:s17+$0x4500]  }
0x19a: {  	v16 =	vld [tilespmem:s17+$0x4510]  }
0x19b: {  	v17 =	vld [tilespmem:s17+$0x4520]  }
0x19c: {  	v18 =	vld [tilespmem:s17+$0x4530]  }
0x19d: {  	v19 =	vld [tilespmem:s17+$0x4540]  }
0x19e: {  	v20 =	vld [tilespmem:s17+$0x4550]  }
0x19f: {  	v21 =	vld [tilespmem:s17+$0x4560]  }
0x1a0: {  	v22 =	vld [tilespmem:s17+$0x4570]  }
0x1a1: {  	v23 =	vld [tilespmem:s17+$0x4900]  }
0x1a2: {  	v24 =	vld [tilespmem:s17+$0x4910]  }
0x1a3: {  	v25 =	vld [tilespmem:s17+$0x4920]  }
0x1a4: {  	v26 =	vld [tilespmem:s17+$0x4930]  }
0x1a5: {  	v27 =	vld [tilespmem:s17+$0x4940]  }
0x1a6: {  	v28 =	vld [tilespmem:s17+$0x4950]  }
0x1a7: {  	v29 =	vld [tilespmem:s17+$0x4960]  }
0x1a8: {  	v30 =	vld [tilespmem:s17+$0x4970]  }
0x1a9: {  	v31 =	vld [tilespmem:s17+$0x4D00]  }
0x1aa: {  	v34 =	vld [tilespmem:s17+$0x4D10]  }
0x1ab: {  	v35 =	vld [tilespmem:s17+$0x4D20]  }
0x1ac: {  	v36 =	vld [tilespmem:s17+$0x4D30]  }
0x1ad: {  	v37 =	vld [tilespmem:s17+$0x4D40]  }
0x1ae: {  	v38 =	vld [tilespmem:s17+$0x4D50]  }
0x1af: {  	v39 =	vld [tilespmem:s17+$0x4D60]  }
0x1b0: {  	v40 =	vld [tilespmem:s17+$0x4D70]  }
0x1b1: {  	v41 =	vld [tilespmem:s17+$0x5100]  }
0x1b2: {  	v42 =	vld [tilespmem:s17+$0x5110]  }
0x1b3: {  	v43 =	vld [tilespmem:s17+$0x5120]  }
0x1b4: {  	v44 =	vld [tilespmem:s17+$0x5130]  }
0x1b5: {  	v45 =	vld [tilespmem:s17+$0x5140]  }
0x1b6: {  	v46 =	vld [tilespmem:s17+$0x5150]  }
.Ltmp0:
0x1b7: {  	v47 =	vld [tilespmem:s17+$0x5160];
	(pc) =	sbr.rel @p0 .LBB2_2-.Ltmp0, $4  }
0x1b8: {  	v48 =	vld [tilespmem:s17+$0x5500]  }
0x1b9: {  	v50 =	vld [tilespmem:s17+$0x5510]  }
0x1ba: {  	v49 =	vld [tilespmem:s17+$0x11510]  }
0x1bb: {  	s19 =	sadd.s32 $0x1, s19;
	v51 =	vld [tilespmem:s17+$0x11530]  }
0x1bc: {  	v52 =	vld [tilespmem:s17+$0x5530]  }
0x1bd: {  	v53 =	vld [tilespmem:s17+$0x5520];
	s12 =	sadd.s32 $0x80, s12  }
0x1be: {  	s21 =	sadd.s32 $0x80, s16;
	v32 =	vld [tilespmem:s12+$0x0]  }
0x1bf: {  	v33 =	vld [tilespmem:s21+$0x0]  }
0x1c0: {  	v54 =	vld [tilespmem:s17+$0x11520];
	_ =	sdelay $0x1  }
0x1c1: {  	v55 =	vld [tilespmem:s17+$0x11500]  }
0x1c2: {  	v56 =	vld [tilespmem:s17+$0x5170]  }
0x1c3: {  	v58 =	vld [tilespmem:s17+$0x11160];
	v52 =	vmul.f32 v52, v32;
	v51 =	vmul.f32 v51, v33  }
0x1c4: {  	v57 =	vld [tilespmem:s17+$0x11170];
	v53 =	vmul.f32 v53, v32;
	v54 =	vmul.f32 v54, v33  }
0x1c5: {  	v59 =	vld [tilespmem:s17+$0x11150];
	v50 =	vmul.f32 v50, v32;
	v49 =	vmul.f32 v49, v33  }
0x1c6: {  	v60 =	vld [tilespmem:s17+$0x11140];
	v48 =	vmul.f32 v48, v32;
	v62 =	vmul.f32 v55, v33;
	v51 =	vadd.f32 v51, v52  }
0x1c7: {  	v61 =	vld [tilespmem:s17+$0x11120];
	v63 =	vmul.f32 v56, v32;
	v47 =	vmul.f32 v47, v32;
	v53 =	vadd.f32 v54, v53  }
0x1c8: {  	v58 =	vmul.f32 v58, v33;
	v55 =	vld [tilespmem:s17+$0x10560];
	v12 =	vmul.f32 v12, v32;
	v49 =	vadd.f32 v49, v50;
	[tilespmem:s17+$0x5530] =	vst v51  }
0x1c9: {  	v56 =	vld [tilespmem:s17+$0x10550];
	v11 =	vmul.f32 v11, v33;
	v10 =	vmul.f32 v10, v32;
	v48 =	vadd.f32 v62, v48;
	[tilespmem:s17+$0x5520] =	vst v53  }
0x1ca: {  	v9 =	vmul.f32 v9, v33;
	v8 =	vmul.f32 v8, v32;
	v52 =	vld [tilespmem:s17+$0x11130];
	v47 =	vadd.f32 v58, v47;
	[tilespmem:s17+$0x5510] =	vst v49  }
0x1cb: {  	v7 =	vmul.f32 v7, v33;
	v6 =	vmul.f32 v6, v32;
	v50 =	vld [tilespmem:s17+$0x11100];
	v11 =	vadd.f32 v11, v12;
	[tilespmem:s17+$0x5500] =	vst v48  }
0x1cc: {  	v5 =	vmul.f32 v5, v33;
	v3 =	vmul.f32 v3, v32;
	v58 =	vld [tilespmem:s17+$0x10D20];
	v9 =	vadd.f32 v9, v10;
	[tilespmem:s17+$0x5160] =	vst v47  }
0x1cd: {  	v4 =	vmul.f32 v4, v33;
	v62 =	vmul.f32 v59, v33;
	v59 =	vld [tilespmem:s17+$0x10D10];
	v7 =	vadd.f32 v7, v8;
	[tilespmem:s17+$0x4150] =	vst v11  }
0x1ce: {  	v57 =	vmul.f32 v57, v33;
	v54 =	vld [tilespmem:s17+$0x10570];
	v5 =	vadd.f32 v5, v6;
	[tilespmem:s17+$0x4140] =	vst v9  }
0x1cf: {  	v46 =	vmul.f32 v46, v32;
	v3 =	vadd.f32 v4, v3;
	v51 =	vld [tilespmem:s17+$0x11110];
	[tilespmem:s17+$0x4130] =	vst v7  }
0x1d0: {  	v45 =	vmul.f32 v45, v32;
	v49 =	vld [tilespmem:s17+$0x10D70];
	v53 =	vadd.f32 v57, v63;
	v63 =	vmul.f32 v60, v33;
	[tilespmem:s17+$0x4120] =	vst v5  }
0x1d1: {  	v43 =	vmul.f32 v43, v32;
	v48 =	vld [tilespmem:s17+$0x10D60];
	v46 =	vadd.f32 v62, v46;
	v57 =	vmul.f32 v61, v33;
	[tilespmem:s17+$0x4110] =	vst v3  }
0x1d2: {  	v44 =	vmul.f32 v44, v32;
	v47 =	vld [tilespmem:s17+$0x10D40];
	[tilespmem:s17+$0x5170] =	vst v53;
	v45 =	vadd.f32 v63, v45;
	v52 =	vmul.f32 v52, v33  }
0x1d3: {  	v41 =	vmul.f32 v41, v32;
	v60 =	vld [tilespmem:s17+$0x10D00];
	[tilespmem:s17+$0x5150] =	vst v46;
	v43 =	vadd.f32 v57, v43;
	v50 =	vmul.f32 v50, v33  }
0x1d4: {  	v35 =	vmul.f32 v35, v32;
	v61 =	vld [tilespmem:s17+$0x10970];
	[tilespmem:s17+$0x5140] =	vst v45;
	v45 =	vmul.f32 v58, v33;
	v44 =	vadd.f32 v52, v44  }
0x1d5: {  	v42 =	vmul.f32 v42, v32;
	v53 =	vld [tilespmem:s17+$0x10D50];
	[tilespmem:s17+$0x5120] =	vst v43;
	v51 =	vmul.f32 v51, v33;
	v41 =	vadd.f32 v50, v41  }
0x1d6: {  	v40 =	vmul.f32 v40, v32;
	v46 =	vld [tilespmem:s17+$0x10D30];
	v49 =	vmul.f32 v49, v33;
	v35 =	vadd.f32 v45, v35;
	[tilespmem:s17+$0x5130] =	vst v44  }
0x1d7: {  	v39 =	vmul.f32 v39, v32;
	v62 =	vld [tilespmem:s17+$0x10960];
	v48 =	vmul.f32 v48, v33;
	v42 =	vadd.f32 v51, v42;
	[tilespmem:s17+$0x5100] =	vst v41  }
0x1d8: {  	v37 =	vmul.f32 v37, v32;
	v57 =	vld [tilespmem:s17+$0x10540];
	v47 =	vmul.f32 v47, v33;
	v40 =	vadd.f32 v49, v40;
	[tilespmem:s17+$0x4D20] =	vst v35  }
0x1d9: {  	v31 =	vmul.f32 v31, v32;
	v58 =	vld [tilespmem:s17+$0x10530];
	v43 =	vmul.f32 v60, v33;
	v39 =	vadd.f32 v48, v39;
	[tilespmem:s17+$0x5110] =	vst v42  }
0x1da: {  	v38 =	vmul.f32 v38, v32;
	v50 =	vld [tilespmem:s17+$0x10930];
	v63 =	vmul.f32 v53, v33;
	v37 =	vadd.f32 v47, v37;
	[tilespmem:s17+$0x4D70] =	vst v40  }
0x1db: {  	v36 =	vmul.f32 v36, v32;
	v60 =	vld [tilespmem:s17+$0x10510];
	v46 =	vmul.f32 v46, v33;
	v31 =	vadd.f32 v43, v31;
	[tilespmem:s17+$0x4D60] =	vst v39  }
0x1dc: {  	v34 =	vmul.f32 v34, v32;
	v52 =	vld [tilespmem:s17+$0x10910];
	v44 =	vmul.f32 v59, v33;
	v38 =	vadd.f32 v63, v38;
	[tilespmem:s17+$0x4D40] =	vst v37  }
0x1dd: {  	v29 =	vmul.f32 v29, v32;
	v45 =	vld [tilespmem:s17+$0x5540];
	v41 =	vmul.f32 v62, v33;
	v36 =	vadd.f32 v46, v36;
	[tilespmem:s17+$0x4D00] =	vst v31  }
0x1de: {  	v21 =	vmul.f32 v21, v32;
	v48 =	vld [tilespmem:s17+$0x10950];
	v62 =	vmul.f32 v55, v33;
	v34 =	vadd.f32 v44, v34;
	[tilespmem:s17+$0x4D50] =	vst v38  }
0x1df: {  	v30 =	vmul.f32 v30, v32;
	v49 =	vld [tilespmem:s17+$0x10940];
	v42 =	vmul.f32 v61, v33;
	v29 =	vadd.f32 v41, v29;
	[tilespmem:s17+$0x4D30] =	vst v36  }
0x1e0: {  	v16 =	vmul.f32 v16, v32;
	v51 =	vld [tilespmem:s17+$0x10920];
	v21 =	vadd.f32 v62, v21;
	v41 =	vmul.f32 v60, v33;
	[tilespmem:s17+$0x4D10] =	vst v34  }
0x1e1: {  	v26 =	vmul.f32 v26, v32;
	v53 =	vld [tilespmem:s17+$0x10900];
	v30 =	vadd.f32 v42, v30;
	[tilespmem:s17+$0x4960] =	vst v29;
	v38 =	vmul.f32 v50, v33  }
0x1e2: {  	v24 =	vmul.f32 v24, v32;
	v59 =	vld [tilespmem:s17+$0x10520];
	v36 =	vmul.f32 v52, v33;
	[tilespmem:s17+$0x4560] =	vst v21;
	v16 =	vadd.f32 v41, v16  }
0x1e3: {  	v22 =	vmul.f32 v22, v32;
	v43 =	vld [tilespmem:s17+$0x11570];
	v34 =	vmul.f32 v54, v33;
	[tilespmem:s17+$0x4970] =	vst v30;
	v26 =	vadd.f32 v38, v26  }
0x1e4: {  	v28 =	vmul.f32 v28, v32;
	v61 =	vld [tilespmem:s17+$0x10500];
	v40 =	vmul.f32 v48, v33;
	v24 =	vadd.f32 v36, v24;
	[tilespmem:s17+$0x4510] =	vst v16  }
0x1e5: {  	v27 =	vmul.f32 v27, v32;
	v63 =	vld [tilespmem:s17+$0x10170];
	v39 =	vmul.f32 v49, v33;
	v22 =	vadd.f32 v34, v22;
	[tilespmem:s17+$0x4930] =	vst v26  }
0x1e6: {  	v25 =	vmul.f32 v25, v32;
	v46 =	vld [tilespmem:s17+$0x5550];
	v37 =	vmul.f32 v51, v33;
	v28 =	vadd.f32 v40, v28;
	[tilespmem:s17+$0x4910] =	vst v24  }
0x1e7: {  	v23 =	vmul.f32 v23, v32;
	v50 =	vld [tilespmem:s17+$0x10100];
	v35 =	vmul.f32 v53, v33;
	v27 =	vadd.f32 v39, v27;
	[tilespmem:s17+$0x4570] =	vst v22  }
0x1e8: {  	v20 =	vmul.f32 v20, v32;
	v48 =	vld [tilespmem:s17+$0x5560];
	v30 =	vmul.f32 v56, v33;
	v25 =	vadd.f32 v37, v25;
	[tilespmem:s17+$0x4950] =	vst v28  }
0x1e9: {  	v19 =	vmul.f32 v19, v32;
	v51 =	vld [tilespmem:s17+$0x4100];
	v23 =	vadd.f32 v35, v23;
	v35 =	vmul.f32 v57, v33;
	[tilespmem:s17+$0x4940] =	vst v27  }
0x1ea: {  	v18 =	vmul.f32 v18, v32;
	v34 =	vld [tilespmem:s17+$0x10160];
	v37 =	vmul.f32 v58, v33;
	v20 =	vadd.f32 v30, v20;
	[tilespmem:s17+$0x4920] =	vst v25  }
0x1eb: {  	v17 =	vmul.f32 v17, v32;
	v36 =	vld [tilespmem:s17+$0x11540];
	v39 =	vmul.f32 v59, v33;
	[tilespmem:s17+$0x4900] =	vst v23;
	v19 =	vadd.f32 v35, v19  }
0x1ec: {  	v15 =	vmul.f32 v15, v32;
	v38 =	vld [tilespmem:s17+$0x11550];
	v42 =	vmul.f32 v61, v33;
	v18 =	vadd.f32 v37, v18;
	[tilespmem:s17+$0x4550] =	vst v20  }
0x1ed: {  	v14 =	vmul.f32 v14, v32;
	v40 =	vld [tilespmem:s17+$0x11560];
	v44 =	vmul.f32 v63, v33;
	v17 =	vadd.f32 v39, v17;
	[tilespmem:s17+$0x4540] =	vst v19  }
0x1ee: {  	v49 =	vld [tilespmem:s17+$0x5570];
	v15 =	vadd.f32 v42, v15;
	v10 =	vmul.f32 v50, v33;
	v61 =	vmul.f32 v51, v32;
	[tilespmem:s17+$0x4530] =	vst v18  }
0x1ef: {  	v13 =	vmul.f32 v13, v32;
	v14 =	vadd.f32 v44, v14;
	[tilespmem:s17+$0x4520] =	vst v17;
	v47 =	vmul.f32 v34, v33  }
0x1f0: {  	v52 =	vmul.f32 v45, v32;
	[tilespmem:s17+$0x4500] =	vst v15;
	v53 =	vmul.f32 v36, v33;
	v63 =	vadd.f32 v10, v61  }
0x1f1: {  	v54 =	vmul.f32 v46, v32;
	[tilespmem:s17+$0x4170] =	vst v14;
	v55 =	vmul.f32 v38, v33;
	v13 =	vadd.f32 v47, v13  }
0x1f2: {  	v56 =	vmul.f32 v48, v32;
	v58 =	vmul.f32 v40, v33;
	v57 =	vadd.f32 v53, v52;
	[tilespmem:s17+$0x4100] =	vst v63  }
0x1f3: {  	v60 =	vmul.f32 v43, v33;
	v59 =	vmul.f32 v49, v32;
	v3 =	vadd.f32 v55, v54;
	[tilespmem:s17+$0x4160] =	vst v13  }
0x1f4: {  	v62 =	vadd.f32 v58, v56;
	[tilespmem:s17+$0x5540] =	vst v57  }
0x1f5: {  	s1 =	sadd.s32 $0x1, s1;
	[tilespmem:s17+$0x5550] =	vst v3;
	v3 =	vadd.f32 v60, v59  }
0x1f6: {  	p0 =	sne.s32 s1, s11;
	[tilespmem:s17+$0x5560] =	vst v62  }
.Ltmp1:
0x1f7: {  	[tilespmem:s17+$0x5570] =	vst v3;
	(pc) =	sbr.rel @p0 .LBB2_1-.Ltmp1, $4  }
0x1f8: {  	[hbm4b:s10+s2] =	stream.linear.scatter [tilespmem:s15], [sflag:$0x7], $0xC000, $0x38;
	[tilespmem:$0x1C100] =	vst v63  }
0x1f9: {  	_ =	swait.ge [sflag:s0], $0xC000  }
0x1fa: {  	[sflag:s0] =	ssyncset.done $0x0  }
0x1fb: {  	[sflag:s0] =	ssyncadd.s32 $0xFFFF4000  }
0x1fc: {  	_ =	sfence.sel $0x180000  }
0x1fd: {  	[bflag:$0x0] =	sbarrier.arrive $0xFFFF  }
0x1fe: {  	_ =	strace $0x9000004A  }
0x1ff: {  	s0 =	stileid.u32;
	[bflag:$0x2] =	sbarrier.arrive $0xFFFF  }
0x200: {  	p0 =	sne.s32 s0, $0x0;
	s0 =	rddreg [dreg:$0x2]  }
0x201: {  	s0 =	sadd.s32 @!p0 $0x100000, s0  }
0x202: {  	[sflag:s0] =	ssyncadd.tile.s32 @!p0 $0x1;
	_ =	shalt  }
.Lfunc_end2:
_tile_overlayer_lowered:
.L_overlay_start_2:
0x203: {  	(tag) =	ssettag $0x2  }
0x204: {  	s0 =	rddreg [dreg:$0x0];
	s2 =	stileid.u32  }
0x205: {  	s1 =	rddreg [dreg:$0x1];
	p0 =	sne.s32 s2, $0x0  }
0x206: {  	s3 =	rddreg [dreg:$0x2];
	[bflag:$0x3] =	sbarrier.arrive $0xFFFF;
	s2 =	simm.s32 @!p0 $0x1C07  }
0x207: {  	[timem:s3], [sflag:s2] =	dma.local @!p0 [hbm:s0], s1  }
0x208: {  	s0 =	simm.s32 @!p0 $0x7  }
0x209: {  	_ =	swait.ge @!p0 [sflag:s0], s1  }
0x20a: {  	s1 =	ssub.s32 @!p0 $0x0, s1;
	[sflag:s0] =	ssyncset.done @!p0 $0x0  }
0x20b: {  	[sflag:s0] =	ssyncadd.s32 @!p0 s1  }
0x20c: {  	[bflag:$0x3] =	sbarrier.arrive $0xFFFF  }
0x20d: {  	_ =	shalt  }

</sc_bundles>
